<compile_context>
chip_gen: v7x
topology: tpu7x:2x2x1
jax: 0.10.2.dev20260603
libtpu: 0.0.44.dev20260713+nightly
codegen_flags: <defaults>
</compile_context>

<pallas_src>
import functools

import jax
import jax.numpy as jnp
from jax import lax
from jax.experimental import pallas as pl
from jax.experimental.pallas import tpu as pltpu
from jax.experimental.pallas import tpu_sc as plsc

BATCH = 16384
EDIM = 64
ROW = 2 * EDIM
NC = 2
NS = 16
NW = NC * NS
CHUNK = 128
NCHUNKS = BATCH // CHUNK
NCH = NCHUNKS // NW
LANES = 16
NSLOT = 3
NG = EDIM // LANES

_f32 = jnp.float32


def _pack_body(umf_t, umlp_t, imf_t, imlp_t, wpm, out_u, out_i):
  out_u[:, :EDIM] = umf_t[...].T * wpm[...]
  out_u[:, EDIM:] = umlp_t[...].T
  out_i[:, :EDIM] = imf_t[...].T
  out_i[:, EDIM:] = imlp_t[...].T


def _pack_tables(user_mf, user_mlp, item_mf, item_mlp, wpm):
  v = user_mf.shape[0]
  vblk = 512
  grid = (v + vblk - 1) // vblk
  tab = jax.ShapeDtypeStruct((v, ROW), _f32)
  tspec = pl.BlockSpec((EDIM, vblk), lambda i: (0, i))
  return pl.pallas_call(
      _pack_body,
      grid=(grid,),
      in_specs=[tspec, tspec, tspec, tspec,
                pl.BlockSpec((1, EDIM), lambda i: (0, 0))],
      out_specs=[pl.BlockSpec((vblk, ROW), lambda i: (i, 0))] * 2,
      out_shape=[tab, tab],
  )(user_mf.T, user_mlp.T, item_mf.T, item_mlp.T, wpm)


def _sc_gather_body(user_hbm, item_hbm, utab, itab, out_x, out_mfp,
                    idx_u, idx_i, buf_u, buf_i, mfp_v, sem, wsem):
  wid = lax.axis_index("s") * NC + lax.axis_index("c")
  r0 = wid * NCH
  pltpu.sync_copy(user_hbm.at[pl.ds(r0, NCH)], idx_u)
  pltpu.sync_copy(item_hbm.at[pl.ds(r0, NCH)], idx_i)
  i16 = lax.iota(jnp.int32, LANES)
  lane_hi = i16 // 8
  lane_lo = i16 % 8
  zero16 = i16 * 0

  def fire_gather(j):
    s = j % NSLOT
    return (pltpu.async_copy(utab.at[idx_u.at[j]], buf_u.at[s], sem),
            pltpu.async_copy(itab.at[idx_i.at[j]], buf_i.at[s], sem))

  def fire_writes(j):
    s = j % NSLOT
    return (pltpu.async_copy(buf_u.at[s, :, pl.ds(EDIM, EDIM)],
                             out_x.at[r0 + j, :, pl.ds(0, EDIM)], wsem),
            pltpu.async_copy(buf_i.at[s, :, pl.ds(EDIM, EDIM)],
                             out_x.at[r0 + j, :, pl.ds(EDIM, EDIM)], wsem))

  g = {}
  for j in range(min(NSLOT, NCH)):
    g[j] = fire_gather(j)
  w = {}
  for j in range(NCH):
    s = j % NSLOT
    g[j][0].wait()
    g[j][1].wait()
    nxt = NSLOT + j - 1
    if j >= 1 and nxt < NCH:
      w[j - 1][0].wait()
      w[j - 1][1].wait()
      g[nxt] = fire_gather(nxt)

    def mf_row(r, c):
      acc = (buf_u[s, r, pl.ds(0, LANES)] * buf_i[s, r, pl.ds(0, LANES)])
      for k in range(1, NG):
        acc += (buf_u[s, r, pl.ds(k * LANES, LANES)]
                * buf_i[s, r, pl.ds(k * LANES, LANES)])
      plsc.store_scatter(mfp_v, [i16 + j * LANES, zero16 + r], acc)
      return c

    lax.fori_loop(0, CHUNK, mf_row, 0, unroll=4)
    w[j] = fire_writes(j)
  tail = pltpu.async_copy(mfp_v, out_mfp.at[pl.ds(r0 * LANES, NCH * LANES)],
                          wsem)
  for j in range(max(0, NCH - NSLOT), NCH):
    w[j][0].wait()
    w[j][1].wait()
  tail.wait()


def _sc_gather(user2d, item2d, utab, itab):
  mesh = plsc.VectorSubcoreMesh(core_axis_name="c", subcore_axis_name="s")
  fn = functools.partial(
      pl.kernel,
      mesh=mesh,
      out_type=[jax.ShapeDtypeStruct((NCHUNKS, CHUNK, ROW), _f32),
                jax.ShapeDtypeStruct((NCHUNKS * LANES, CHUNK), _f32)],
      scratch_types=[
          pltpu.VMEM((NCH, CHUNK), jnp.int32),
          pltpu.VMEM((NCH, CHUNK), jnp.int32),
          pltpu.VMEM((NSLOT, CHUNK, ROW), _f32),
          pltpu.VMEM((NSLOT, CHUNK, ROW), _f32),
          pltpu.VMEM((NCH * LANES, CHUNK), _f32),
          pltpu.SemaphoreType.DMA,
          pltpu.SemaphoreType.DMA,
      ],
      compiler_params=pltpu.CompilerParams(use_tc_tiling_on_sc=False,
                                           needs_layout_passes=False),
  )(_sc_gather_body)
  return fn(user2d, item2d, utab, itab)


def _tc_body(xref, mfpref, w1, b1, w2, b2, wph, bp, out):
  x = xref[...]
  h1 = lax.dot_general(x, w1[...], (((1,), (1,)), ((), ())),
                       preferred_element_type=_f32)
  h1 = jnp.maximum(h1 + b1[...], 0.0)
  h2 = lax.dot_general(h1, w2[...], (((1,), (1,)), ((), ())),
                       preferred_element_type=_f32)
  h2 = jnp.maximum(h2 + b2[...], 0.0)
  s = jnp.sum(h2 * wph[...], axis=1, keepdims=True)
  m4 = mfpref[...]
  smf = jnp.sum(jnp.sum(m4, axis=1), axis=1)
  nrow = out.shape[1]
  logit = s.reshape(nrow, CHUNK) + smf + bp[...]
  out[...] = jax.nn.sigmoid(logit).reshape(out.shape)


def _tc_mlp(xrows, mfp, W1, b1, W2, b2, wph, bp):
  blk = 2048
  grid = BATCH // blk
  out2 = pl.pallas_call(
      _tc_body,
      grid=(grid,),
      in_specs=[pl.BlockSpec((blk, ROW), lambda i: (i, 0)),
                pl.BlockSpec((blk // CHUNK, 2, 8, CHUNK),
                             lambda i: (i, 0, 0, 0)),
                pl.BlockSpec((128, 128), lambda i: (0, 0)),
                pl.BlockSpec((1, 128), lambda i: (0, 0)),
                pl.BlockSpec((64, 128), lambda i: (0, 0)),
                pl.BlockSpec((1, 64), lambda i: (0, 0)),
                pl.BlockSpec((1, 64), lambda i: (0, 0)),
                pl.BlockSpec((1, 1), lambda i: (0, 0))],
      out_specs=pl.BlockSpec((1, blk // CHUNK, CHUNK), lambda i: (i, 0, 0)),
      out_shape=jax.ShapeDtypeStruct((grid, blk // CHUNK, CHUNK), _f32),
  )(xrows, mfp, W1, b1, W2, b2, wph, bp)
  return out2.reshape(BATCH)


def kernel(user, item, user_mf, item_mf, user_mlp, item_mlp,
           W1, b1, W2, b2, Wp, bp):
  user2d = user.astype(jnp.int32).reshape(NCHUNKS, CHUNK)
  item2d = item.astype(jnp.int32).reshape(NCHUNKS, CHUNK)
  wp = Wp.reshape(128)
  wpm = wp[:EDIM].reshape(1, EDIM)
  wph = wp[EDIM:].reshape(1, EDIM)
  utab, itab = _pack_tables(user_mf, user_mlp, item_mf, item_mlp, wpm)
  xrows3, mfp2 = _sc_gather(user2d, item2d, utab, itab)
  mfp4 = mfp2.reshape(NCHUNKS, 2, 8, CHUNK)
  xrows = xrows3.reshape(BATCH, ROW)
  return _tc_mlp(xrows, mfp4, W1, b1.reshape(1, 128), W2, b2.reshape(1, 64),
                 wph, bp.reshape(1, 1))

# --- scband reference (transcript-rebuilt; emitter-appended) ---
"""Pipeline reference for scband-neu-mf-42167988912455 (READ-ONLY COPY).

The authoritative reference and input builder live on the scoring server;
editing this copy changes nothing except your own understanding.
"""

import jax, jax.numpy as jnp
import numpy as np

VOCAB = 9999
EDIM = 64
BATCH = 16384

def setup_inputs(seed: int = 0) -> dict:
    key = jax.random.key(seed)
    ks = jax.random.split(key, 12)
    user = jax.random.randint(ks[0], (BATCH,), 0, VOCAB)
    item = jax.random.randint(ks[1], (BATCH,), 0, VOCAB)
    user_mf = jax.random.normal(ks[2], (VOCAB, EDIM), dtype=jnp.float32) * 0.01
    item_mf = jax.random.normal(ks[3], (VOCAB, EDIM), dtype=jnp.float32) * 0.01
    user_mlp = jax.random.normal(ks[4], (VOCAB, EDIM), dtype=jnp.float32) * 0.01
    item_mlp = jax.random.normal(ks[5], (VOCAB, EDIM), dtype=jnp.float32) * 0.01
    W1 = jax.random.normal(ks[6], (128, 128), dtype=jnp.float32) * (1.0 / np.sqrt(128))
    b1 = jnp.zeros((128,), dtype=jnp.float32)
    W2 = jax.random.normal(ks[7], (64, 128), dtype=jnp.float32) * (1.0 / np.sqrt(128))
    b2 = jnp.zeros((64,), dtype=jnp.float32)
    Wp = jax.random.normal(ks[8], (1, 128), dtype=jnp.float32) * (1.0 / np.sqrt(128))
    bp = jnp.zeros((1,), dtype=jnp.float32)
    return {"user": user, "item": item, "user_mf": user_mf, "item_mf": item_mf,
            "user_mlp": user_mlp, "item_mlp": item_mlp, "W1": W1, "b1": b1,
            "W2": W2, "b2": b2, "Wp": Wp, "bp": bp}

def reference(user, item, user_mf, item_mf, user_mlp, item_mlp, W1, b1, W2, b2, Wp, bp):
    # Embedding lookups (SparseCore gather)
    user_mf_e = jnp.take(user_mf, user, axis=0)
    item_mf_e = jnp.take(item_mf, item, axis=0)
    user_mlp_e = jnp.take(user_mlp, user, axis=0)
    item_mlp_e = jnp.take(item_mlp, item, axis=0)
    mf_output = user_mf_e * item_mf_e
    # MLP tower (dropout is identity at inference)
    h = jnp.concatenate((user_mlp_e, item_mlp_e), axis=-1)
    h = jax.nn.relu(h @ W1.T + b1)
    h = jax.nn.relu(h @ W2.T + b2)
    mlp_output = h
    out = jnp.concatenate((mf_output, mlp_output), axis=-1) @ Wp.T + bp
    out = jax.nn.sigmoid(out)
    return jnp.squeeze(out, axis=-1)

if __name__ == "__main__":
    import jax
    _d = setup_inputs()
    print(jax.jit(kernel)(*tuple(_d.values())))

</pallas_src>

<mosaic_0001>
#map = affine_map<(d0, d1) -> (0, 0)>
#map1 = affine_map<(d0, d1) -> (0, 0, 0)>
module attributes {stable_mosaic.version = 14 : i64} {
  func.func @_sc_gather_body(%arg0: i32, %arg1: i32, %arg2: memref<128x128xi32, #tpu.memory_space<hbm>>, %arg3: memref<128x128xi32, #tpu.memory_space<hbm>>, %arg4: memref<9999x128xf32, #tpu.memory_space<hbm>>, %arg5: memref<9999x128xf32, #tpu.memory_space<hbm>>, %arg6: memref<128x128x128xf32, #tpu.memory_space<hbm>>, %arg7: memref<2048x128xf32, #tpu.memory_space<hbm>>, %arg8: memref<4x128xi32, #tpu.memory_space<vmem>>, %arg9: memref<4x128xi32, #tpu.memory_space<vmem>>, %arg10: memref<3x128x128xf32, #tpu.memory_space<vmem>>, %arg11: memref<3x128x128xf32, #tpu.memory_space<vmem>>, %arg12: memref<64x128xf32, #tpu.memory_space<vmem>>, %arg13: memref<!tpu.dma_semaphore, #tpu.memory_space<semaphore_mem>>, %arg14: memref<!tpu.dma_semaphore, #tpu.memory_space<semaphore_mem>>) attributes {dimension_semantics = [#tpu.dimension_semantics<core_parallel>, #tpu.dimension_semantics<subcore_parallel>], iteration_bounds = array<i64: 2, 16>, scalar_prefetch = 0 : i64, scratch_operands = 7 : i64, tpu.core_type = #tpu.core_type<sc_vector_subcore>, window_params = [{transform_indices = #map}, {transform_indices = #map}, {transform_indices = #map}, {transform_indices = #map}, {transform_indices = #map1}, {transform_indices = #map}]} {
    %mul3A = arith.constant 2 : i32
    %mul3A_0 = arith.muli %arg1, %mul3A : i32
    %add3A = arith.addi %mul3A_0, %arg0 : i32
    %mul3A_1 = arith.constant 4 : i32
    %mul3A_2 = arith.muli %add3A, %mul3A_1 : i32
    "tpu.region"() ({
      %run_scoped3A = tpu.sem_alloc : memref<!tpu.dma_semaphore, #tpu.memory_space<semaphore_mem>>
      %dma_start3A_560 = arith.constant 0 : i32
      %dma_start3A_561 = tpu.memref_slice %arg2[%mul3A_2, %dma_start3A_560] : memref<128x128xi32, #tpu.memory_space<hbm>> -> memref<4x128xi32, #tpu.memory_space<hbm>>
      %dma_start3A_562 = arith.constant 0 : i32
      %dma_start3A_563 = tpu.memref_slice %arg2[%mul3A_2, %dma_start3A_562] : memref<128x128xi32, #tpu.memory_space<hbm>> -> memref<4x128xi32, #tpu.memory_space<hbm>>
      tpu.enqueue_dma source(%dma_start3A_563 : memref<4x128xi32, #tpu.memory_space<hbm>>) target(%arg8 : memref<4x128xi32, #tpu.memory_space<vmem>>) target_semaphore(%run_scoped3A : memref<!tpu.dma_semaphore, #tpu.memory_space<semaphore_mem>>)
      %dma_wait3A_564 = arith.constant 0 : i32
      %dma_wait3A_565 = tpu.memref_slice %arg2[%mul3A_2, %dma_wait3A_564] : memref<128x128xi32, #tpu.memory_space<hbm>> -> memref<4x128xi32, #tpu.memory_space<hbm>>
      %dma_wait3A_566 = arith.constant 0 : i32
      %dma_wait3A_567 = tpu.memref_slice %arg2[%mul3A_2, %dma_wait3A_566] : memref<128x128xi32, #tpu.memory_space<hbm>> -> memref<4x128xi32, #tpu.memory_space<hbm>>
      tpu.wait_dma2 semaphore(%run_scoped3A : memref<!tpu.dma_semaphore, #tpu.memory_space<semaphore_mem>>) src(%dma_wait3A_567 : memref<4x128xi32, #tpu.memory_space<hbm>>) dst(%arg8 : memref<4x128xi32, #tpu.memory_space<vmem>>)
      tpu.yield
    }) : () -> ()
    "tpu.region"() ({
      %run_scoped3A = tpu.sem_alloc : memref<!tpu.dma_semaphore, #tpu.memory_space<semaphore_mem>>
      %dma_start3A_560 = arith.constant 0 : i32
      %dma_start3A_561 = tpu.memref_slice %arg3[%mul3A_2, %dma_start3A_560] : memref<128x128xi32, #tpu.memory_space<hbm>> -> memref<4x128xi32, #tpu.memory_space<hbm>>
      %dma_start3A_562 = arith.constant 0 : i32
      %dma_start3A_563 = tpu.memref_slice %arg3[%mul3A_2, %dma_start3A_562] : memref<128x128xi32, #tpu.memory_space<hbm>> -> memref<4x128xi32, #tpu.memory_space<hbm>>
      tpu.enqueue_dma source(%dma_start3A_563 : memref<4x128xi32, #tpu.memory_space<hbm>>) target(%arg9 : memref<4x128xi32, #tpu.memory_space<vmem>>) target_semaphore(%run_scoped3A : memref<!tpu.dma_semaphore, #tpu.memory_space<semaphore_mem>>)
      %dma_wait3A_564 = arith.constant 0 : i32
      %dma_wait3A_565 = tpu.memref_slice %arg3[%mul3A_2, %dma_wait3A_564] : memref<128x128xi32, #tpu.memory_space<hbm>> -> memref<4x128xi32, #tpu.memory_space<hbm>>
      %dma_wait3A_566 = arith.constant 0 : i32
      %dma_wait3A_567 = tpu.memref_slice %arg3[%mul3A_2, %dma_wait3A_566] : memref<128x128xi32, #tpu.memory_space<hbm>> -> memref<4x128xi32, #tpu.memory_space<hbm>>
      tpu.wait_dma2 semaphore(%run_scoped3A : memref<!tpu.dma_semaphore, #tpu.memory_space<semaphore_mem>>) src(%dma_wait3A_567 : memref<4x128xi32, #tpu.memory_space<hbm>>) dst(%arg9 : memref<4x128xi32, #tpu.memory_space<vmem>>)
      tpu.yield
    }) : () -> ()
    %iota3A = tpu.iota {dimensions = array<i32: 0>} : vector<16xi32>
    %jit3A = arith.constant 8 : i32
    %div3A = vector.broadcast %jit3A : i32 to vector<16xi32>
    %div3A_3 = arith.divsi %iota3A, %div3A : vector<16xi32>
    %sign3A = arith.constant 0 : i32
    %sign3A_4 = vector.broadcast %sign3A : i32 to vector<16xi32>
    %sign3A_5 = arith.cmpi sgt, %iota3A, %sign3A_4 : vector<16xi32>
    %sign3A_6 = arith.extui %sign3A_5 : vector<16xi1> to vector<16xi32>
    %sign3A_7 = arith.constant 0 : i32
    %sign3A_8 = vector.broadcast %sign3A_7 : i32 to vector<16xi32>
    %sign3A_9 = arith.cmpi slt, %iota3A, %sign3A_8 : vector<16xi32>
    %sign3A_10 = arith.extui %sign3A_9 : vector<16xi1> to vector<16xi32>
    %sign3A_11 = arith.subi %sign3A_6, %sign3A_10 : vector<16xi32>
    %sign3A_12 = arith.constant 0 : i32
    %sign3A_13 = arith.cmpi sgt, %jit3A, %sign3A_12 : i32
    %sign3A_14 = arith.extui %sign3A_13 : i1 to i32
    %sign3A_15 = arith.constant 0 : i32
    %sign3A_16 = arith.cmpi slt, %jit3A, %sign3A_15 : i32
    %sign3A_17 = arith.extui %sign3A_16 : i1 to i32
    %sign3A_18 = arith.subi %sign3A_14, %sign3A_17 : i32
    %ne3A = vector.broadcast %sign3A_18 : i32 to vector<16xi32>
    %ne3A_19 = arith.cmpi ne, %sign3A_11, %ne3A : vector<16xi32>
    %rem3A = vector.broadcast %jit3A : i32 to vector<16xi32>
    %rem3A_20 = arith.remsi %iota3A, %rem3A : vector<16xi32>
    %ne3A_21 = arith.constant 0 : i32
    %ne3A_22 = vector.broadcast %ne3A_21 : i32 to vector<16xi32>
    %ne3A_23 = arith.cmpi ne, %rem3A_20, %ne3A_22 : vector<16xi32>
    %and3A = arith.andi %ne3A_19, %ne3A_23 : vector<16xi1>
    %sub3A = arith.constant 1 : i32
    %sub3A_24 = vector.broadcast %sub3A : i32 to vector<16xi32>
    %sub3A_25 = arith.subi %div3A_3, %sub3A_24 : vector<16xi32>
    %select_n3A = arith.select %and3A, %sub3A_25, %div3A_3 : vector<16xi1>, vector<16xi32>
    %jit3A_26 = arith.constant 8 : i32
    %eq3A = arith.constant 0 : i32
    %eq3A_27 = arith.cmpi eq, %jit3A_26, %eq3A : i32
    %jit3A_28 = arith.constant 1 : i32
    %select_n3A_29 = arith.select %eq3A_27, %jit3A_28, %jit3A_26 : i32
    %rem3A_30 = vector.broadcast %select_n3A_29 : i32 to vector<16xi32>
    %rem3A_31 = arith.remsi %iota3A, %rem3A_30 : vector<16xi32>
    %ne3A_32 = arith.constant 0 : i32
    %ne3A_33 = vector.broadcast %ne3A_32 : i32 to vector<16xi32>
    %ne3A_34 = arith.cmpi ne, %rem3A_31, %ne3A_33 : vector<16xi32>
    %lt3A = arith.constant 0 : i32
    %lt3A_35 = vector.broadcast %lt3A : i32 to vector<16xi32>
    %lt3A_36 = arith.cmpi slt, %rem3A_31, %lt3A_35 : vector<16xi32>
    %lt3A_37 = arith.constant 0 : i32
    %lt3A_38 = arith.cmpi slt, %select_n3A_29, %lt3A_37 : i32
    %ne3A_39 = vector.broadcast %lt3A_38 : i1 to vector<16xi1>
    %ne3A_40 = vector.broadcast %ne3A_39 : vector<16xi1> to vector<16xi1>
    %ne3A_41 = arith.xori %lt3A_36, %ne3A_40 : vector<16xi1>
    %and3A_42 = arith.andi %ne3A_41, %ne3A_34 : vector<16xi1>
    %add3A_43 = vector.broadcast %select_n3A_29 : i32 to vector<16xi32>
    %add3A_44 = arith.addi %rem3A_31, %add3A_43 : vector<16xi32>
    %select_n3A_45 = arith.select %and3A_42, %add3A_44, %rem3A_31 : vector<16xi1>, vector<16xi32>
    %mul3A_46 = arith.constant 0 : i32
    %mul3A_47 = vector.broadcast %mul3A_46 : i32 to vector<16xi32>
    %mul3A_48 = arith.muli %iota3A, %mul3A_47 : vector<16xi32>
    %dma_start3A = arith.constant 0 : i32
    %dma_start3A_49 = arith.constant 0 : i32
    %dma_start3A_50 = arith.constant 0 : i32
    %dma_start3A_51 = arith.constant 0 : i32
    %dma_start3A_52 = tpu.memref_slice %arg10[%dma_start3A_49, %dma_start3A_50, %dma_start3A_51] : memref<3x128x128xf32, #tpu.memory_space<vmem>> -> memref<1x128x128xf32, #tpu.memory_space<vmem>>
    %dma_start3A_53 = tpu.memref_squeeze %dma_start3A_52 : memref<1x128x128xf32, #tpu.memory_space<vmem>> -> memref<128x128xf32, #tpu.memory_space<vmem>>
    %dma_start3A_54 = arith.constant 0 : i32
    %dma_start3A_55 = tpu.memref_slice %arg8[%dma_start3A, %dma_start3A_54] : memref<4x128xi32, #tpu.memory_space<vmem>> -> memref<1x128xi32, #tpu.memory_space<vmem>>
    %dma_start3A_56 = tpu.memref_squeeze %dma_start3A_55 : memref<1x128xi32, #tpu.memory_space<vmem>> -> memref<128xi32, #tpu.memory_space<vmem>>
    %dma_start3A_57 = arith.constant 0 : i32
    %dma_start3A_58 = arith.constant 0 : i32
    %dma_start3A_59 = tpu.memref_slice %arg4[%dma_start3A_57, %dma_start3A_58] : memref<9999x128xf32, #tpu.memory_space<hbm>> -> memref<9999x128xf32, #tpu.memory_space<hbm>>
    tpu.enqueue_indirect_dma source(%dma_start3A_59 : memref<9999x128xf32, #tpu.memory_space<hbm>>) target(%dma_start3A_53 : memref<128x128xf32, #tpu.memory_space<vmem>>) offsets(%dma_start3A_56 : memref<128xi32, #tpu.memory_space<vmem>>) semaphore(%arg13 : memref<!tpu.dma_semaphore, #tpu.memory_space<semaphore_mem>>)
    %dma_start3A_60 = arith.constant 0 : i32
    %dma_start3A_61 = arith.constant 0 : i32
    %dma_start3A_62 = arith.constant 0 : i32
    %dma_start3A_63 = arith.constant 0 : i32
    %dma_start3A_64 = tpu.memref_slice %arg11[%dma_start3A_61, %dma_start3A_62, %dma_start3A_63] : memref<3x128x128xf32, #tpu.memory_space<vmem>> -> memref<1x128x128xf32, #tpu.memory_space<vmem>>
    %dma_start3A_65 = tpu.memref_squeeze %dma_start3A_64 : memref<1x128x128xf32, #tpu.memory_space<vmem>> -> memref<128x128xf32, #tpu.memory_space<vmem>>
    %dma_start3A_66 = arith.constant 0 : i32
    %dma_start3A_67 = tpu.memref_slice %arg9[%dma_start3A_60, %dma_start3A_66] : memref<4x128xi32, #tpu.memory_space<vmem>> -> memref<1x128xi32, #tpu.memory_space<vmem>>
    %dma_start3A_68 = tpu.memref_squeeze %dma_start3A_67 : memref<1x128xi32, #tpu.memory_space<vmem>> -> memref<128xi32, #tpu.memory_space<vmem>>
    %dma_start3A_69 = arith.constant 0 : i32
    %dma_start3A_70 = arith.constant 0 : i32
    %dma_start3A_71 = tpu.memref_slice %arg5[%dma_start3A_69, %dma_start3A_70] : memref<9999x128xf32, #tpu.memory_space<hbm>> -> memref<9999x128xf32, #tpu.memory_space<hbm>>
    tpu.enqueue_indirect_dma source(%dma_start3A_71 : memref<9999x128xf32, #tpu.memory_space<hbm>>) target(%dma_start3A_65 : memref<128x128xf32, #tpu.memory_space<vmem>>) offsets(%dma_start3A_68 : memref<128xi32, #tpu.memory_space<vmem>>) semaphore(%arg13 : memref<!tpu.dma_semaphore, #tpu.memory_space<semaphore_mem>>)
    %dma_start3A_72 = arith.constant 1 : i32
    %dma_start3A_73 = arith.constant 1 : i32
    %dma_start3A_74 = arith.constant 0 : i32
    %dma_start3A_75 = arith.constant 0 : i32
    %dma_start3A_76 = tpu.memref_slice %arg10[%dma_start3A_73, %dma_start3A_74, %dma_start3A_75] : memref<3x128x128xf32, #tpu.memory_space<vmem>> -> memref<1x128x128xf32, #tpu.memory_space<vmem>>
    %dma_start3A_77 = tpu.memref_squeeze %dma_start3A_76 : memref<1x128x128xf32, #tpu.memory_space<vmem>> -> memref<128x128xf32, #tpu.memory_space<vmem>>
    %dma_start3A_78 = arith.constant 0 : i32
    %dma_start3A_79 = tpu.memref_slice %arg8[%dma_start3A_72, %dma_start3A_78] : memref<4x128xi32, #tpu.memory_space<vmem>> -> memref<1x128xi32, #tpu.memory_space<vmem>>
    %dma_start3A_80 = tpu.memref_squeeze %dma_start3A_79 : memref<1x128xi32, #tpu.memory_space<vmem>> -> memref<128xi32, #tpu.memory_space<vmem>>
    %dma_start3A_81 = arith.constant 0 : i32
    %dma_start3A_82 = arith.constant 0 : i32
    %dma_start3A_83 = tpu.memref_slice %arg4[%dma_start3A_81, %dma_start3A_82] : memref<9999x128xf32, #tpu.memory_space<hbm>> -> memref<9999x128xf32, #tpu.memory_space<hbm>>
    tpu.enqueue_indirect_dma source(%dma_start3A_83 : memref<9999x128xf32, #tpu.memory_space<hbm>>) target(%dma_start3A_77 : memref<128x128xf32, #tpu.memory_space<vmem>>) offsets(%dma_start3A_80 : memref<128xi32, #tpu.memory_space<vmem>>) semaphore(%arg13 : memref<!tpu.dma_semaphore, #tpu.memory_space<semaphore_mem>>)
    %dma_start3A_84 = arith.constant 1 : i32
    %dma_start3A_85 = arith.constant 1 : i32
    %dma_start3A_86 = arith.constant 0 : i32
    %dma_start3A_87 = arith.constant 0 : i32
    %dma_start3A_88 = tpu.memref_slice %arg11[%dma_start3A_85, %dma_start3A_86, %dma_start3A_87] : memref<3x128x128xf32, #tpu.memory_space<vmem>> -> memref<1x128x128xf32, #tpu.memory_space<vmem>>
    %dma_start3A_89 = tpu.memref_squeeze %dma_start3A_88 : memref<1x128x128xf32, #tpu.memory_space<vmem>> -> memref<128x128xf32, #tpu.memory_space<vmem>>
    %dma_start3A_90 = arith.constant 0 : i32
    %dma_start3A_91 = tpu.memref_slice %arg9[%dma_start3A_84, %dma_start3A_90] : memref<4x128xi32, #tpu.memory_space<vmem>> -> memref<1x128xi32, #tpu.memory_space<vmem>>
    %dma_start3A_92 = tpu.memref_squeeze %dma_start3A_91 : memref<1x128xi32, #tpu.memory_space<vmem>> -> memref<128xi32, #tpu.memory_space<vmem>>
    %dma_start3A_93 = arith.constant 0 : i32
    %dma_start3A_94 = arith.constant 0 : i32
    %dma_start3A_95 = tpu.memref_slice %arg5[%dma_start3A_93, %dma_start3A_94] : memref<9999x128xf32, #tpu.memory_space<hbm>> -> memref<9999x128xf32, #tpu.memory_space<hbm>>
    tpu.enqueue_indirect_dma source(%dma_start3A_95 : memref<9999x128xf32, #tpu.memory_space<hbm>>) target(%dma_start3A_89 : memref<128x128xf32, #tpu.memory_space<vmem>>) offsets(%dma_start3A_92 : memref<128xi32, #tpu.memory_space<vmem>>) semaphore(%arg13 : memref<!tpu.dma_semaphore, #tpu.memory_space<semaphore_mem>>)
    %dma_start3A_96 = arith.constant 2 : i32
    %dma_start3A_97 = arith.constant 2 : i32
    %dma_start3A_98 = arith.constant 0 : i32
    %dma_start3A_99 = arith.constant 0 : i32
    %dma_start3A_100 = tpu.memref_slice %arg10[%dma_start3A_97, %dma_start3A_98, %dma_start3A_99] : memref<3x128x128xf32, #tpu.memory_space<vmem>> -> memref<1x128x128xf32, #tpu.memory_space<vmem>>
    %dma_start3A_101 = tpu.memref_squeeze %dma_start3A_100 : memref<1x128x128xf32, #tpu.memory_space<vmem>> -> memref<128x128xf32, #tpu.memory_space<vmem>>
    %dma_start3A_102 = arith.constant 0 : i32
    %dma_start3A_103 = tpu.memref_slice %arg8[%dma_start3A_96, %dma_start3A_102] : memref<4x128xi32, #tpu.memory_space<vmem>> -> memref<1x128xi32, #tpu.memory_space<vmem>>
    %dma_start3A_104 = tpu.memref_squeeze %dma_start3A_103 : memref<1x128xi32, #tpu.memory_space<vmem>> -> memref<128xi32, #tpu.memory_space<vmem>>
    %dma_start3A_105 = arith.constant 0 : i32
    %dma_start3A_106 = arith.constant 0 : i32
    %dma_start3A_107 = tpu.memref_slice %arg4[%dma_start3A_105, %dma_start3A_106] : memref<9999x128xf32, #tpu.memory_space<hbm>> -> memref<9999x128xf32, #tpu.memory_space<hbm>>
    tpu.enqueue_indirect_dma source(%dma_start3A_107 : memref<9999x128xf32, #tpu.memory_space<hbm>>) target(%dma_start3A_101 : memref<128x128xf32, #tpu.memory_space<vmem>>) offsets(%dma_start3A_104 : memref<128xi32, #tpu.memory_space<vmem>>) semaphore(%arg13 : memref<!tpu.dma_semaphore, #tpu.memory_space<semaphore_mem>>)
    %dma_start3A_108 = arith.constant 2 : i32
    %dma_start3A_109 = arith.constant 2 : i32
    %dma_start3A_110 = arith.constant 0 : i32
    %dma_start3A_111 = arith.constant 0 : i32
    %dma_start3A_112 = tpu.memref_slice %arg11[%dma_start3A_109, %dma_start3A_110, %dma_start3A_111] : memref<3x128x128xf32, #tpu.memory_space<vmem>> -> memref<1x128x128xf32, #tpu.memory_space<vmem>>
    %dma_start3A_113 = tpu.memref_squeeze %dma_start3A_112 : memref<1x128x128xf32, #tpu.memory_space<vmem>> -> memref<128x128xf32, #tpu.memory_space<vmem>>
    %dma_start3A_114 = arith.constant 0 : i32
    %dma_start3A_115 = tpu.memref_slice %arg9[%dma_start3A_108, %dma_start3A_114] : memref<4x128xi32, #tpu.memory_space<vmem>> -> memref<1x128xi32, #tpu.memory_space<vmem>>
    %dma_start3A_116 = tpu.memref_squeeze %dma_start3A_115 : memref<1x128xi32, #tpu.memory_space<vmem>> -> memref<128xi32, #tpu.memory_space<vmem>>
    %dma_start3A_117 = arith.constant 0 : i32
    %dma_start3A_118 = arith.constant 0 : i32
    %dma_start3A_119 = tpu.memref_slice %arg5[%dma_start3A_117, %dma_start3A_118] : memref<9999x128xf32, #tpu.memory_space<hbm>> -> memref<9999x128xf32, #tpu.memory_space<hbm>>
    tpu.enqueue_indirect_dma source(%dma_start3A_119 : memref<9999x128xf32, #tpu.memory_space<hbm>>) target(%dma_start3A_113 : memref<128x128xf32, #tpu.memory_space<vmem>>) offsets(%dma_start3A_116 : memref<128xi32, #tpu.memory_space<vmem>>) semaphore(%arg13 : memref<!tpu.dma_semaphore, #tpu.memory_space<semaphore_mem>>)
    %dma_wait3A = arith.constant 0 : i32
    %dma_wait3A_120 = arith.constant 0 : i32
    %dma_wait3A_121 = arith.constant 0 : i32
    %dma_wait3A_122 = arith.constant 0 : i32
    %dma_wait3A_123 = tpu.memref_slice %arg10[%dma_wait3A_120, %dma_wait3A_121, %dma_wait3A_122] : memref<3x128x128xf32, #tpu.memory_space<vmem>> -> memref<1x128x128xf32, #tpu.memory_space<vmem>>
    %dma_wait3A_124 = tpu.memref_squeeze %dma_wait3A_123 : memref<1x128x128xf32, #tpu.memory_space<vmem>> -> memref<128x128xf32, #tpu.memory_space<vmem>>
    %dma_wait3A_125 = arith.constant 0 : i32
    %dma_wait3A_126 = tpu.memref_slice %arg8[%dma_wait3A, %dma_wait3A_125] : memref<4x128xi32, #tpu.memory_space<vmem>> -> memref<1x128xi32, #tpu.memory_space<vmem>>
    %dma_wait3A_127 = tpu.memref_squeeze %dma_wait3A_126 : memref<1x128xi32, #tpu.memory_space<vmem>> -> memref<128xi32, #tpu.memory_space<vmem>>
    %dma_wait3A_128 = arith.constant 0 : i32
    %dma_wait3A_129 = arith.constant 0 : i32
    %dma_wait3A_130 = tpu.memref_slice %arg4[%dma_wait3A_128, %dma_wait3A_129] : memref<9999x128xf32, #tpu.memory_space<hbm>> -> memref<9999x128xf32, #tpu.memory_space<hbm>>
    tpu.wait_indirect_dma semaphore(%arg13 : memref<!tpu.dma_semaphore, #tpu.memory_space<semaphore_mem>>) src(%dma_wait3A_130 : memref<9999x128xf32, #tpu.memory_space<hbm>>) dst(%dma_wait3A_124 : memref<128x128xf32, #tpu.memory_space<vmem>>)
    %dma_wait3A_131 = arith.constant 0 : i32
    %dma_wait3A_132 = arith.constant 0 : i32
    %dma_wait3A_133 = arith.constant 0 : i32
    %dma_wait3A_134 = arith.constant 0 : i32
    %dma_wait3A_135 = tpu.memref_slice %arg11[%dma_wait3A_132, %dma_wait3A_133, %dma_wait3A_134] : memref<3x128x128xf32, #tpu.memory_space<vmem>> -> memref<1x128x128xf32, #tpu.memory_space<vmem>>
    %dma_wait3A_136 = tpu.memref_squeeze %dma_wait3A_135 : memref<1x128x128xf32, #tpu.memory_space<vmem>> -> memref<128x128xf32, #tpu.memory_space<vmem>>
    %dma_wait3A_137 = arith.constant 0 : i32
    %dma_wait3A_138 = tpu.memref_slice %arg9[%dma_wait3A_131, %dma_wait3A_137] : memref<4x128xi32, #tpu.memory_space<vmem>> -> memref<1x128xi32, #tpu.memory_space<vmem>>
    %dma_wait3A_139 = tpu.memref_squeeze %dma_wait3A_138 : memref<1x128xi32, #tpu.memory_space<vmem>> -> memref<128xi32, #tpu.memory_space<vmem>>
    %dma_wait3A_140 = arith.constant 0 : i32
    %dma_wait3A_141 = arith.constant 0 : i32
    %dma_wait3A_142 = tpu.memref_slice %arg5[%dma_wait3A_140, %dma_wait3A_141] : memref<9999x128xf32, #tpu.memory_space<hbm>> -> memref<9999x128xf32, #tpu.memory_space<hbm>>
    tpu.wait_indirect_dma semaphore(%arg13 : memref<!tpu.dma_semaphore, #tpu.memory_space<semaphore_mem>>) src(%dma_wait3A_142 : memref<9999x128xf32, #tpu.memory_space<hbm>>) dst(%dma_wait3A_136 : memref<128x128xf32, #tpu.memory_space<vmem>>)
    %scan3A = arith.constant 0 : i32
    %scan3A_143 = arith.constant 0 : i32
    %scan3A_144 = arith.constant 128 : i32
    %scan3A_145 = arith.addi %scan3A_143, %scan3A_144 : i32
    %scan3A_146 = arith.constant 4 : i32
    scf.for %scan3A_560 = %scan3A_143 to %scan3A_145 step %scan3A_146  : i32 {
      %get3A = arith.constant 0 : i32
      %get3A_561 = arith.index_cast %get3A : i32 to index
      %get3A_562 = arith.index_cast %scan3A_560 : i32 to index
      %get3A_563 = arith.constant 0 : index
      %get3A_564 = tpu.vector_load %arg10[%get3A_561, %get3A_562, %get3A_563] {strides = array<i32>} : memref<3x128x128xf32, #tpu.memory_space<vmem>>, vector<16xf32>,
      %get3A_565 = arith.constant 0 : i32
      %get3A_566 = arith.index_cast %get3A_565 : i32 to index
      %get3A_567 = arith.index_cast %scan3A_560 : i32 to index
      %get3A_568 = arith.constant 0 : index
      %get3A_569 = tpu.vector_load %arg11[%get3A_566, %get3A_567, %get3A_568] {strides = array<i32>} : memref<3x128x128xf32, #tpu.memory_space<vmem>>, vector<16xf32>,
      %mul3A_570 = arith.mulf %get3A_564, %get3A_569 : vector<16xf32>
      %get3A_571 = arith.constant 0 : i32
      %get3A_572 = arith.index_cast %get3A_571 : i32 to index
      %get3A_573 = arith.index_cast %scan3A_560 : i32 to index
      %get3A_574 = arith.constant 16 : index
      %get3A_575 = tpu.vector_load %arg10[%get3A_572, %get3A_573, %get3A_574] {strides = array<i32>} : memref<3x128x128xf32, #tpu.memory_space<vmem>>, vector<16xf32>,
      %get3A_576 = arith.constant 0 : i32
      %get3A_577 = arith.index_cast %get3A_576 : i32 to index
      %get3A_578 = arith.index_cast %scan3A_560 : i32 to index
      %get3A_579 = arith.constant 16 : index
      %get3A_580 = tpu.vector_load %arg11[%get3A_577, %get3A_578, %get3A_579] {strides = array<i32>} : memref<3x128x128xf32, #tpu.memory_space<vmem>>, vector<16xf32>,
      %mul3A_581 = arith.mulf %get3A_575, %get3A_580 : vector<16xf32>
      %add3A_582 = arith.addf %mul3A_570, %mul3A_581 : vector<16xf32>
      %get3A_583 = arith.constant 0 : i32
      %get3A_584 = arith.index_cast %get3A_583 : i32 to index
      %get3A_585 = arith.index_cast %scan3A_560 : i32 to index
      %get3A_586 = arith.constant 32 : index
      %get3A_587 = tpu.vector_load %arg10[%get3A_584, %get3A_585, %get3A_586] {strides = array<i32>} : memref<3x128x128xf32, #tpu.memory_space<vmem>>, vector<16xf32>,
      %get3A_588 = arith.constant 0 : i32
      %get3A_589 = arith.index_cast %get3A_588 : i32 to index
      %get3A_590 = arith.index_cast %scan3A_560 : i32 to index
      %get3A_591 = arith.constant 32 : index
      %get3A_592 = tpu.vector_load %arg11[%get3A_589, %get3A_590, %get3A_591] {strides = array<i32>} : memref<3x128x128xf32, #tpu.memory_space<vmem>>, vector<16xf32>,
      %mul3A_593 = arith.mulf %get3A_587, %get3A_592 : vector<16xf32>
      %add3A_594 = arith.addf %add3A_582, %mul3A_593 : vector<16xf32>
      %get3A_595 = arith.constant 0 : i32
      %get3A_596 = arith.index_cast %get3A_595 : i32 to index
      %get3A_597 = arith.index_cast %scan3A_560 : i32 to index
      %get3A_598 = arith.constant 48 : index
      %get3A_599 = tpu.vector_load %arg10[%get3A_596, %get3A_597, %get3A_598] {strides = array<i32>} : memref<3x128x128xf32, #tpu.memory_space<vmem>>, vector<16xf32>,
      %get3A_600 = arith.constant 0 : i32
      %get3A_601 = arith.index_cast %get3A_600 : i32 to index
      %get3A_602 = arith.index_cast %scan3A_560 : i32 to index
      %get3A_603 = arith.constant 48 : index
      %get3A_604 = tpu.vector_load %arg11[%get3A_601, %get3A_602, %get3A_603] {strides = array<i32>} : memref<3x128x128xf32, #tpu.memory_space<vmem>>, vector<16xf32>,
      %mul3A_605 = arith.mulf %get3A_599, %get3A_604 : vector<16xf32>
      %add3A_606 = arith.addf %add3A_594, %mul3A_605 : vector<16xf32>
      %add3A_607 = arith.constant 0 : i32
      %add3A_608 = vector.broadcast %add3A_607 : i32 to vector<16xi32>
      %add3A_609 = arith.addi %iota3A, %add3A_608 : vector<16xi32>
      %add3A_610 = vector.broadcast %scan3A_560 : i32 to vector<16xi32>
      %add3A_611 = arith.addi %mul3A_48, %add3A_610 : vector<16xi32>
      tpu.vector_store_idx %arg12[%add3A_609, %add3A_611], %add3A_606 : memref<64x128xf32, #tpu.memory_space<vmem>>[vector<16xi32>, vector<16xi32>], vector<16xf32>,
      %scan3A_612 = arith.constant 1 : i32
      %scan3A_613 = arith.addi %scan3A_560, %scan3A_612 : i32
      %get3A_614 = arith.constant 0 : i32
      %get3A_615 = arith.index_cast %get3A_614 : i32 to index
      %get3A_616 = arith.index_cast %scan3A_613 : i32 to index
      %get3A_617 = arith.constant 0 : index
      %get3A_618 = tpu.vector_load %arg10[%get3A_615, %get3A_616, %get3A_617] {strides = array<i32>} : memref<3x128x128xf32, #tpu.memory_space<vmem>>, vector<16xf32>,
      %get3A_619 = arith.constant 0 : i32
      %get3A_620 = arith.index_cast %get3A_619 : i32 to index
      %get3A_621 = arith.index_cast %scan3A_613 : i32 to index
      %get3A_622 = arith.constant 0 : index
      %get3A_623 = tpu.vector_load %arg11[%get3A_620, %get3A_621, %get3A_622] {strides = array<i32>} : memref<3x128x128xf32, #tpu.memory_space<vmem>>, vector<16xf32>,
      %mul3A_624 = arith.mulf %get3A_618, %get3A_623 : vector<16xf32>
      %get3A_625 = arith.constant 0 : i32
      %get3A_626 = arith.index_cast %get3A_625 : i32 to index
      %get3A_627 = arith.index_cast %scan3A_613 : i32 to index
      %get3A_628 = arith.constant 16 : index
      %get3A_629 = tpu.vector_load %arg10[%get3A_626, %get3A_627, %get3A_628] {strides = array<i32>} : memref<3x128x128xf32, #tpu.memory_space<vmem>>, vector<16xf32>,
      %get3A_630 = arith.constant 0 : i32
      %get3A_631 = arith.index_cast %get3A_630 : i32 to index
      %get3A_632 = arith.index_cast %scan3A_613 : i32 to index
      %get3A_633 = arith.constant 16 : index
      %get3A_634 = tpu.vector_load %arg11[%get3A_631, %get3A_632, %get3A_633] {strides = array<i32>} : memref<3x128x128xf32, #tpu.memory_space<vmem>>, vector<16xf32>,
      %mul3A_635 = arith.mulf %get3A_629, %get3A_634 : vector<16xf32>
      %add3A_636 = arith.addf %mul3A_624, %mul3A_635 : vector<16xf32>
      %get3A_637 = arith.constant 0 : i32
      %get3A_638 = arith.index_cast %get3A_637 : i32 to index
      %get3A_639 = arith.index_cast %scan3A_613 : i32 to index
      %get3A_640 = arith.constant 32 : index
      %get3A_641 = tpu.vector_load %arg10[%get3A_638, %get3A_639, %get3A_640] {strides = array<i32>} : memref<3x128x128xf32, #tpu.memory_space<vmem>>, vector<16xf32>,
      %get3A_642 = arith.constant 0 : i32
      %get3A_643 = arith.index_cast %get3A_642 : i32 to index
      %get3A_644 = arith.index_cast %scan3A_613 : i32 to index
      %get3A_645 = arith.constant 32 : index
      %get3A_646 = tpu.vector_load %arg11[%get3A_643, %get3A_644, %get3A_645] {strides = array<i32>} : memref<3x128x128xf32, #tpu.memory_space<vmem>>, vector<16xf32>,
      %mul3A_647 = arith.mulf %get3A_641, %get3A_646 : vector<16xf32>
      %add3A_648 = arith.addf %add3A_636, %mul3A_647 : vector<16xf32>
      %get3A_649 = arith.constant 0 : i32
      %get3A_650 = arith.index_cast %get3A_649 : i32 to index
      %get3A_651 = arith.index_cast %scan3A_613 : i32 to index
      %get3A_652 = arith.constant 48 : index
      %get3A_653 = tpu.vector_load %arg10[%get3A_650, %get3A_651, %get3A_652] {strides = array<i32>} : memref<3x128x128xf32, #tpu.memory_space<vmem>>, vector<16xf32>,
      %get3A_654 = arith.constant 0 : i32
      %get3A_655 = arith.index_cast %get3A_654 : i32 to index
      %get3A_656 = arith.index_cast %scan3A_613 : i32 to index
      %get3A_657 = arith.constant 48 : index
      %get3A_658 = tpu.vector_load %arg11[%get3A_655, %get3A_656, %get3A_657] {strides = array<i32>} : memref<3x128x128xf32, #tpu.memory_space<vmem>>, vector<16xf32>,
      %mul3A_659 = arith.mulf %get3A_653, %get3A_658 : vector<16xf32>
      %add3A_660 = arith.addf %add3A_648, %mul3A_659 : vector<16xf32>
      %add3A_661 = arith.constant 0 : i32
      %add3A_662 = vector.broadcast %add3A_661 : i32 to vector<16xi32>
      %add3A_663 = arith.addi %iota3A, %add3A_662 : vector<16xi32>
      %add3A_664 = vector.broadcast %scan3A_613 : i32 to vector<16xi32>
      %add3A_665 = arith.addi %mul3A_48, %add3A_664 : vector<16xi32>
      tpu.vector_store_idx %arg12[%add3A_663, %add3A_665], %add3A_660 : memref<64x128xf32, #tpu.memory_space<vmem>>[vector<16xi32>, vector<16xi32>], vector<16xf32>,
      %scan3A_666 = arith.constant 2 : i32
      %scan3A_667 = arith.addi %scan3A_560, %scan3A_666 : i32
      %get3A_668 = arith.constant 0 : i32
      %get3A_669 = arith.index_cast %get3A_668 : i32 to index
      %get3A_670 = arith.index_cast %scan3A_667 : i32 to index
      %get3A_671 = arith.constant 0 : index
      %get3A_672 = tpu.vector_load %arg10[%get3A_669, %get3A_670, %get3A_671] {strides = array<i32>} : memref<3x128x128xf32, #tpu.memory_space<vmem>>, vector<16xf32>,
      %get3A_673 = arith.constant 0 : i32
      %get3A_674 = arith.index_cast %get3A_673 : i32 to index
      %get3A_675 = arith.index_cast %scan3A_667 : i32 to index
      %get3A_676 = arith.constant 0 : index
      %get3A_677 = tpu.vector_load %arg11[%get3A_674, %get3A_675, %get3A_676] {strides = array<i32>} : memref<3x128x128xf32, #tpu.memory_space<vmem>>, vector<16xf32>,
      %mul3A_678 = arith.mulf %get3A_672, %get3A_677 : vector<16xf32>
      %get3A_679 = arith.constant 0 : i32
      %get3A_680 = arith.index_cast %get3A_679 : i32 to index
      %get3A_681 = arith.index_cast %scan3A_667 : i32 to index
      %get3A_682 = arith.constant 16 : index
      %get3A_683 = tpu.vector_load %arg10[%get3A_680, %get3A_681, %get3A_682] {strides = array<i32>} : memref<3x128x128xf32, #tpu.memory_space<vmem>>, vector<16xf32>,
      %get3A_684 = arith.constant 0 : i32
      %get3A_685 = arith.index_cast %get3A_684 : i32 to index
      %get3A_686 = arith.index_cast %scan3A_667 : i32 to index
      %get3A_687 = arith.constant 16 : index
      %get3A_688 = tpu.vector_load %arg11[%get3A_685, %get3A_686, %get3A_687] {strides = array<i32>} : memref<3x128x128xf32, #tpu.memory_space<vmem>>, vector<16xf32>,
      %mul3A_689 = arith.mulf %get3A_683, %get3A_688 : vector<16xf32>
      %add3A_690 = arith.addf %mul3A_678, %mul3A_689 : vector<16xf32>
      %get3A_691 = arith.constant 0 : i32
      %get3A_692 = arith.index_cast %get3A_691 : i32 to index
      %get3A_693 = arith.index_cast %scan3A_667 : i32 to index
      %get3A_694 = arith.constant 32 : index
      %get3A_695 = tpu.vector_load %arg10[%get3A_692, %get3A_693, %get3A_694] {strides = array<i32>} : memref<3x128x128xf32, #tpu.memory_space<vmem>>, vector<16xf32>,
      %get3A_696 = arith.constant 0 : i32
      %get3A_697 = arith.index_cast %get3A_696 : i32 to index
      %get3A_698 = arith.index_cast %scan3A_667 : i32 to index
      %get3A_699 = arith.constant 32 : index
      %get3A_700 = tpu.vector_load %arg11[%get3A_697, %get3A_698, %get3A_699] {strides = array<i32>} : memref<3x128x128xf32, #tpu.memory_space<vmem>>, vector<16xf32>,
      %mul3A_701 = arith.mulf %get3A_695, %get3A_700 : vector<16xf32>
      %add3A_702 = arith.addf %add3A_690, %mul3A_701 : vector<16xf32>
      %get3A_703 = arith.constant 0 : i32
      %get3A_704 = arith.index_cast %get3A_703 : i32 to index
      %get3A_705 = arith.index_cast %scan3A_667 : i32 to index
      %get3A_706 = arith.constant 48 : index
      %get3A_707 = tpu.vector_load %arg10[%get3A_704, %get3A_705, %get3A_706] {strides = array<i32>} : memref<3x128x128xf32, #tpu.memory_space<vmem>>, vector<16xf32>,
      %get3A_708 = arith.constant 0 : i32
      %get3A_709 = arith.index_cast %get3A_708 : i32 to index
      %get3A_710 = arith.index_cast %scan3A_667 : i32 to index
      %get3A_711 = arith.constant 48 : index
      %get3A_712 = tpu.vector_load %arg11[%get3A_709, %get3A_710, %get3A_711] {strides = array<i32>} : memref<3x128x128xf32, #tpu.memory_space<vmem>>, vector<16xf32>,
      %mul3A_713 = arith.mulf %get3A_707, %get3A_712 : vector<16xf32>
      %add3A_714 = arith.addf %add3A_702, %mul3A_713 : vector<16xf32>
      %add3A_715 = arith.constant 0 : i32
      %add3A_716 = vector.broadcast %add3A_715 : i32 to vector<16xi32>
      %add3A_717 = arith.addi %iota3A, %add3A_716 : vector<16xi32>
      %add3A_718 = vector.broadcast %scan3A_667 : i32 to vector<16xi32>
      %add3A_719 = arith.addi %mul3A_48, %add3A_718 : vector<16xi32>
      tpu.vector_store_idx %arg12[%add3A_717, %add3A_719], %add3A_714 : memref<64x128xf32, #tpu.memory_space<vmem>>[vector<16xi32>, vector<16xi32>], vector<16xf32>,
      %scan3A_720 = arith.constant 3 : i32
      %scan3A_721 = arith.addi %scan3A_560, %scan3A_720 : i32
      %get3A_722 = arith.constant 0 : i32
      %get3A_723 = arith.index_cast %get3A_722 : i32 to index
      %get3A_724 = arith.index_cast %scan3A_721 : i32 to index
      %get3A_725 = arith.constant 0 : index
      %get3A_726 = tpu.vector_load %arg10[%get3A_723, %get3A_724, %get3A_725] {strides = array<i32>} : memref<3x128x128xf32, #tpu.memory_space<vmem>>, vector<16xf32>,
      %get3A_727 = arith.constant 0 : i32
      %get3A_728 = arith.index_cast %get3A_727 : i32 to index
      %get3A_729 = arith.index_cast %scan3A_721 : i32 to index
      %get3A_730 = arith.constant 0 : index
      %get3A_731 = tpu.vector_load %arg11[%get3A_728, %get3A_729, %get3A_730] {strides = array<i32>} : memref<3x128x128xf32, #tpu.memory_space<vmem>>, vector<16xf32>,
      %mul3A_732 = arith.mulf %get3A_726, %get3A_731 : vector<16xf32>
      %get3A_733 = arith.constant 0 : i32
      %get3A_734 = arith.index_cast %get3A_733 : i32 to index
      %get3A_735 = arith.index_cast %scan3A_721 : i32 to index
      %get3A_736 = arith.constant 16 : index
      %get3A_737 = tpu.vector_load %arg10[%get3A_734, %get3A_735, %get3A_736] {strides = array<i32>} : memref<3x128x128xf32, #tpu.memory_space<vmem>>, vector<16xf32>,
      %get3A_738 = arith.constant 0 : i32
      %get3A_739 = arith.index_cast %get3A_738 : i32 to index
      %get3A_740 = arith.index_cast %scan3A_721 : i32 to index
      %get3A_741 = arith.constant 16 : index
      %get3A_742 = tpu.vector_load %arg11[%get3A_739, %get3A_740, %get3A_741] {strides = array<i32>} : memref<3x128x128xf32, #tpu.memory_space<vmem>>, vector<16xf32>,
      %mul3A_743 = arith.mulf %get3A_737, %get3A_742 : vector<16xf32>
      %add3A_744 = arith.addf %mul3A_732, %mul3A_743 : vector<16xf32>
      %get3A_745 = arith.constant 0 : i32
      %get3A_746 = arith.index_cast %get3A_745 : i32 to index
      %get3A_747 = arith.index_cast %scan3A_721 : i32 to index
      %get3A_748 = arith.constant 32 : index
      %get3A_749 = tpu.vector_load %arg10[%get3A_746, %get3A_747, %get3A_748] {strides = array<i32>} : memref<3x128x128xf32, #tpu.memory_space<vmem>>, vector<16xf32>,
      %get3A_750 = arith.constant 0 : i32
      %get3A_751 = arith.index_cast %get3A_750 : i32 to index
      %get3A_752 = arith.index_cast %scan3A_721 : i32 to index
      %get3A_753 = arith.constant 32 : index
      %get3A_754 = tpu.vector_load %arg11[%get3A_751, %get3A_752, %get3A_753] {strides = array<i32>} : memref<3x128x128xf32, #tpu.memory_space<vmem>>, vector<16xf32>,
      %mul3A_755 = arith.mulf %get3A_749, %get3A_754 : vector<16xf32>
      %add3A_756 = arith.addf %add3A_744, %mul3A_755 : vector<16xf32>
      %get3A_757 = arith.constant 0 : i32
      %get3A_758 = arith.index_cast %get3A_757 : i32 to index
      %get3A_759 = arith.index_cast %scan3A_721 : i32 to index
      %get3A_760 = arith.constant 48 : index
      %get3A_761 = tpu.vector_load %arg10[%get3A_758, %get3A_759, %get3A_760] {strides = array<i32>} : memref<3x128x128xf32, #tpu.memory_space<vmem>>, vector<16xf32>,
      %get3A_762 = arith.constant 0 : i32
      %get3A_763 = arith.index_cast %get3A_762 : i32 to index
      %get3A_764 = arith.index_cast %scan3A_721 : i32 to index
      %get3A_765 = arith.constant 48 : index
      %get3A_766 = tpu.vector_load %arg11[%get3A_763, %get3A_764, %get3A_765] {strides = array<i32>} : memref<3x128x128xf32, #tpu.memory_space<vmem>>, vector<16xf32>,
      %mul3A_767 = arith.mulf %get3A_761, %get3A_766 : vector<16xf32>
      %add3A_768 = arith.addf %add3A_756, %mul3A_767 : vector<16xf32>
      %add3A_769 = arith.constant 0 : i32
      %add3A_770 = vector.broadcast %add3A_769 : i32 to vector<16xi32>
      %add3A_771 = arith.addi %iota3A, %add3A_770 : vector<16xi32>
      %add3A_772 = vector.broadcast %scan3A_721 : i32 to vector<16xi32>
      %add3A_773 = arith.addi %mul3A_48, %add3A_772 : vector<16xi32>
      tpu.vector_store_idx %arg12[%add3A_771, %add3A_773], %add3A_768 : memref<64x128xf32, #tpu.memory_space<vmem>>[vector<16xi32>, vector<16xi32>], vector<16xf32>,
    }
    %scan3A_147 = arith.constant 128 : i32
    %add3A_148 = arith.constant 0 : i32
    %add3A_149 = arith.addi %mul3A_2, %add3A_148 : i32
    %dma_start3A_150 = arith.constant 0 : i32
    %dma_start3A_151 = arith.constant 0 : i32
    %dma_start3A_152 = arith.constant 64 : i32
    %dma_start3A_153 = tpu.memref_slice %arg10[%dma_start3A_150, %dma_start3A_151, %dma_start3A_152] : memref<3x128x128xf32, #tpu.memory_space<vmem>> -> memref<1x128x64xf32, #tpu.memory_space<vmem>>
    %dma_start3A_154 = tpu.memref_squeeze %dma_start3A_153 : memref<1x128x64xf32, #tpu.memory_space<vmem>> -> memref<128x64xf32, #tpu.memory_space<vmem>>
    %dma_start3A_155 = arith.constant 0 : i32
    %dma_start3A_156 = arith.constant 0 : i32
    %dma_start3A_157 = tpu.memref_slice %arg6[%add3A_149, %dma_start3A_155, %dma_start3A_156] : memref<128x128x128xf32, #tpu.memory_space<hbm>> -> memref<1x128x64xf32, #tpu.memory_space<hbm>>
    %dma_start3A_158 = tpu.memref_squeeze %dma_start3A_157 : memref<1x128x64xf32, #tpu.memory_space<hbm>> -> memref<128x64xf32, #tpu.memory_space<hbm>>
    %dma_start3A_159 = arith.constant 0 : i32
    %dma_start3A_160 = arith.constant 0 : i32
    %dma_start3A_161 = tpu.memref_slice %arg6[%add3A_149, %dma_start3A_159, %dma_start3A_160] : memref<128x128x128xf32, #tpu.memory_space<hbm>> -> memref<1x128x64xf32, #tpu.memory_space<hbm>>
    %dma_start3A_162 = tpu.memref_squeeze %dma_start3A_161 : memref<1x128x64xf32, #tpu.memory_space<hbm>> -> memref<128x64xf32, #tpu.memory_space<hbm>>
    %dma_start3A_163 = arith.constant 0 : i32
    %dma_start3A_164 = arith.constant 64 : i32
    %dma_start3A_165 = tpu.memref_slice %arg10[%dma_start3A_150, %dma_start3A_163, %dma_start3A_164] : memref<3x128x128xf32, #tpu.memory_space<vmem>> -> memref<1x128x64xf32, #tpu.memory_space<vmem>>
    %dma_start3A_166 = tpu.memref_squeeze %dma_start3A_165 : memref<1x128x64xf32, #tpu.memory_space<vmem>> -> memref<128x64xf32, #tpu.memory_space<vmem>>
    tpu.enqueue_dma source(%dma_start3A_166 : memref<128x64xf32, #tpu.memory_space<vmem>>) target(%dma_start3A_162 : memref<128x64xf32, #tpu.memory_space<hbm>>) target_semaphore(%arg14 : memref<!tpu.dma_semaphore, #tpu.memory_space<semaphore_mem>>)
    %add3A_167 = arith.constant 0 : i32
    %add3A_168 = arith.addi %mul3A_2, %add3A_167 : i32
    %dma_start3A_169 = arith.constant 0 : i32
    %dma_start3A_170 = arith.constant 0 : i32
    %dma_start3A_171 = arith.constant 64 : i32
    %dma_start3A_172 = tpu.memref_slice %arg11[%dma_start3A_169, %dma_start3A_170, %dma_start3A_171] : memref<3x128x128xf32, #tpu.memory_space<vmem>> -> memref<1x128x64xf32, #tpu.memory_space<vmem>>
    %dma_start3A_173 = tpu.memref_squeeze %dma_start3A_172 : memref<1x128x64xf32, #tpu.memory_space<vmem>> -> memref<128x64xf32, #tpu.memory_space<vmem>>
    %dma_start3A_174 = arith.constant 0 : i32
    %dma_start3A_175 = arith.constant 64 : i32
    %dma_start3A_176 = tpu.memref_slice %arg6[%add3A_168, %dma_start3A_174, %dma_start3A_175] : memref<128x128x128xf32, #tpu.memory_space<hbm>> -> memref<1x128x64xf32, #tpu.memory_space<hbm>>
    %dma_start3A_177 = tpu.memref_squeeze %dma_start3A_176 : memref<1x128x64xf32, #tpu.memory_space<hbm>> -> memref<128x64xf32, #tpu.memory_space<hbm>>
    %dma_start3A_178 = arith.constant 0 : i32
    %dma_start3A_179 = arith.constant 64 : i32
    %dma_start3A_180 = tpu.memref_slice %arg6[%add3A_168, %dma_start3A_178, %dma_start3A_179] : memref<128x128x128xf32, #tpu.memory_space<hbm>> -> memref<1x128x64xf32, #tpu.memory_space<hbm>>
    %dma_start3A_181 = tpu.memref_squeeze %dma_start3A_180 : memref<1x128x64xf32, #tpu.memory_space<hbm>> -> memref<128x64xf32, #tpu.memory_space<hbm>>
    %dma_start3A_182 = arith.constant 0 : i32
    %dma_start3A_183 = arith.constant 64 : i32
    %dma_start3A_184 = tpu.memref_slice %arg11[%dma_start3A_169, %dma_start3A_182, %dma_start3A_183] : memref<3x128x128xf32, #tpu.memory_space<vmem>> -> memref<1x128x64xf32, #tpu.memory_space<vmem>>
    %dma_start3A_185 = tpu.memref_squeeze %dma_start3A_184 : memref<1x128x64xf32, #tpu.memory_space<vmem>> -> memref<128x64xf32, #tpu.memory_space<vmem>>
    tpu.enqueue_dma source(%dma_start3A_185 : memref<128x64xf32, #tpu.memory_space<vmem>>) target(%dma_start3A_181 : memref<128x64xf32, #tpu.memory_space<hbm>>) target_semaphore(%arg14 : memref<!tpu.dma_semaphore, #tpu.memory_space<semaphore_mem>>)
    %dma_wait3A_186 = arith.constant 1 : i32
    %dma_wait3A_187 = arith.constant 1 : i32
    %dma_wait3A_188 = arith.constant 0 : i32
    %dma_wait3A_189 = arith.constant 0 : i32
    %dma_wait3A_190 = tpu.memref_slice %arg10[%dma_wait3A_187, %dma_wait3A_188, %dma_wait3A_189] : memref<3x128x128xf32, #tpu.memory_space<vmem>> -> memref<1x128x128xf32, #tpu.memory_space<vmem>>
    %dma_wait3A_191 = tpu.memref_squeeze %dma_wait3A_190 : memref<1x128x128xf32, #tpu.memory_space<vmem>> -> memref<128x128xf32, #tpu.memory_space<vmem>>
    %dma_wait3A_192 = arith.constant 0 : i32
    %dma_wait3A_193 = tpu.memref_slice %arg8[%dma_wait3A_186, %dma_wait3A_192] : memref<4x128xi32, #tpu.memory_space<vmem>> -> memref<1x128xi32, #tpu.memory_space<vmem>>
    %dma_wait3A_194 = tpu.memref_squeeze %dma_wait3A_193 : memref<1x128xi32, #tpu.memory_space<vmem>> -> memref<128xi32, #tpu.memory_space<vmem>>
    %dma_wait3A_195 = arith.constant 0 : i32
    %dma_wait3A_196 = arith.constant 0 : i32
    %dma_wait3A_197 = tpu.memref_slice %arg4[%dma_wait3A_195, %dma_wait3A_196] : memref<9999x128xf32, #tpu.memory_space<hbm>> -> memref<9999x128xf32, #tpu.memory_space<hbm>>
    tpu.wait_indirect_dma semaphore(%arg13 : memref<!tpu.dma_semaphore, #tpu.memory_space<semaphore_mem>>) src(%dma_wait3A_197 : memref<9999x128xf32, #tpu.memory_space<hbm>>) dst(%dma_wait3A_191 : memref<128x128xf32, #tpu.memory_space<vmem>>)
    %dma_wait3A_198 = arith.constant 1 : i32
    %dma_wait3A_199 = arith.constant 1 : i32
    %dma_wait3A_200 = arith.constant 0 : i32
    %dma_wait3A_201 = arith.constant 0 : i32
    %dma_wait3A_202 = tpu.memref_slice %arg11[%dma_wait3A_199, %dma_wait3A_200, %dma_wait3A_201] : memref<3x128x128xf32, #tpu.memory_space<vmem>> -> memref<1x128x128xf32, #tpu.memory_space<vmem>>
    %dma_wait3A_203 = tpu.memref_squeeze %dma_wait3A_202 : memref<1x128x128xf32, #tpu.memory_space<vmem>> -> memref<128x128xf32, #tpu.memory_space<vmem>>
    %dma_wait3A_204 = arith.constant 0 : i32
    %dma_wait3A_205 = tpu.memref_slice %arg9[%dma_wait3A_198, %dma_wait3A_204] : memref<4x128xi32, #tpu.memory_space<vmem>> -> memref<1x128xi32, #tpu.memory_space<vmem>>
    %dma_wait3A_206 = tpu.memref_squeeze %dma_wait3A_205 : memref<1x128xi32, #tpu.memory_space<vmem>> -> memref<128xi32, #tpu.memory_space<vmem>>
    %dma_wait3A_207 = arith.constant 0 : i32
    %dma_wait3A_208 = arith.constant 0 : i32
    %dma_wait3A_209 = tpu.memref_slice %arg5[%dma_wait3A_207, %dma_wait3A_208] : memref<9999x128xf32, #tpu.memory_space<hbm>> -> memref<9999x128xf32, #tpu.memory_space<hbm>>
    tpu.wait_indirect_dma semaphore(%arg13 : memref<!tpu.dma_semaphore, #tpu.memory_space<semaphore_mem>>) src(%dma_wait3A_209 : memref<9999x128xf32, #tpu.memory_space<hbm>>) dst(%dma_wait3A_203 : memref<128x128xf32, #tpu.memory_space<vmem>>)
    %dma_wait3A_210 = arith.constant 0 : i32
    %dma_wait3A_211 = arith.constant 0 : i32
    %dma_wait3A_212 = arith.constant 64 : i32
    %dma_wait3A_213 = tpu.memref_slice %arg10[%dma_wait3A_210, %dma_wait3A_211, %dma_wait3A_212] : memref<3x128x128xf32, #tpu.memory_space<vmem>> -> memref<1x128x64xf32, #tpu.memory_space<vmem>>
    %dma_wait3A_214 = tpu.memref_squeeze %dma_wait3A_213 : memref<1x128x64xf32, #tpu.memory_space<vmem>> -> memref<128x64xf32, #tpu.memory_space<vmem>>
    %dma_wait3A_215 = arith.constant 0 : i32
    %dma_wait3A_216 = arith.constant 0 : i32
    %dma_wait3A_217 = tpu.memref_slice %arg6[%add3A_149, %dma_wait3A_215, %dma_wait3A_216] : memref<128x128x128xf32, #tpu.memory_space<hbm>> -> memref<1x128x64xf32, #tpu.memory_space<hbm>>
    %dma_wait3A_218 = tpu.memref_squeeze %dma_wait3A_217 : memref<1x128x64xf32, #tpu.memory_space<hbm>> -> memref<128x64xf32, #tpu.memory_space<hbm>>
    %dma_wait3A_219 = arith.constant 0 : i32
    %dma_wait3A_220 = arith.constant 0 : i32
    %dma_wait3A_221 = tpu.memref_slice %arg6[%add3A_149, %dma_wait3A_219, %dma_wait3A_220] : memref<128x128x128xf32, #tpu.memory_space<hbm>> -> memref<1x128x64xf32, #tpu.memory_space<hbm>>
    %dma_wait3A_222 = tpu.memref_squeeze %dma_wait3A_221 : memref<1x128x64xf32, #tpu.memory_space<hbm>> -> memref<128x64xf32, #tpu.memory_space<hbm>>
    %dma_wait3A_223 = arith.constant 0 : i32
    %dma_wait3A_224 = arith.constant 64 : i32
    %dma_wait3A_225 = tpu.memref_slice %arg10[%dma_wait3A_210, %dma_wait3A_223, %dma_wait3A_224] : memref<3x128x128xf32, #tpu.memory_space<vmem>> -> memref<1x128x64xf32, #tpu.memory_space<vmem>>
    %dma_wait3A_226 = tpu.memref_squeeze %dma_wait3A_225 : memref<1x128x64xf32, #tpu.memory_space<vmem>> -> memref<128x64xf32, #tpu.memory_space<vmem>>
    tpu.wait_dma2 semaphore(%arg14 : memref<!tpu.dma_semaphore, #tpu.memory_space<semaphore_mem>>) src(%dma_wait3A_226 : memref<128x64xf32, #tpu.memory_space<vmem>>) dst(%dma_wait3A_222 : memref<128x64xf32, #tpu.memory_space<hbm>>)
    %dma_wait3A_227 = arith.constant 0 : i32
    %dma_wait3A_228 = arith.constant 0 : i32
    %dma_wait3A_229 = arith.constant 64 : i32
    %dma_wait3A_230 = tpu.memref_slice %arg11[%dma_wait3A_227, %dma_wait3A_228, %dma_wait3A_229] : memref<3x128x128xf32, #tpu.memory_space<vmem>> -> memref<1x128x64xf32, #tpu.memory_space<vmem>>
    %dma_wait3A_231 = tpu.memref_squeeze %dma_wait3A_230 : memref<1x128x64xf32, #tpu.memory_space<vmem>> -> memref<128x64xf32, #tpu.memory_space<vmem>>
    %dma_wait3A_232 = arith.constant 0 : i32
    %dma_wait3A_233 = arith.constant 64 : i32
    %dma_wait3A_234 = tpu.memref_slice %arg6[%add3A_168, %dma_wait3A_232, %dma_wait3A_233] : memref<128x128x128xf32, #tpu.memory_space<hbm>> -> memref<1x128x64xf32, #tpu.memory_space<hbm>>
    %dma_wait3A_235 = tpu.memref_squeeze %dma_wait3A_234 : memref<1x128x64xf32, #tpu.memory_space<hbm>> -> memref<128x64xf32, #tpu.memory_space<hbm>>
    %dma_wait3A_236 = arith.constant 0 : i32
    %dma_wait3A_237 = arith.constant 64 : i32
    %dma_wait3A_238 = tpu.memref_slice %arg6[%add3A_168, %dma_wait3A_236, %dma_wait3A_237] : memref<128x128x128xf32, #tpu.memory_space<hbm>> -> memref<1x128x64xf32, #tpu.memory_space<hbm>>
    %dma_wait3A_239 = tpu.memref_squeeze %dma_wait3A_238 : memref<1x128x64xf32, #tpu.memory_space<hbm>> -> memref<128x64xf32, #tpu.memory_space<hbm>>
    %dma_wait3A_240 = arith.constant 0 : i32
    %dma_wait3A_241 = arith.constant 64 : i32
    %dma_wait3A_242 = tpu.memref_slice %arg11[%dma_wait3A_227, %dma_wait3A_240, %dma_wait3A_241] : memref<3x128x128xf32, #tpu.memory_space<vmem>> -> memref<1x128x64xf32, #tpu.memory_space<vmem>>
    %dma_wait3A_243 = tpu.memref_squeeze %dma_wait3A_242 : memref<1x128x64xf32, #tpu.memory_space<vmem>> -> memref<128x64xf32, #tpu.memory_space<vmem>>
    tpu.wait_dma2 semaphore(%arg14 : memref<!tpu.dma_semaphore, #tpu.memory_space<semaphore_mem>>) src(%dma_wait3A_243 : memref<128x64xf32, #tpu.memory_space<vmem>>) dst(%dma_wait3A_239 : memref<128x64xf32, #tpu.memory_space<hbm>>)
    %dma_start3A_244 = arith.constant 3 : i32
    %dma_start3A_245 = arith.constant 0 : i32
    %dma_start3A_246 = arith.constant 0 : i32
    %dma_start3A_247 = arith.constant 0 : i32
    %dma_start3A_248 = tpu.memref_slice %arg10[%dma_start3A_245, %dma_start3A_246, %dma_start3A_247] : memref<3x128x128xf32, #tpu.memory_space<vmem>> -> memref<1x128x128xf32, #tpu.memory_space<vmem>>
    %dma_start3A_249 = tpu.memref_squeeze %dma_start3A_248 : memref<1x128x128xf32, #tpu.memory_space<vmem>> -> memref<128x128xf32, #tpu.memory_space<vmem>>
    %dma_start3A_250 = arith.constant 0 : i32
    %dma_start3A_251 = tpu.memref_slice %arg8[%dma_start3A_244, %dma_start3A_250] : memref<4x128xi32, #tpu.memory_space<vmem>> -> memref<1x128xi32, #tpu.memory_space<vmem>>
    %dma_start3A_252 = tpu.memref_squeeze %dma_start3A_251 : memref<1x128xi32, #tpu.memory_space<vmem>> -> memref<128xi32, #tpu.memory_space<vmem>>
    %dma_start3A_253 = arith.constant 0 : i32
    %dma_start3A_254 = arith.constant 0 : i32
    %dma_start3A_255 = tpu.memref_slice %arg4[%dma_start3A_253, %dma_start3A_254] : memref<9999x128xf32, #tpu.memory_space<hbm>> -> memref<9999x128xf32, #tpu.memory_space<hbm>>
    tpu.enqueue_indirect_dma source(%dma_start3A_255 : memref<9999x128xf32, #tpu.memory_space<hbm>>) target(%dma_start3A_249 : memref<128x128xf32, #tpu.memory_space<vmem>>) offsets(%dma_start3A_252 : memref<128xi32, #tpu.memory_space<vmem>>) semaphore(%arg13 : memref<!tpu.dma_semaphore, #tpu.memory_space<semaphore_mem>>)
    %dma_start3A_256 = arith.constant 3 : i32
    %dma_start3A_257 = arith.constant 0 : i32
    %dma_start3A_258 = arith.constant 0 : i32
    %dma_start3A_259 = arith.constant 0 : i32
    %dma_start3A_260 = tpu.memref_slice %arg11[%dma_start3A_257, %dma_start3A_258, %dma_start3A_259] : memref<3x128x128xf32, #tpu.memory_space<vmem>> -> memref<1x128x128xf32, #tpu.memory_space<vmem>>
    %dma_start3A_261 = tpu.memref_squeeze %dma_start3A_260 : memref<1x128x128xf32, #tpu.memory_space<vmem>> -> memref<128x128xf32, #tpu.memory_space<vmem>>
    %dma_start3A_262 = arith.constant 0 : i32
    %dma_start3A_263 = tpu.memref_slice %arg9[%dma_start3A_256, %dma_start3A_262] : memref<4x128xi32, #tpu.memory_space<vmem>> -> memref<1x128xi32, #tpu.memory_space<vmem>>
    %dma_start3A_264 = tpu.memref_squeeze %dma_start3A_263 : memref<1x128xi32, #tpu.memory_space<vmem>> -> memref<128xi32, #tpu.memory_space<vmem>>
    %dma_start3A_265 = arith.constant 0 : i32
    %dma_start3A_266 = arith.constant 0 : i32
    %dma_start3A_267 = tpu.memref_slice %arg5[%dma_start3A_265, %dma_start3A_266] : memref<9999x128xf32, #tpu.memory_space<hbm>> -> memref<9999x128xf32, #tpu.memory_space<hbm>>
    tpu.enqueue_indirect_dma source(%dma_start3A_267 : memref<9999x128xf32, #tpu.memory_space<hbm>>) target(%dma_start3A_261 : memref<128x128xf32, #tpu.memory_space<vmem>>) offsets(%dma_start3A_264 : memref<128xi32, #tpu.memory_space<vmem>>) semaphore(%arg13 : memref<!tpu.dma_semaphore, #tpu.memory_space<semaphore_mem>>)
    %scan3A_268 = arith.constant 0 : i32
    %scan3A_269 = arith.constant 0 : i32
    %scan3A_270 = arith.constant 128 : i32
    %scan3A_271 = arith.addi %scan3A_269, %scan3A_270 : i32
    %scan3A_272 = arith.constant 4 : i32
    scf.for %scan3A_560 = %scan3A_269 to %scan3A_271 step %scan3A_272  : i32 {
      %get3A = arith.constant 1 : i32
      %get3A_561 = arith.index_cast %get3A : i32 to index
      %get3A_562 = arith.index_cast %scan3A_560 : i32 to index
      %get3A_563 = arith.constant 0 : index
      %get3A_564 = tpu.vector_load %arg10[%get3A_561, %get3A_562, %get3A_563] {strides = array<i32>} : memref<3x128x128xf32, #tpu.memory_space<vmem>>, vector<16xf32>,
      %get3A_565 = arith.constant 1 : i32
      %get3A_566 = arith.index_cast %get3A_565 : i32 to index
      %get3A_567 = arith.index_cast %scan3A_560 : i32 to index
      %get3A_568 = arith.constant 0 : index
      %get3A_569 = tpu.vector_load %arg11[%get3A_566, %get3A_567, %get3A_568] {strides = array<i32>} : memref<3x128x128xf32, #tpu.memory_space<vmem>>, vector<16xf32>,
      %mul3A_570 = arith.mulf %get3A_564, %get3A_569 : vector<16xf32>
      %get3A_571 = arith.constant 1 : i32
      %get3A_572 = arith.index_cast %get3A_571 : i32 to index
      %get3A_573 = arith.index_cast %scan3A_560 : i32 to index
      %get3A_574 = arith.constant 16 : index
      %get3A_575 = tpu.vector_load %arg10[%get3A_572, %get3A_573, %get3A_574] {strides = array<i32>} : memref<3x128x128xf32, #tpu.memory_space<vmem>>, vector<16xf32>,
      %get3A_576 = arith.constant 1 : i32
      %get3A_577 = arith.index_cast %get3A_576 : i32 to index
      %get3A_578 = arith.index_cast %scan3A_560 : i32 to index
      %get3A_579 = arith.constant 16 : index
      %get3A_580 = tpu.vector_load %arg11[%get3A_577, %get3A_578, %get3A_579] {strides = array<i32>} : memref<3x128x128xf32, #tpu.memory_space<vmem>>, vector<16xf32>,
      %mul3A_581 = arith.mulf %get3A_575, %get3A_580 : vector<16xf32>
      %add3A_582 = arith.addf %mul3A_570, %mul3A_581 : vector<16xf32>
      %get3A_583 = arith.constant 1 : i32
      %get3A_584 = arith.index_cast %get3A_583 : i32 to index
      %get3A_585 = arith.index_cast %scan3A_560 : i32 to index
      %get3A_586 = arith.constant 32 : index
      %get3A_587 = tpu.vector_load %arg10[%get3A_584, %get3A_585, %get3A_586] {strides = array<i32>} : memref<3x128x128xf32, #tpu.memory_space<vmem>>, vector<16xf32>,
      %get3A_588 = arith.constant 1 : i32
      %get3A_589 = arith.index_cast %get3A_588 : i32 to index
      %get3A_590 = arith.index_cast %scan3A_560 : i32 to index
      %get3A_591 = arith.constant 32 : index
      %get3A_592 = tpu.vector_load %arg11[%get3A_589, %get3A_590, %get3A_591] {strides = array<i32>} : memref<3x128x128xf32, #tpu.memory_space<vmem>>, vector<16xf32>,
      %mul3A_593 = arith.mulf %get3A_587, %get3A_592 : vector<16xf32>
      %add3A_594 = arith.addf %add3A_582, %mul3A_593 : vector<16xf32>
      %get3A_595 = arith.constant 1 : i32
      %get3A_596 = arith.index_cast %get3A_595 : i32 to index
      %get3A_597 = arith.index_cast %scan3A_560 : i32 to index
      %get3A_598 = arith.constant 48 : index
      %get3A_599 = tpu.vector_load %arg10[%get3A_596, %get3A_597, %get3A_598] {strides = array<i32>} : memref<3x128x128xf32, #tpu.memory_space<vmem>>, vector<16xf32>,
      %get3A_600 = arith.constant 1 : i32
      %get3A_601 = arith.index_cast %get3A_600 : i32 to index
      %get3A_602 = arith.index_cast %scan3A_560 : i32 to index
      %get3A_603 = arith.constant 48 : index
      %get3A_604 = tpu.vector_load %arg11[%get3A_601, %get3A_602, %get3A_603] {strides = array<i32>} : memref<3x128x128xf32, #tpu.memory_space<vmem>>, vector<16xf32>,
      %mul3A_605 = arith.mulf %get3A_599, %get3A_604 : vector<16xf32>
      %add3A_606 = arith.addf %add3A_594, %mul3A_605 : vector<16xf32>
      %add3A_607 = arith.constant 16 : i32
      %add3A_608 = vector.broadcast %add3A_607 : i32 to vector<16xi32>
      %add3A_609 = arith.addi %iota3A, %add3A_608 : vector<16xi32>
      %add3A_610 = vector.broadcast %scan3A_560 : i32 to vector<16xi32>
      %add3A_611 = arith.addi %mul3A_48, %add3A_610 : vector<16xi32>
      tpu.vector_store_idx %arg12[%add3A_609, %add3A_611], %add3A_606 : memref<64x128xf32, #tpu.memory_space<vmem>>[vector<16xi32>, vector<16xi32>], vector<16xf32>,
      %scan3A_612 = arith.constant 1 : i32
      %scan3A_613 = arith.addi %scan3A_560, %scan3A_612 : i32
      %get3A_614 = arith.constant 1 : i32
      %get3A_615 = arith.index_cast %get3A_614 : i32 to index
      %get3A_616 = arith.index_cast %scan3A_613 : i32 to index
      %get3A_617 = arith.constant 0 : index
      %get3A_618 = tpu.vector_load %arg10[%get3A_615, %get3A_616, %get3A_617] {strides = array<i32>} : memref<3x128x128xf32, #tpu.memory_space<vmem>>, vector<16xf32>,
      %get3A_619 = arith.constant 1 : i32
      %get3A_620 = arith.index_cast %get3A_619 : i32 to index
      %get3A_621 = arith.index_cast %scan3A_613 : i32 to index
      %get3A_622 = arith.constant 0 : index
      %get3A_623 = tpu.vector_load %arg11[%get3A_620, %get3A_621, %get3A_622] {strides = array<i32>} : memref<3x128x128xf32, #tpu.memory_space<vmem>>, vector<16xf32>,
      %mul3A_624 = arith.mulf %get3A_618, %get3A_623 : vector<16xf32>
      %get3A_625 = arith.constant 1 : i32
      %get3A_626 = arith.index_cast %get3A_625 : i32 to index
      %get3A_627 = arith.index_cast %scan3A_613 : i32 to index
      %get3A_628 = arith.constant 16 : index
      %get3A_629 = tpu.vector_load %arg10[%get3A_626, %get3A_627, %get3A_628] {strides = array<i32>} : memref<3x128x128xf32, #tpu.memory_space<vmem>>, vector<16xf32>,
      %get3A_630 = arith.constant 1 : i32
      %get3A_631 = arith.index_cast %get3A_630 : i32 to index
      %get3A_632 = arith.index_cast %scan3A_613 : i32 to index
      %get3A_633 = arith.constant 16 : index
      %get3A_634 = tpu.vector_load %arg11[%get3A_631, %get3A_632, %get3A_633] {strides = array<i32>} : memref<3x128x128xf32, #tpu.memory_space<vmem>>, vector<16xf32>,
      %mul3A_635 = arith.mulf %get3A_629, %get3A_634 : vector<16xf32>
      %add3A_636 = arith.addf %mul3A_624, %mul3A_635 : vector<16xf32>
      %get3A_637 = arith.constant 1 : i32
      %get3A_638 = arith.index_cast %get3A_637 : i32 to index
      %get3A_639 = arith.index_cast %scan3A_613 : i32 to index
      %get3A_640 = arith.constant 32 : index
      %get3A_641 = tpu.vector_load %arg10[%get3A_638, %get3A_639, %get3A_640] {strides = array<i32>} : memref<3x128x128xf32, #tpu.memory_space<vmem>>, vector<16xf32>,
      %get3A_642 = arith.constant 1 : i32
      %get3A_643 = arith.index_cast %get3A_642 : i32 to index
      %get3A_644 = arith.index_cast %scan3A_613 : i32 to index
      %get3A_645 = arith.constant 32 : index
      %get3A_646 = tpu.vector_load %arg11[%get3A_643, %get3A_644, %get3A_645] {strides = array<i32>} : memref<3x128x128xf32, #tpu.memory_space<vmem>>, vector<16xf32>,
      %mul3A_647 = arith.mulf %get3A_641, %get3A_646 : vector<16xf32>
      %add3A_648 = arith.addf %add3A_636, %mul3A_647 : vector<16xf32>
      %get3A_649 = arith.constant 1 : i32
      %get3A_650 = arith.index_cast %get3A_649 : i32 to index
      %get3A_651 = arith.index_cast %scan3A_613 : i32 to index
      %get3A_652 = arith.constant 48 : index
      %get3A_653 = tpu.vector_load %arg10[%get3A_650, %get3A_651, %get3A_652] {strides = array<i32>} : memref<3x128x128xf32, #tpu.memory_space<vmem>>, vector<16xf32>,
      %get3A_654 = arith.constant 1 : i32
      %get3A_655 = arith.index_cast %get3A_654 : i32 to index
      %get3A_656 = arith.index_cast %scan3A_613 : i32 to index
      %get3A_657 = arith.constant 48 : index
      %get3A_658 = tpu.vector_load %arg11[%get3A_655, %get3A_656, %get3A_657] {strides = array<i32>} : memref<3x128x128xf32, #tpu.memory_space<vmem>>, vector<16xf32>,
      %mul3A_659 = arith.mulf %get3A_653, %get3A_658 : vector<16xf32>
      %add3A_660 = arith.addf %add3A_648, %mul3A_659 : vector<16xf32>
      %add3A_661 = arith.constant 16 : i32
      %add3A_662 = vector.broadcast %add3A_661 : i32 to vector<16xi32>
      %add3A_663 = arith.addi %iota3A, %add3A_662 : vector<16xi32>
      %add3A_664 = vector.broadcast %scan3A_613 : i32 to vector<16xi32>
      %add3A_665 = arith.addi %mul3A_48, %add3A_664 : vector<16xi32>
      tpu.vector_store_idx %arg12[%add3A_663, %add3A_665], %add3A_660 : memref<64x128xf32, #tpu.memory_space<vmem>>[vector<16xi32>, vector<16xi32>], vector<16xf32>,
      %scan3A_666 = arith.constant 2 : i32
      %scan3A_667 = arith.addi %scan3A_560, %scan3A_666 : i32
      %get3A_668 = arith.constant 1 : i32
      %get3A_669 = arith.index_cast %get3A_668 : i32 to index
      %get3A_670 = arith.index_cast %scan3A_667 : i32 to index
      %get3A_671 = arith.constant 0 : index
      %get3A_672 = tpu.vector_load %arg10[%get3A_669, %get3A_670, %get3A_671] {strides = array<i32>} : memref<3x128x128xf32, #tpu.memory_space<vmem>>, vector<16xf32>,
      %get3A_673 = arith.constant 1 : i32
      %get3A_674 = arith.index_cast %get3A_673 : i32 to index
      %get3A_675 = arith.index_cast %scan3A_667 : i32 to index
      %get3A_676 = arith.constant 0 : index
      %get3A_677 = tpu.vector_load %arg11[%get3A_674, %get3A_675, %get3A_676] {strides = array<i32>} : memref<3x128x128xf32, #tpu.memory_space<vmem>>, vector<16xf32>,
      %mul3A_678 = arith.mulf %get3A_672, %get3A_677 : vector<16xf32>
      %get3A_679 = arith.constant 1 : i32
      %get3A_680 = arith.index_cast %get3A_679 : i32 to index
      %get3A_681 = arith.index_cast %scan3A_667 : i32 to index
      %get3A_682 = arith.constant 16 : index
      %get3A_683 = tpu.vector_load %arg10[%get3A_680, %get3A_681, %get3A_682] {strides = array<i32>} : memref<3x128x128xf32, #tpu.memory_space<vmem>>, vector<16xf32>,
      %get3A_684 = arith.constant 1 : i32
      %get3A_685 = arith.index_cast %get3A_684 : i32 to index
      %get3A_686 = arith.index_cast %scan3A_667 : i32 to index
      %get3A_687 = arith.constant 16 : index
      %get3A_688 = tpu.vector_load %arg11[%get3A_685, %get3A_686, %get3A_687] {strides = array<i32>} : memref<3x128x128xf32, #tpu.memory_space<vmem>>, vector<16xf32>,
      %mul3A_689 = arith.mulf %get3A_683, %get3A_688 : vector<16xf32>
      %add3A_690 = arith.addf %mul3A_678, %mul3A_689 : vector<16xf32>
      %get3A_691 = arith.constant 1 : i32
      %get3A_692 = arith.index_cast %get3A_691 : i32 to index
      %get3A_693 = arith.index_cast %scan3A_667 : i32 to index
      %get3A_694 = arith.constant 32 : index
      %get3A_695 = tpu.vector_load %arg10[%get3A_692, %get3A_693, %get3A_694] {strides = array<i32>} : memref<3x128x128xf32, #tpu.memory_space<vmem>>, vector<16xf32>,
      %get3A_696 = arith.constant 1 : i32
      %get3A_697 = arith.index_cast %get3A_696 : i32 to index
      %get3A_698 = arith.index_cast %scan3A_667 : i32 to index
      %get3A_699 = arith.constant 32 : index
      %get3A_700 = tpu.vector_load %arg11[%get3A_697, %get3A_698, %get3A_699] {strides = array<i32>} : memref<3x128x128xf32, #tpu.memory_space<vmem>>, vector<16xf32>,
      %mul3A_701 = arith.mulf %get3A_695, %get3A_700 : vector<16xf32>
      %add3A_702 = arith.addf %add3A_690, %mul3A_701 : vector<16xf32>
      %get3A_703 = arith.constant 1 : i32
      %get3A_704 = arith.index_cast %get3A_703 : i32 to index
      %get3A_705 = arith.index_cast %scan3A_667 : i32 to index
      %get3A_706 = arith.constant 48 : index
      %get3A_707 = tpu.vector_load %arg10[%get3A_704, %get3A_705, %get3A_706] {strides = array<i32>} : memref<3x128x128xf32, #tpu.memory_space<vmem>>, vector<16xf32>,
      %get3A_708 = arith.constant 1 : i32
      %get3A_709 = arith.index_cast %get3A_708 : i32 to index
      %get3A_710 = arith.index_cast %scan3A_667 : i32 to index
      %get3A_711 = arith.constant 48 : index
      %get3A_712 = tpu.vector_load %arg11[%get3A_709, %get3A_710, %get3A_711] {strides = array<i32>} : memref<3x128x128xf32, #tpu.memory_space<vmem>>, vector<16xf32>,
      %mul3A_713 = arith.mulf %get3A_707, %get3A_712 : vector<16xf32>
      %add3A_714 = arith.addf %add3A_702, %mul3A_713 : vector<16xf32>
      %add3A_715 = arith.constant 16 : i32
      %add3A_716 = vector.broadcast %add3A_715 : i32 to vector<16xi32>
      %add3A_717 = arith.addi %iota3A, %add3A_716 : vector<16xi32>
      %add3A_718 = vector.broadcast %scan3A_667 : i32 to vector<16xi32>
      %add3A_719 = arith.addi %mul3A_48, %add3A_718 : vector<16xi32>
      tpu.vector_store_idx %arg12[%add3A_717, %add3A_719], %add3A_714 : memref<64x128xf32, #tpu.memory_space<vmem>>[vector<16xi32>, vector<16xi32>], vector<16xf32>,
      %scan3A_720 = arith.constant 3 : i32
      %scan3A_721 = arith.addi %scan3A_560, %scan3A_720 : i32
      %get3A_722 = arith.constant 1 : i32
      %get3A_723 = arith.index_cast %get3A_722 : i32 to index
      %get3A_724 = arith.index_cast %scan3A_721 : i32 to index
      %get3A_725 = arith.constant 0 : index
      %get3A_726 = tpu.vector_load %arg10[%get3A_723, %get3A_724, %get3A_725] {strides = array<i32>} : memref<3x128x128xf32, #tpu.memory_space<vmem>>, vector<16xf32>,
      %get3A_727 = arith.constant 1 : i32
      %get3A_728 = arith.index_cast %get3A_727 : i32 to index
      %get3A_729 = arith.index_cast %scan3A_721 : i32 to index
      %get3A_730 = arith.constant 0 : index
      %get3A_731 = tpu.vector_load %arg11[%get3A_728, %get3A_729, %get3A_730] {strides = array<i32>} : memref<3x128x128xf32, #tpu.memory_space<vmem>>, vector<16xf32>,
      %mul3A_732 = arith.mulf %get3A_726, %get3A_731 : vector<16xf32>
      %get3A_733 = arith.constant 1 : i32
      %get3A_734 = arith.index_cast %get3A_733 : i32 to index
      %get3A_735 = arith.index_cast %scan3A_721 : i32 to index
      %get3A_736 = arith.constant 16 : index
      %get3A_737 = tpu.vector_load %arg10[%get3A_734, %get3A_735, %get3A_736] {strides = array<i32>} : memref<3x128x128xf32, #tpu.memory_space<vmem>>, vector<16xf32>,
      %get3A_738 = arith.constant 1 : i32
      %get3A_739 = arith.index_cast %get3A_738 : i32 to index
      %get3A_740 = arith.index_cast %scan3A_721 : i32 to index
      %get3A_741 = arith.constant 16 : index
      %get3A_742 = tpu.vector_load %arg11[%get3A_739, %get3A_740, %get3A_741] {strides = array<i32>} : memref<3x128x128xf32, #tpu.memory_space<vmem>>, vector<16xf32>,
      %mul3A_743 = arith.mulf %get3A_737, %get3A_742 : vector<16xf32>
      %add3A_744 = arith.addf %mul3A_732, %mul3A_743 : vector<16xf32>
      %get3A_745 = arith.constant 1 : i32
      %get3A_746 = arith.index_cast %get3A_745 : i32 to index
      %get3A_747 = arith.index_cast %scan3A_721 : i32 to index
      %get3A_748 = arith.constant 32 : index
      %get3A_749 = tpu.vector_load %arg10[%get3A_746, %get3A_747, %get3A_748] {strides = array<i32>} : memref<3x128x128xf32, #tpu.memory_space<vmem>>, vector<16xf32>,
      %get3A_750 = arith.constant 1 : i32
      %get3A_751 = arith.index_cast %get3A_750 : i32 to index
      %get3A_752 = arith.index_cast %scan3A_721 : i32 to index
      %get3A_753 = arith.constant 32 : index
      %get3A_754 = tpu.vector_load %arg11[%get3A_751, %get3A_752, %get3A_753] {strides = array<i32>} : memref<3x128x128xf32, #tpu.memory_space<vmem>>, vector<16xf32>,
      %mul3A_755 = arith.mulf %get3A_749, %get3A_754 : vector<16xf32>
      %add3A_756 = arith.addf %add3A_744, %mul3A_755 : vector<16xf32>
      %get3A_757 = arith.constant 1 : i32
      %get3A_758 = arith.index_cast %get3A_757 : i32 to index
      %get3A_759 = arith.index_cast %scan3A_721 : i32 to index
      %get3A_760 = arith.constant 48 : index
      %get3A_761 = tpu.vector_load %arg10[%get3A_758, %get3A_759, %get3A_760] {strides = array<i32>} : memref<3x128x128xf32, #tpu.memory_space<vmem>>, vector<16xf32>,
      %get3A_762 = arith.constant 1 : i32
      %get3A_763 = arith.index_cast %get3A_762 : i32 to index
      %get3A_764 = arith.index_cast %scan3A_721 : i32 to index
      %get3A_765 = arith.constant 48 : index
      %get3A_766 = tpu.vector_load %arg11[%get3A_763, %get3A_764, %get3A_765] {strides = array<i32>} : memref<3x128x128xf32, #tpu.memory_space<vmem>>, vector<16xf32>,
      %mul3A_767 = arith.mulf %get3A_761, %get3A_766 : vector<16xf32>
      %add3A_768 = arith.addf %add3A_756, %mul3A_767 : vector<16xf32>
      %add3A_769 = arith.constant 16 : i32
      %add3A_770 = vector.broadcast %add3A_769 : i32 to vector<16xi32>
      %add3A_771 = arith.addi %iota3A, %add3A_770 : vector<16xi32>
      %add3A_772 = vector.broadcast %scan3A_721 : i32 to vector<16xi32>
      %add3A_773 = arith.addi %mul3A_48, %add3A_772 : vector<16xi32>
      tpu.vector_store_idx %arg12[%add3A_771, %add3A_773], %add3A_768 : memref<64x128xf32, #tpu.memory_space<vmem>>[vector<16xi32>, vector<16xi32>], vector<16xf32>,
    }
    %scan3A_273 = arith.constant 128 : i32
    %add3A_274 = arith.constant 1 : i32
    %add3A_275 = arith.addi %mul3A_2, %add3A_274 : i32
    %dma_start3A_276 = arith.constant 1 : i32
    %dma_start3A_277 = arith.constant 0 : i32
    %dma_start3A_278 = arith.constant 64 : i32
    %dma_start3A_279 = tpu.memref_slice %arg10[%dma_start3A_276, %dma_start3A_277, %dma_start3A_278] : memref<3x128x128xf32, #tpu.memory_space<vmem>> -> memref<1x128x64xf32, #tpu.memory_space<vmem>>
    %dma_start3A_280 = tpu.memref_squeeze %dma_start3A_279 : memref<1x128x64xf32, #tpu.memory_space<vmem>> -> memref<128x64xf32, #tpu.memory_space<vmem>>
    %dma_start3A_281 = arith.constant 0 : i32
    %dma_start3A_282 = arith.constant 0 : i32
    %dma_start3A_283 = tpu.memref_slice %arg6[%add3A_275, %dma_start3A_281, %dma_start3A_282] : memref<128x128x128xf32, #tpu.memory_space<hbm>> -> memref<1x128x64xf32, #tpu.memory_space<hbm>>
    %dma_start3A_284 = tpu.memref_squeeze %dma_start3A_283 : memref<1x128x64xf32, #tpu.memory_space<hbm>> -> memref<128x64xf32, #tpu.memory_space<hbm>>
    %dma_start3A_285 = arith.constant 0 : i32
    %dma_start3A_286 = arith.constant 0 : i32
    %dma_start3A_287 = tpu.memref_slice %arg6[%add3A_275, %dma_start3A_285, %dma_start3A_286] : memref<128x128x128xf32, #tpu.memory_space<hbm>> -> memref<1x128x64xf32, #tpu.memory_space<hbm>>
    %dma_start3A_288 = tpu.memref_squeeze %dma_start3A_287 : memref<1x128x64xf32, #tpu.memory_space<hbm>> -> memref<128x64xf32, #tpu.memory_space<hbm>>
    %dma_start3A_289 = arith.constant 0 : i32
    %dma_start3A_290 = arith.constant 64 : i32
    %dma_start3A_291 = tpu.memref_slice %arg10[%dma_start3A_276, %dma_start3A_289, %dma_start3A_290] : memref<3x128x128xf32, #tpu.memory_space<vmem>> -> memref<1x128x64xf32, #tpu.memory_space<vmem>>
    %dma_start3A_292 = tpu.memref_squeeze %dma_start3A_291 : memref<1x128x64xf32, #tpu.memory_space<vmem>> -> memref<128x64xf32, #tpu.memory_space<vmem>>
    tpu.enqueue_dma source(%dma_start3A_292 : memref<128x64xf32, #tpu.memory_space<vmem>>) target(%dma_start3A_288 : memref<128x64xf32, #tpu.memory_space<hbm>>) target_semaphore(%arg14 : memref<!tpu.dma_semaphore, #tpu.memory_space<semaphore_mem>>)
    %add3A_293 = arith.constant 1 : i32
    %add3A_294 = arith.addi %mul3A_2, %add3A_293 : i32
    %dma_start3A_295 = arith.constant 1 : i32
    %dma_start3A_296 = arith.constant 0 : i32
    %dma_start3A_297 = arith.constant 64 : i32
    %dma_start3A_298 = tpu.memref_slice %arg11[%dma_start3A_295, %dma_start3A_296, %dma_start3A_297] : memref<3x128x128xf32, #tpu.memory_space<vmem>> -> memref<1x128x64xf32, #tpu.memory_space<vmem>>
    %dma_start3A_299 = tpu.memref_squeeze %dma_start3A_298 : memref<1x128x64xf32, #tpu.memory_space<vmem>> -> memref<128x64xf32, #tpu.memory_space<vmem>>
    %dma_start3A_300 = arith.constant 0 : i32
    %dma_start3A_301 = arith.constant 64 : i32
    %dma_start3A_302 = tpu.memref_slice %arg6[%add3A_294, %dma_start3A_300, %dma_start3A_301] : memref<128x128x128xf32, #tpu.memory_space<hbm>> -> memref<1x128x64xf32, #tpu.memory_space<hbm>>
    %dma_start3A_303 = tpu.memref_squeeze %dma_start3A_302 : memref<1x128x64xf32, #tpu.memory_space<hbm>> -> memref<128x64xf32, #tpu.memory_space<hbm>>
    %dma_start3A_304 = arith.constant 0 : i32
    %dma_start3A_305 = arith.constant 64 : i32
    %dma_start3A_306 = tpu.memref_slice %arg6[%add3A_294, %dma_start3A_304, %dma_start3A_305] : memref<128x128x128xf32, #tpu.memory_space<hbm>> -> memref<1x128x64xf32, #tpu.memory_space<hbm>>
    %dma_start3A_307 = tpu.memref_squeeze %dma_start3A_306 : memref<1x128x64xf32, #tpu.memory_space<hbm>> -> memref<128x64xf32, #tpu.memory_space<hbm>>
    %dma_start3A_308 = arith.constant 0 : i32
    %dma_start3A_309 = arith.constant 64 : i32
    %dma_start3A_310 = tpu.memref_slice %arg11[%dma_start3A_295, %dma_start3A_308, %dma_start3A_309] : memref<3x128x128xf32, #tpu.memory_space<vmem>> -> memref<1x128x64xf32, #tpu.memory_space<vmem>>
    %dma_start3A_311 = tpu.memref_squeeze %dma_start3A_310 : memref<1x128x64xf32, #tpu.memory_space<vmem>> -> memref<128x64xf32, #tpu.memory_space<vmem>>
    tpu.enqueue_dma source(%dma_start3A_311 : memref<128x64xf32, #tpu.memory_space<vmem>>) target(%dma_start3A_307 : memref<128x64xf32, #tpu.memory_space<hbm>>) target_semaphore(%arg14 : memref<!tpu.dma_semaphore, #tpu.memory_space<semaphore_mem>>)
    %dma_wait3A_312 = arith.constant 2 : i32
    %dma_wait3A_313 = arith.constant 2 : i32
    %dma_wait3A_314 = arith.constant 0 : i32
    %dma_wait3A_315 = arith.constant 0 : i32
    %dma_wait3A_316 = tpu.memref_slice %arg10[%dma_wait3A_313, %dma_wait3A_314, %dma_wait3A_315] : memref<3x128x128xf32, #tpu.memory_space<vmem>> -> memref<1x128x128xf32, #tpu.memory_space<vmem>>
    %dma_wait3A_317 = tpu.memref_squeeze %dma_wait3A_316 : memref<1x128x128xf32, #tpu.memory_space<vmem>> -> memref<128x128xf32, #tpu.memory_space<vmem>>
    %dma_wait3A_318 = arith.constant 0 : i32
    %dma_wait3A_319 = tpu.memref_slice %arg8[%dma_wait3A_312, %dma_wait3A_318] : memref<4x128xi32, #tpu.memory_space<vmem>> -> memref<1x128xi32, #tpu.memory_space<vmem>>
    %dma_wait3A_320 = tpu.memref_squeeze %dma_wait3A_319 : memref<1x128xi32, #tpu.memory_space<vmem>> -> memref<128xi32, #tpu.memory_space<vmem>>
    %dma_wait3A_321 = arith.constant 0 : i32
    %dma_wait3A_322 = arith.constant 0 : i32
    %dma_wait3A_323 = tpu.memref_slice %arg4[%dma_wait3A_321, %dma_wait3A_322] : memref<9999x128xf32, #tpu.memory_space<hbm>> -> memref<9999x128xf32, #tpu.memory_space<hbm>>
    tpu.wait_indirect_dma semaphore(%arg13 : memref<!tpu.dma_semaphore, #tpu.memory_space<semaphore_mem>>) src(%dma_wait3A_323 : memref<9999x128xf32, #tpu.memory_space<hbm>>) dst(%dma_wait3A_317 : memref<128x128xf32, #tpu.memory_space<vmem>>)
    %dma_wait3A_324 = arith.constant 2 : i32
    %dma_wait3A_325 = arith.constant 2 : i32
    %dma_wait3A_326 = arith.constant 0 : i32
    %dma_wait3A_327 = arith.constant 0 : i32
    %dma_wait3A_328 = tpu.memref_slice %arg11[%dma_wait3A_325, %dma_wait3A_326, %dma_wait3A_327] : memref<3x128x128xf32, #tpu.memory_space<vmem>> -> memref<1x128x128xf32, #tpu.memory_space<vmem>>
    %dma_wait3A_329 = tpu.memref_squeeze %dma_wait3A_328 : memref<1x128x128xf32, #tpu.memory_space<vmem>> -> memref<128x128xf32, #tpu.memory_space<vmem>>
    %dma_wait3A_330 = arith.constant 0 : i32
    %dma_wait3A_331 = tpu.memref_slice %arg9[%dma_wait3A_324, %dma_wait3A_330] : memref<4x128xi32, #tpu.memory_space<vmem>> -> memref<1x128xi32, #tpu.memory_space<vmem>>
    %dma_wait3A_332 = tpu.memref_squeeze %dma_wait3A_331 : memref<1x128xi32, #tpu.memory_space<vmem>> -> memref<128xi32, #tpu.memory_space<vmem>>
    %dma_wait3A_333 = arith.constant 0 : i32
    %dma_wait3A_334 = arith.constant 0 : i32
    %dma_wait3A_335 = tpu.memref_slice %arg5[%dma_wait3A_333, %dma_wait3A_334] : memref<9999x128xf32, #tpu.memory_space<hbm>> -> memref<9999x128xf32, #tpu.memory_space<hbm>>
    tpu.wait_indirect_dma semaphore(%arg13 : memref<!tpu.dma_semaphore, #tpu.memory_space<semaphore_mem>>) src(%dma_wait3A_335 : memref<9999x128xf32, #tpu.memory_space<hbm>>) dst(%dma_wait3A_329 : memref<128x128xf32, #tpu.memory_space<vmem>>)
    %scan3A_336 = arith.constant 0 : i32
    %scan3A_337 = arith.constant 0 : i32
    %scan3A_338 = arith.constant 128 : i32
    %scan3A_339 = arith.addi %scan3A_337, %scan3A_338 : i32
    %scan3A_340 = arith.constant 4 : i32
    scf.for %scan3A_560 = %scan3A_337 to %scan3A_339 step %scan3A_340  : i32 {
      %get3A = arith.constant 2 : i32
      %get3A_561 = arith.index_cast %get3A : i32 to index
      %get3A_562 = arith.index_cast %scan3A_560 : i32 to index
      %get3A_563 = arith.constant 0 : index
      %get3A_564 = tpu.vector_load %arg10[%get3A_561, %get3A_562, %get3A_563] {strides = array<i32>} : memref<3x128x128xf32, #tpu.memory_space<vmem>>, vector<16xf32>,
      %get3A_565 = arith.constant 2 : i32
      %get3A_566 = arith.index_cast %get3A_565 : i32 to index
      %get3A_567 = arith.index_cast %scan3A_560 : i32 to index
      %get3A_568 = arith.constant 0 : index
      %get3A_569 = tpu.vector_load %arg11[%get3A_566, %get3A_567, %get3A_568] {strides = array<i32>} : memref<3x128x128xf32, #tpu.memory_space<vmem>>, vector<16xf32>,
      %mul3A_570 = arith.mulf %get3A_564, %get3A_569 : vector<16xf32>
      %get3A_571 = arith.constant 2 : i32
      %get3A_572 = arith.index_cast %get3A_571 : i32 to index
      %get3A_573 = arith.index_cast %scan3A_560 : i32 to index
      %get3A_574 = arith.constant 16 : index
      %get3A_575 = tpu.vector_load %arg10[%get3A_572, %get3A_573, %get3A_574] {strides = array<i32>} : memref<3x128x128xf32, #tpu.memory_space<vmem>>, vector<16xf32>,
      %get3A_576 = arith.constant 2 : i32
      %get3A_577 = arith.index_cast %get3A_576 : i32 to index
      %get3A_578 = arith.index_cast %scan3A_560 : i32 to index
      %get3A_579 = arith.constant 16 : index
      %get3A_580 = tpu.vector_load %arg11[%get3A_577, %get3A_578, %get3A_579] {strides = array<i32>} : memref<3x128x128xf32, #tpu.memory_space<vmem>>, vector<16xf32>,
      %mul3A_581 = arith.mulf %get3A_575, %get3A_580 : vector<16xf32>
      %add3A_582 = arith.addf %mul3A_570, %mul3A_581 : vector<16xf32>
      %get3A_583 = arith.constant 2 : i32
      %get3A_584 = arith.index_cast %get3A_583 : i32 to index
      %get3A_585 = arith.index_cast %scan3A_560 : i32 to index
      %get3A_586 = arith.constant 32 : index
      %get3A_587 = tpu.vector_load %arg10[%get3A_584, %get3A_585, %get3A_586] {strides = array<i32>} : memref<3x128x128xf32, #tpu.memory_space<vmem>>, vector<16xf32>,
      %get3A_588 = arith.constant 2 : i32
      %get3A_589 = arith.index_cast %get3A_588 : i32 to index
      %get3A_590 = arith.index_cast %scan3A_560 : i32 to index
      %get3A_591 = arith.constant 32 : index
      %get3A_592 = tpu.vector_load %arg11[%get3A_589, %get3A_590, %get3A_591] {strides = array<i32>} : memref<3x128x128xf32, #tpu.memory_space<vmem>>, vector<16xf32>,
      %mul3A_593 = arith.mulf %get3A_587, %get3A_592 : vector<16xf32>
      %add3A_594 = arith.addf %add3A_582, %mul3A_593 : vector<16xf32>
      %get3A_595 = arith.constant 2 : i32
      %get3A_596 = arith.index_cast %get3A_595 : i32 to index
      %get3A_597 = arith.index_cast %scan3A_560 : i32 to index
      %get3A_598 = arith.constant 48 : index
      %get3A_599 = tpu.vector_load %arg10[%get3A_596, %get3A_597, %get3A_598] {strides = array<i32>} : memref<3x128x128xf32, #tpu.memory_space<vmem>>, vector<16xf32>,
      %get3A_600 = arith.constant 2 : i32
      %get3A_601 = arith.index_cast %get3A_600 : i32 to index
      %get3A_602 = arith.index_cast %scan3A_560 : i32 to index
      %get3A_603 = arith.constant 48 : index
      %get3A_604 = tpu.vector_load %arg11[%get3A_601, %get3A_602, %get3A_603] {strides = array<i32>} : memref<3x128x128xf32, #tpu.memory_space<vmem>>, vector<16xf32>,
      %mul3A_605 = arith.mulf %get3A_599, %get3A_604 : vector<16xf32>
      %add3A_606 = arith.addf %add3A_594, %mul3A_605 : vector<16xf32>
      %add3A_607 = arith.constant 32 : i32
      %add3A_608 = vector.broadcast %add3A_607 : i32 to vector<16xi32>
      %add3A_609 = arith.addi %iota3A, %add3A_608 : vector<16xi32>
      %add3A_610 = vector.broadcast %scan3A_560 : i32 to vector<16xi32>
      %add3A_611 = arith.addi %mul3A_48, %add3A_610 : vector<16xi32>
      tpu.vector_store_idx %arg12[%add3A_609, %add3A_611], %add3A_606 : memref<64x128xf32, #tpu.memory_space<vmem>>[vector<16xi32>, vector<16xi32>], vector<16xf32>,
      %scan3A_612 = arith.constant 1 : i32
      %scan3A_613 = arith.addi %scan3A_560, %scan3A_612 : i32
      %get3A_614 = arith.constant 2 : i32
      %get3A_615 = arith.index_cast %get3A_614 : i32 to index
      %get3A_616 = arith.index_cast %scan3A_613 : i32 to index
      %get3A_617 = arith.constant 0 : index
      %get3A_618 = tpu.vector_load %arg10[%get3A_615, %get3A_616, %get3A_617] {strides = array<i32>} : memref<3x128x128xf32, #tpu.memory_space<vmem>>, vector<16xf32>,
      %get3A_619 = arith.constant 2 : i32
      %get3A_620 = arith.index_cast %get3A_619 : i32 to index
      %get3A_621 = arith.index_cast %scan3A_613 : i32 to index
      %get3A_622 = arith.constant 0 : index
      %get3A_623 = tpu.vector_load %arg11[%get3A_620, %get3A_621, %get3A_622] {strides = array<i32>} : memref<3x128x128xf32, #tpu.memory_space<vmem>>, vector<16xf32>,
      %mul3A_624 = arith.mulf %get3A_618, %get3A_623 : vector<16xf32>
      %get3A_625 = arith.constant 2 : i32
      %get3A_626 = arith.index_cast %get3A_625 : i32 to index
      %get3A_627 = arith.index_cast %scan3A_613 : i32 to index
      %get3A_628 = arith.constant 16 : index
      %get3A_629 = tpu.vector_load %arg10[%get3A_626, %get3A_627, %get3A_628] {strides = array<i32>} : memref<3x128x128xf32, #tpu.memory_space<vmem>>, vector<16xf32>,
      %get3A_630 = arith.constant 2 : i32
      %get3A_631 = arith.index_cast %get3A_630 : i32 to index
      %get3A_632 = arith.index_cast %scan3A_613 : i32 to index
      %get3A_633 = arith.constant 16 : index
      %get3A_634 = tpu.vector_load %arg11[%get3A_631, %get3A_632, %get3A_633] {strides = array<i32>} : memref<3x128x128xf32, #tpu.memory_space<vmem>>, vector<16xf32>,
      %mul3A_635 = arith.mulf %get3A_629, %get3A_634 : vector<16xf32>
      %add3A_636 = arith.addf %mul3A_624, %mul3A_635 : vector<16xf32>
      %get3A_637 = arith.constant 2 : i32
      %get3A_638 = arith.index_cast %get3A_637 : i32 to index
      %get3A_639 = arith.index_cast %scan3A_613 : i32 to index
      %get3A_640 = arith.constant 32 : index
      %get3A_641 = tpu.vector_load %arg10[%get3A_638, %get3A_639, %get3A_640] {strides = array<i32>} : memref<3x128x128xf32, #tpu.memory_space<vmem>>, vector<16xf32>,
      %get3A_642 = arith.constant 2 : i32
      %get3A_643 = arith.index_cast %get3A_642 : i32 to index
      %get3A_644 = arith.index_cast %scan3A_613 : i32 to index
      %get3A_645 = arith.constant 32 : index
      %get3A_646 = tpu.vector_load %arg11[%get3A_643, %get3A_644, %get3A_645] {strides = array<i32>} : memref<3x128x128xf32, #tpu.memory_space<vmem>>, vector<16xf32>,
      %mul3A_647 = arith.mulf %get3A_641, %get3A_646 : vector<16xf32>
      %add3A_648 = arith.addf %add3A_636, %mul3A_647 : vector<16xf32>
      %get3A_649 = arith.constant 2 : i32
      %get3A_650 = arith.index_cast %get3A_649 : i32 to index
      %get3A_651 = arith.index_cast %scan3A_613 : i32 to index
      %get3A_652 = arith.constant 48 : index
      %get3A_653 = tpu.vector_load %arg10[%get3A_650, %get3A_651, %get3A_652] {strides = array<i32>} : memref<3x128x128xf32, #tpu.memory_space<vmem>>, vector<16xf32>,
      %get3A_654 = arith.constant 2 : i32
      %get3A_655 = arith.index_cast %get3A_654 : i32 to index
      %get3A_656 = arith.index_cast %scan3A_613 : i32 to index
      %get3A_657 = arith.constant 48 : index
      %get3A_658 = tpu.vector_load %arg11[%get3A_655, %get3A_656, %get3A_657] {strides = array<i32>} : memref<3x128x128xf32, #tpu.memory_space<vmem>>, vector<16xf32>,
      %mul3A_659 = arith.mulf %get3A_653, %get3A_658 : vector<16xf32>
      %add3A_660 = arith.addf %add3A_648, %mul3A_659 : vector<16xf32>
      %add3A_661 = arith.constant 32 : i32
      %add3A_662 = vector.broadcast %add3A_661 : i32 to vector<16xi32>
      %add3A_663 = arith.addi %iota3A, %add3A_662 : vector<16xi32>
      %add3A_664 = vector.broadcast %scan3A_613 : i32 to vector<16xi32>
      %add3A_665 = arith.addi %mul3A_48, %add3A_664 : vector<16xi32>
      tpu.vector_store_idx %arg12[%add3A_663, %add3A_665], %add3A_660 : memref<64x128xf32, #tpu.memory_space<vmem>>[vector<16xi32>, vector<16xi32>], vector<16xf32>,
      %scan3A_666 = arith.constant 2 : i32
      %scan3A_667 = arith.addi %scan3A_560, %scan3A_666 : i32
      %get3A_668 = arith.constant 2 : i32
      %get3A_669 = arith.index_cast %get3A_668 : i32 to index
      %get3A_670 = arith.index_cast %scan3A_667 : i32 to index
      %get3A_671 = arith.constant 0 : index
      %get3A_672 = tpu.vector_load %arg10[%get3A_669, %get3A_670, %get3A_671] {strides = array<i32>} : memref<3x128x128xf32, #tpu.memory_space<vmem>>, vector<16xf32>,
      %get3A_673 = arith.constant 2 : i32
      %get3A_674 = arith.index_cast %get3A_673 : i32 to index
      %get3A_675 = arith.index_cast %scan3A_667 : i32 to index
      %get3A_676 = arith.constant 0 : index
      %get3A_677 = tpu.vector_load %arg11[%get3A_674, %get3A_675, %get3A_676] {strides = array<i32>} : memref<3x128x128xf32, #tpu.memory_space<vmem>>, vector<16xf32>,
      %mul3A_678 = arith.mulf %get3A_672, %get3A_677 : vector<16xf32>
      %get3A_679 = arith.constant 2 : i32
      %get3A_680 = arith.index_cast %get3A_679 : i32 to index
      %get3A_681 = arith.index_cast %scan3A_667 : i32 to index
      %get3A_682 = arith.constant 16 : index
      %get3A_683 = tpu.vector_load %arg10[%get3A_680, %get3A_681, %get3A_682] {strides = array<i32>} : memref<3x128x128xf32, #tpu.memory_space<vmem>>, vector<16xf32>,
      %get3A_684 = arith.constant 2 : i32
      %get3A_685 = arith.index_cast %get3A_684 : i32 to index
      %get3A_686 = arith.index_cast %scan3A_667 : i32 to index
      %get3A_687 = arith.constant 16 : index
      %get3A_688 = tpu.vector_load %arg11[%get3A_685, %get3A_686, %get3A_687] {strides = array<i32>} : memref<3x128x128xf32, #tpu.memory_space<vmem>>, vector<16xf32>,
      %mul3A_689 = arith.mulf %get3A_683, %get3A_688 : vector<16xf32>
      %add3A_690 = arith.addf %mul3A_678, %mul3A_689 : vector<16xf32>
      %get3A_691 = arith.constant 2 : i32
      %get3A_692 = arith.index_cast %get3A_691 : i32 to index
      %get3A_693 = arith.index_cast %scan3A_667 : i32 to index
      %get3A_694 = arith.constant 32 : index
      %get3A_695 = tpu.vector_load %arg10[%get3A_692, %get3A_693, %get3A_694] {strides = array<i32>} : memref<3x128x128xf32, #tpu.memory_space<vmem>>, vector<16xf32>,
      %get3A_696 = arith.constant 2 : i32
      %get3A_697 = arith.index_cast %get3A_696 : i32 to index
      %get3A_698 = arith.index_cast %scan3A_667 : i32 to index
      %get3A_699 = arith.constant 32 : index
      %get3A_700 = tpu.vector_load %arg11[%get3A_697, %get3A_698, %get3A_699] {strides = array<i32>} : memref<3x128x128xf32, #tpu.memory_space<vmem>>, vector<16xf32>,
      %mul3A_701 = arith.mulf %get3A_695, %get3A_700 : vector<16xf32>
      %add3A_702 = arith.addf %add3A_690, %mul3A_701 : vector<16xf32>
      %get3A_703 = arith.constant 2 : i32
      %get3A_704 = arith.index_cast %get3A_703 : i32 to index
      %get3A_705 = arith.index_cast %scan3A_667 : i32 to index
      %get3A_706 = arith.constant 48 : index
      %get3A_707 = tpu.vector_load %arg10[%get3A_704, %get3A_705, %get3A_706] {strides = array<i32>} : memref<3x128x128xf32, #tpu.memory_space<vmem>>, vector<16xf32>,
      %get3A_708 = arith.constant 2 : i32
      %get3A_709 = arith.index_cast %get3A_708 : i32 to index
      %get3A_710 = arith.index_cast %scan3A_667 : i32 to index
      %get3A_711 = arith.constant 48 : index
      %get3A_712 = tpu.vector_load %arg11[%get3A_709, %get3A_710, %get3A_711] {strides = array<i32>} : memref<3x128x128xf32, #tpu.memory_space<vmem>>, vector<16xf32>,
      %mul3A_713 = arith.mulf %get3A_707, %get3A_712 : vector<16xf32>
      %add3A_714 = arith.addf %add3A_702, %mul3A_713 : vector<16xf32>
      %add3A_715 = arith.constant 32 : i32
      %add3A_716 = vector.broadcast %add3A_715 : i32 to vector<16xi32>
      %add3A_717 = arith.addi %iota3A, %add3A_716 : vector<16xi32>
      %add3A_718 = vector.broadcast %scan3A_667 : i32 to vector<16xi32>
      %add3A_719 = arith.addi %mul3A_48, %add3A_718 : vector<16xi32>
      tpu.vector_store_idx %arg12[%add3A_717, %add3A_719], %add3A_714 : memref<64x128xf32, #tpu.memory_space<vmem>>[vector<16xi32>, vector<16xi32>], vector<16xf32>,
      %scan3A_720 = arith.constant 3 : i32
      %scan3A_721 = arith.addi %scan3A_560, %scan3A_720 : i32
      %get3A_722 = arith.constant 2 : i32
      %get3A_723 = arith.index_cast %get3A_722 : i32 to index
      %get3A_724 = arith.index_cast %scan3A_721 : i32 to index
      %get3A_725 = arith.constant 0 : index
      %get3A_726 = tpu.vector_load %arg10[%get3A_723, %get3A_724, %get3A_725] {strides = array<i32>} : memref<3x128x128xf32, #tpu.memory_space<vmem>>, vector<16xf32>,
      %get3A_727 = arith.constant 2 : i32
      %get3A_728 = arith.index_cast %get3A_727 : i32 to index
      %get3A_729 = arith.index_cast %scan3A_721 : i32 to index
      %get3A_730 = arith.constant 0 : index
      %get3A_731 = tpu.vector_load %arg11[%get3A_728, %get3A_729, %get3A_730] {strides = array<i32>} : memref<3x128x128xf32, #tpu.memory_space<vmem>>, vector<16xf32>,
      %mul3A_732 = arith.mulf %get3A_726, %get3A_731 : vector<16xf32>
      %get3A_733 = arith.constant 2 : i32
      %get3A_734 = arith.index_cast %get3A_733 : i32 to index
      %get3A_735 = arith.index_cast %scan3A_721 : i32 to index
      %get3A_736 = arith.constant 16 : index
      %get3A_737 = tpu.vector_load %arg10[%get3A_734, %get3A_735, %get3A_736] {strides = array<i32>} : memref<3x128x128xf32, #tpu.memory_space<vmem>>, vector<16xf32>,
      %get3A_738 = arith.constant 2 : i32
      %get3A_739 = arith.index_cast %get3A_738 : i32 to index
      %get3A_740 = arith.index_cast %scan3A_721 : i32 to index
      %get3A_741 = arith.constant 16 : index
      %get3A_742 = tpu.vector_load %arg11[%get3A_739, %get3A_740, %get3A_741] {strides = array<i32>} : memref<3x128x128xf32, #tpu.memory_space<vmem>>, vector<16xf32>,
      %mul3A_743 = arith.mulf %get3A_737, %get3A_742 : vector<16xf32>
      %add3A_744 = arith.addf %mul3A_732, %mul3A_743 : vector<16xf32>
      %get3A_745 = arith.constant 2 : i32
      %get3A_746 = arith.index_cast %get3A_745 : i32 to index
      %get3A_747 = arith.index_cast %scan3A_721 : i32 to index
      %get3A_748 = arith.constant 32 : index
      %get3A_749 = tpu.vector_load %arg10[%get3A_746, %get3A_747, %get3A_748] {strides = array<i32>} : memref<3x128x128xf32, #tpu.memory_space<vmem>>, vector<16xf32>,
      %get3A_750 = arith.constant 2 : i32
      %get3A_751 = arith.index_cast %get3A_750 : i32 to index
      %get3A_752 = arith.index_cast %scan3A_721 : i32 to index
      %get3A_753 = arith.constant 32 : index
      %get3A_754 = tpu.vector_load %arg11[%get3A_751, %get3A_752, %get3A_753] {strides = array<i32>} : memref<3x128x128xf32, #tpu.memory_space<vmem>>, vector<16xf32>,
      %mul3A_755 = arith.mulf %get3A_749, %get3A_754 : vector<16xf32>
      %add3A_756 = arith.addf %add3A_744, %mul3A_755 : vector<16xf32>
      %get3A_757 = arith.constant 2 : i32
      %get3A_758 = arith.index_cast %get3A_757 : i32 to index
      %get3A_759 = arith.index_cast %scan3A_721 : i32 to index
      %get3A_760 = arith.constant 48 : index
      %get3A_761 = tpu.vector_load %arg10[%get3A_758, %get3A_759, %get3A_760] {strides = array<i32>} : memref<3x128x128xf32, #tpu.memory_space<vmem>>, vector<16xf32>,
      %get3A_762 = arith.constant 2 : i32
      %get3A_763 = arith.index_cast %get3A_762 : i32 to index
      %get3A_764 = arith.index_cast %scan3A_721 : i32 to index
      %get3A_765 = arith.constant 48 : index
      %get3A_766 = tpu.vector_load %arg11[%get3A_763, %get3A_764, %get3A_765] {strides = array<i32>} : memref<3x128x128xf32, #tpu.memory_space<vmem>>, vector<16xf32>,
      %mul3A_767 = arith.mulf %get3A_761, %get3A_766 : vector<16xf32>
      %add3A_768 = arith.addf %add3A_756, %mul3A_767 : vector<16xf32>
      %add3A_769 = arith.constant 32 : i32
      %add3A_770 = vector.broadcast %add3A_769 : i32 to vector<16xi32>
      %add3A_771 = arith.addi %iota3A, %add3A_770 : vector<16xi32>
      %add3A_772 = vector.broadcast %scan3A_721 : i32 to vector<16xi32>
      %add3A_773 = arith.addi %mul3A_48, %add3A_772 : vector<16xi32>
      tpu.vector_store_idx %arg12[%add3A_771, %add3A_773], %add3A_768 : memref<64x128xf32, #tpu.memory_space<vmem>>[vector<16xi32>, vector<16xi32>], vector<16xf32>,
    }
    %scan3A_341 = arith.constant 128 : i32
    %add3A_342 = arith.constant 2 : i32
    %add3A_343 = arith.addi %mul3A_2, %add3A_342 : i32
    %dma_start3A_344 = arith.constant 2 : i32
    %dma_start3A_345 = arith.constant 0 : i32
    %dma_start3A_346 = arith.constant 64 : i32
    %dma_start3A_347 = tpu.memref_slice %arg10[%dma_start3A_344, %dma_start3A_345, %dma_start3A_346] : memref<3x128x128xf32, #tpu.memory_space<vmem>> -> memref<1x128x64xf32, #tpu.memory_space<vmem>>
    %dma_start3A_348 = tpu.memref_squeeze %dma_start3A_347 : memref<1x128x64xf32, #tpu.memory_space<vmem>> -> memref<128x64xf32, #tpu.memory_space<vmem>>
    %dma_start3A_349 = arith.constant 0 : i32
    %dma_start3A_350 = arith.constant 0 : i32
    %dma_start3A_351 = tpu.memref_slice %arg6[%add3A_343, %dma_start3A_349, %dma_start3A_350] : memref<128x128x128xf32, #tpu.memory_space<hbm>> -> memref<1x128x64xf32, #tpu.memory_space<hbm>>
    %dma_start3A_352 = tpu.memref_squeeze %dma_start3A_351 : memref<1x128x64xf32, #tpu.memory_space<hbm>> -> memref<128x64xf32, #tpu.memory_space<hbm>>
    %dma_start3A_353 = arith.constant 0 : i32
    %dma_start3A_354 = arith.constant 0 : i32
    %dma_start3A_355 = tpu.memref_slice %arg6[%add3A_343, %dma_start3A_353, %dma_start3A_354] : memref<128x128x128xf32, #tpu.memory_space<hbm>> -> memref<1x128x64xf32, #tpu.memory_space<hbm>>
    %dma_start3A_356 = tpu.memref_squeeze %dma_start3A_355 : memref<1x128x64xf32, #tpu.memory_space<hbm>> -> memref<128x64xf32, #tpu.memory_space<hbm>>
    %dma_start3A_357 = arith.constant 0 : i32
    %dma_start3A_358 = arith.constant 64 : i32
    %dma_start3A_359 = tpu.memref_slice %arg10[%dma_start3A_344, %dma_start3A_357, %dma_start3A_358] : memref<3x128x128xf32, #tpu.memory_space<vmem>> -> memref<1x128x64xf32, #tpu.memory_space<vmem>>
    %dma_start3A_360 = tpu.memref_squeeze %dma_start3A_359 : memref<1x128x64xf32, #tpu.memory_space<vmem>> -> memref<128x64xf32, #tpu.memory_space<vmem>>
    tpu.enqueue_dma source(%dma_start3A_360 : memref<128x64xf32, #tpu.memory_space<vmem>>) target(%dma_start3A_356 : memref<128x64xf32, #tpu.memory_space<hbm>>) target_semaphore(%arg14 : memref<!tpu.dma_semaphore, #tpu.memory_space<semaphore_mem>>)
    %add3A_361 = arith.constant 2 : i32
    %add3A_362 = arith.addi %mul3A_2, %add3A_361 : i32
    %dma_start3A_363 = arith.constant 2 : i32
    %dma_start3A_364 = arith.constant 0 : i32
    %dma_start3A_365 = arith.constant 64 : i32
    %dma_start3A_366 = tpu.memref_slice %arg11[%dma_start3A_363, %dma_start3A_364, %dma_start3A_365] : memref<3x128x128xf32, #tpu.memory_space<vmem>> -> memref<1x128x64xf32, #tpu.memory_space<vmem>>
    %dma_start3A_367 = tpu.memref_squeeze %dma_start3A_366 : memref<1x128x64xf32, #tpu.memory_space<vmem>> -> memref<128x64xf32, #tpu.memory_space<vmem>>
    %dma_start3A_368 = arith.constant 0 : i32
    %dma_start3A_369 = arith.constant 64 : i32
    %dma_start3A_370 = tpu.memref_slice %arg6[%add3A_362, %dma_start3A_368, %dma_start3A_369] : memref<128x128x128xf32, #tpu.memory_space<hbm>> -> memref<1x128x64xf32, #tpu.memory_space<hbm>>
    %dma_start3A_371 = tpu.memref_squeeze %dma_start3A_370 : memref<1x128x64xf32, #tpu.memory_space<hbm>> -> memref<128x64xf32, #tpu.memory_space<hbm>>
    %dma_start3A_372 = arith.constant 0 : i32
    %dma_start3A_373 = arith.constant 64 : i32
    %dma_start3A_374 = tpu.memref_slice %arg6[%add3A_362, %dma_start3A_372, %dma_start3A_373] : memref<128x128x128xf32, #tpu.memory_space<hbm>> -> memref<1x128x64xf32, #tpu.memory_space<hbm>>
    %dma_start3A_375 = tpu.memref_squeeze %dma_start3A_374 : memref<1x128x64xf32, #tpu.memory_space<hbm>> -> memref<128x64xf32, #tpu.memory_space<hbm>>
    %dma_start3A_376 = arith.constant 0 : i32
    %dma_start3A_377 = arith.constant 64 : i32
    %dma_start3A_378 = tpu.memref_slice %arg11[%dma_start3A_363, %dma_start3A_376, %dma_start3A_377] : memref<3x128x128xf32, #tpu.memory_space<vmem>> -> memref<1x128x64xf32, #tpu.memory_space<vmem>>
    %dma_start3A_379 = tpu.memref_squeeze %dma_start3A_378 : memref<1x128x64xf32, #tpu.memory_space<vmem>> -> memref<128x64xf32, #tpu.memory_space<vmem>>
    tpu.enqueue_dma source(%dma_start3A_379 : memref<128x64xf32, #tpu.memory_space<vmem>>) target(%dma_start3A_375 : memref<128x64xf32, #tpu.memory_space<hbm>>) target_semaphore(%arg14 : memref<!tpu.dma_semaphore, #tpu.memory_space<semaphore_mem>>)
    %dma_wait3A_380 = arith.constant 3 : i32
    %dma_wait3A_381 = arith.constant 0 : i32
    %dma_wait3A_382 = arith.constant 0 : i32
    %dma_wait3A_383 = arith.constant 0 : i32
    %dma_wait3A_384 = tpu.memref_slice %arg10[%dma_wait3A_381, %dma_wait3A_382, %dma_wait3A_383] : memref<3x128x128xf32, #tpu.memory_space<vmem>> -> memref<1x128x128xf32, #tpu.memory_space<vmem>>
    %dma_wait3A_385 = tpu.memref_squeeze %dma_wait3A_384 : memref<1x128x128xf32, #tpu.memory_space<vmem>> -> memref<128x128xf32, #tpu.memory_space<vmem>>
    %dma_wait3A_386 = arith.constant 0 : i32
    %dma_wait3A_387 = tpu.memref_slice %arg8[%dma_wait3A_380, %dma_wait3A_386] : memref<4x128xi32, #tpu.memory_space<vmem>> -> memref<1x128xi32, #tpu.memory_space<vmem>>
    %dma_wait3A_388 = tpu.memref_squeeze %dma_wait3A_387 : memref<1x128xi32, #tpu.memory_space<vmem>> -> memref<128xi32, #tpu.memory_space<vmem>>
    %dma_wait3A_389 = arith.constant 0 : i32
    %dma_wait3A_390 = arith.constant 0 : i32
    %dma_wait3A_391 = tpu.memref_slice %arg4[%dma_wait3A_389, %dma_wait3A_390] : memref<9999x128xf32, #tpu.memory_space<hbm>> -> memref<9999x128xf32, #tpu.memory_space<hbm>>
    tpu.wait_indirect_dma semaphore(%arg13 : memref<!tpu.dma_semaphore, #tpu.memory_space<semaphore_mem>>) src(%dma_wait3A_391 : memref<9999x128xf32, #tpu.memory_space<hbm>>) dst(%dma_wait3A_385 : memref<128x128xf32, #tpu.memory_space<vmem>>)
    %dma_wait3A_392 = arith.constant 3 : i32
    %dma_wait3A_393 = arith.constant 0 : i32
    %dma_wait3A_394 = arith.constant 0 : i32
    %dma_wait3A_395 = arith.constant 0 : i32
    %dma_wait3A_396 = tpu.memref_slice %arg11[%dma_wait3A_393, %dma_wait3A_394, %dma_wait3A_395] : memref<3x128x128xf32, #tpu.memory_space<vmem>> -> memref<1x128x128xf32, #tpu.memory_space<vmem>>
    %dma_wait3A_397 = tpu.memref_squeeze %dma_wait3A_396 : memref<1x128x128xf32, #tpu.memory_space<vmem>> -> memref<128x128xf32, #tpu.memory_space<vmem>>
    %dma_wait3A_398 = arith.constant 0 : i32
    %dma_wait3A_399 = tpu.memref_slice %arg9[%dma_wait3A_392, %dma_wait3A_398] : memref<4x128xi32, #tpu.memory_space<vmem>> -> memref<1x128xi32, #tpu.memory_space<vmem>>
    %dma_wait3A_400 = tpu.memref_squeeze %dma_wait3A_399 : memref<1x128xi32, #tpu.memory_space<vmem>> -> memref<128xi32, #tpu.memory_space<vmem>>
    %dma_wait3A_401 = arith.constant 0 : i32
    %dma_wait3A_402 = arith.constant 0 : i32
    %dma_wait3A_403 = tpu.memref_slice %arg5[%dma_wait3A_401, %dma_wait3A_402] : memref<9999x128xf32, #tpu.memory_space<hbm>> -> memref<9999x128xf32, #tpu.memory_space<hbm>>
    tpu.wait_indirect_dma semaphore(%arg13 : memref<!tpu.dma_semaphore, #tpu.memory_space<semaphore_mem>>) src(%dma_wait3A_403 : memref<9999x128xf32, #tpu.memory_space<hbm>>) dst(%dma_wait3A_397 : memref<128x128xf32, #tpu.memory_space<vmem>>)
    %scan3A_404 = arith.constant 0 : i32
    %scan3A_405 = arith.constant 0 : i32
    %scan3A_406 = arith.constant 128 : i32
    %scan3A_407 = arith.addi %scan3A_405, %scan3A_406 : i32
    %scan3A_408 = arith.constant 4 : i32
    scf.for %scan3A_560 = %scan3A_405 to %scan3A_407 step %scan3A_408  : i32 {
      %get3A = arith.constant 0 : i32
      %get3A_561 = arith.index_cast %get3A : i32 to index
      %get3A_562 = arith.index_cast %scan3A_560 : i32 to index
      %get3A_563 = arith.constant 0 : index
      %get3A_564 = tpu.vector_load %arg10[%get3A_561, %get3A_562, %get3A_563] {strides = array<i32>} : memref<3x128x128xf32, #tpu.memory_space<vmem>>, vector<16xf32>,
      %get3A_565 = arith.constant 0 : i32
      %get3A_566 = arith.index_cast %get3A_565 : i32 to index
      %get3A_567 = arith.index_cast %scan3A_560 : i32 to index
      %get3A_568 = arith.constant 0 : index
      %get3A_569 = tpu.vector_load %arg11[%get3A_566, %get3A_567, %get3A_568] {strides = array<i32>} : memref<3x128x128xf32, #tpu.memory_space<vmem>>, vector<16xf32>,
      %mul3A_570 = arith.mulf %get3A_564, %get3A_569 : vector<16xf32>
      %get3A_571 = arith.constant 0 : i32
      %get3A_572 = arith.index_cast %get3A_571 : i32 to index
      %get3A_573 = arith.index_cast %scan3A_560 : i32 to index
      %get3A_574 = arith.constant 16 : index
      %get3A_575 = tpu.vector_load %arg10[%get3A_572, %get3A_573, %get3A_574] {strides = array<i32>} : memref<3x128x128xf32, #tpu.memory_space<vmem>>, vector<16xf32>,
      %get3A_576 = arith.constant 0 : i32
      %get3A_577 = arith.index_cast %get3A_576 : i32 to index
      %get3A_578 = arith.index_cast %scan3A_560 : i32 to index
      %get3A_579 = arith.constant 16 : index
      %get3A_580 = tpu.vector_load %arg11[%get3A_577, %get3A_578, %get3A_579] {strides = array<i32>} : memref<3x128x128xf32, #tpu.memory_space<vmem>>, vector<16xf32>,
      %mul3A_581 = arith.mulf %get3A_575, %get3A_580 : vector<16xf32>
      %add3A_582 = arith.addf %mul3A_570, %mul3A_581 : vector<16xf32>
      %get3A_583 = arith.constant 0 : i32
      %get3A_584 = arith.index_cast %get3A_583 : i32 to index
      %get3A_585 = arith.index_cast %scan3A_560 : i32 to index
      %get3A_586 = arith.constant 32 : index
      %get3A_587 = tpu.vector_load %arg10[%get3A_584, %get3A_585, %get3A_586] {strides = array<i32>} : memref<3x128x128xf32, #tpu.memory_space<vmem>>, vector<16xf32>,
      %get3A_588 = arith.constant 0 : i32
      %get3A_589 = arith.index_cast %get3A_588 : i32 to index
      %get3A_590 = arith.index_cast %scan3A_560 : i32 to index
      %get3A_591 = arith.constant 32 : index
      %get3A_592 = tpu.vector_load %arg11[%get3A_589, %get3A_590, %get3A_591] {strides = array<i32>} : memref<3x128x128xf32, #tpu.memory_space<vmem>>, vector<16xf32>,
      %mul3A_593 = arith.mulf %get3A_587, %get3A_592 : vector<16xf32>
      %add3A_594 = arith.addf %add3A_582, %mul3A_593 : vector<16xf32>
      %get3A_595 = arith.constant 0 : i32
      %get3A_596 = arith.index_cast %get3A_595 : i32 to index
      %get3A_597 = arith.index_cast %scan3A_560 : i32 to index
      %get3A_598 = arith.constant 48 : index
      %get3A_599 = tpu.vector_load %arg10[%get3A_596, %get3A_597, %get3A_598] {strides = array<i32>} : memref<3x128x128xf32, #tpu.memory_space<vmem>>, vector<16xf32>,
      %get3A_600 = arith.constant 0 : i32
      %get3A_601 = arith.index_cast %get3A_600 : i32 to index
      %get3A_602 = arith.index_cast %scan3A_560 : i32 to index
      %get3A_603 = arith.constant 48 : index
      %get3A_604 = tpu.vector_load %arg11[%get3A_601, %get3A_602, %get3A_603] {strides = array<i32>} : memref<3x128x128xf32, #tpu.memory_space<vmem>>, vector<16xf32>,
      %mul3A_605 = arith.mulf %get3A_599, %get3A_604 : vector<16xf32>
      %add3A_606 = arith.addf %add3A_594, %mul3A_605 : vector<16xf32>
      %add3A_607 = arith.constant 48 : i32
      %add3A_608 = vector.broadcast %add3A_607 : i32 to vector<16xi32>
      %add3A_609 = arith.addi %iota3A, %add3A_608 : vector<16xi32>
      %add3A_610 = vector.broadcast %scan3A_560 : i32 to vector<16xi32>
      %add3A_611 = arith.addi %mul3A_48, %add3A_610 : vector<16xi32>
      tpu.vector_store_idx %arg12[%add3A_609, %add3A_611], %add3A_606 : memref<64x128xf32, #tpu.memory_space<vmem>>[vector<16xi32>, vector<16xi32>], vector<16xf32>,
      %scan3A_612 = arith.constant 1 : i32
      %scan3A_613 = arith.addi %scan3A_560, %scan3A_612 : i32
      %get3A_614 = arith.constant 0 : i32
      %get3A_615 = arith.index_cast %get3A_614 : i32 to index
      %get3A_616 = arith.index_cast %scan3A_613 : i32 to index
      %get3A_617 = arith.constant 0 : index
      %get3A_618 = tpu.vector_load %arg10[%get3A_615, %get3A_616, %get3A_617] {strides = array<i32>} : memref<3x128x128xf32, #tpu.memory_space<vmem>>, vector<16xf32>,
      %get3A_619 = arith.constant 0 : i32
      %get3A_620 = arith.index_cast %get3A_619 : i32 to index
      %get3A_621 = arith.index_cast %scan3A_613 : i32 to index
      %get3A_622 = arith.constant 0 : index
      %get3A_623 = tpu.vector_load %arg11[%get3A_620, %get3A_621, %get3A_622] {strides = array<i32>} : memref<3x128x128xf32, #tpu.memory_space<vmem>>, vector<16xf32>,
      %mul3A_624 = arith.mulf %get3A_618, %get3A_623 : vector<16xf32>
      %get3A_625 = arith.constant 0 : i32
      %get3A_626 = arith.index_cast %get3A_625 : i32 to index
      %get3A_627 = arith.index_cast %scan3A_613 : i32 to index
      %get3A_628 = arith.constant 16 : index
      %get3A_629 = tpu.vector_load %arg10[%get3A_626, %get3A_627, %get3A_628] {strides = array<i32>} : memref<3x128x128xf32, #tpu.memory_space<vmem>>, vector<16xf32>,
      %get3A_630 = arith.constant 0 : i32
      %get3A_631 = arith.index_cast %get3A_630 : i32 to index
      %get3A_632 = arith.index_cast %scan3A_613 : i32 to index
      %get3A_633 = arith.constant 16 : index
      %get3A_634 = tpu.vector_load %arg11[%get3A_631, %get3A_632, %get3A_633] {strides = array<i32>} : memref<3x128x128xf32, #tpu.memory_space<vmem>>, vector<16xf32>,
      %mul3A_635 = arith.mulf %get3A_629, %get3A_634 : vector<16xf32>
      %add3A_636 = arith.addf %mul3A_624, %mul3A_635 : vector<16xf32>
      %get3A_637 = arith.constant 0 : i32
      %get3A_638 = arith.index_cast %get3A_637 : i32 to index
      %get3A_639 = arith.index_cast %scan3A_613 : i32 to index
      %get3A_640 = arith.constant 32 : index
      %get3A_641 = tpu.vector_load %arg10[%get3A_638, %get3A_639, %get3A_640] {strides = array<i32>} : memref<3x128x128xf32, #tpu.memory_space<vmem>>, vector<16xf32>,
      %get3A_642 = arith.constant 0 : i32
      %get3A_643 = arith.index_cast %get3A_642 : i32 to index
      %get3A_644 = arith.index_cast %scan3A_613 : i32 to index
      %get3A_645 = arith.constant 32 : index
      %get3A_646 = tpu.vector_load %arg11[%get3A_643, %get3A_644, %get3A_645] {strides = array<i32>} : memref<3x128x128xf32, #tpu.memory_space<vmem>>, vector<16xf32>,
      %mul3A_647 = arith.mulf %get3A_641, %get3A_646 : vector<16xf32>
      %add3A_648 = arith.addf %add3A_636, %mul3A_647 : vector<16xf32>
      %get3A_649 = arith.constant 0 : i32
      %get3A_650 = arith.index_cast %get3A_649 : i32 to index
      %get3A_651 = arith.index_cast %scan3A_613 : i32 to index
      %get3A_652 = arith.constant 48 : index
      %get3A_653 = tpu.vector_load %arg10[%get3A_650, %get3A_651, %get3A_652] {strides = array<i32>} : memref<3x128x128xf32, #tpu.memory_space<vmem>>, vector<16xf32>,
      %get3A_654 = arith.constant 0 : i32
      %get3A_655 = arith.index_cast %get3A_654 : i32 to index
      %get3A_656 = arith.index_cast %scan3A_613 : i32 to index
      %get3A_657 = arith.constant 48 : index
      %get3A_658 = tpu.vector_load %arg11[%get3A_655, %get3A_656, %get3A_657] {strides = array<i32>} : memref<3x128x128xf32, #tpu.memory_space<vmem>>, vector<16xf32>,
      %mul3A_659 = arith.mulf %get3A_653, %get3A_658 : vector<16xf32>
      %add3A_660 = arith.addf %add3A_648, %mul3A_659 : vector<16xf32>
      %add3A_661 = arith.constant 48 : i32
      %add3A_662 = vector.broadcast %add3A_661 : i32 to vector<16xi32>
      %add3A_663 = arith.addi %iota3A, %add3A_662 : vector<16xi32>
      %add3A_664 = vector.broadcast %scan3A_613 : i32 to vector<16xi32>
      %add3A_665 = arith.addi %mul3A_48, %add3A_664 : vector<16xi32>
      tpu.vector_store_idx %arg12[%add3A_663, %add3A_665], %add3A_660 : memref<64x128xf32, #tpu.memory_space<vmem>>[vector<16xi32>, vector<16xi32>], vector<16xf32>,
      %scan3A_666 = arith.constant 2 : i32
      %scan3A_667 = arith.addi %scan3A_560, %scan3A_666 : i32
      %get3A_668 = arith.constant 0 : i32
      %get3A_669 = arith.index_cast %get3A_668 : i32 to index
      %get3A_670 = arith.index_cast %scan3A_667 : i32 to index
      %get3A_671 = arith.constant 0 : index
      %get3A_672 = tpu.vector_load %arg10[%get3A_669, %get3A_670, %get3A_671] {strides = array<i32>} : memref<3x128x128xf32, #tpu.memory_space<vmem>>, vector<16xf32>,
      %get3A_673 = arith.constant 0 : i32
      %get3A_674 = arith.index_cast %get3A_673 : i32 to index
      %get3A_675 = arith.index_cast %scan3A_667 : i32 to index
      %get3A_676 = arith.constant 0 : index
      %get3A_677 = tpu.vector_load %arg11[%get3A_674, %get3A_675, %get3A_676] {strides = array<i32>} : memref<3x128x128xf32, #tpu.memory_space<vmem>>, vector<16xf32>,
      %mul3A_678 = arith.mulf %get3A_672, %get3A_677 : vector<16xf32>
      %get3A_679 = arith.constant 0 : i32
      %get3A_680 = arith.index_cast %get3A_679 : i32 to index
      %get3A_681 = arith.index_cast %scan3A_667 : i32 to index
      %get3A_682 = arith.constant 16 : index
      %get3A_683 = tpu.vector_load %arg10[%get3A_680, %get3A_681, %get3A_682] {strides = array<i32>} : memref<3x128x128xf32, #tpu.memory_space<vmem>>, vector<16xf32>,
      %get3A_684 = arith.constant 0 : i32
      %get3A_685 = arith.index_cast %get3A_684 : i32 to index
      %get3A_686 = arith.index_cast %scan3A_667 : i32 to index
      %get3A_687 = arith.constant 16 : index
      %get3A_688 = tpu.vector_load %arg11[%get3A_685, %get3A_686, %get3A_687] {strides = array<i32>} : memref<3x128x128xf32, #tpu.memory_space<vmem>>, vector<16xf32>,
      %mul3A_689 = arith.mulf %get3A_683, %get3A_688 : vector<16xf32>
      %add3A_690 = arith.addf %mul3A_678, %mul3A_689 : vector<16xf32>
      %get3A_691 = arith.constant 0 : i32
      %get3A_692 = arith.index_cast %get3A_691 : i32 to index
      %get3A_693 = arith.index_cast %scan3A_667 : i32 to index
      %get3A_694 = arith.constant 32 : index
      %get3A_695 = tpu.vector_load %arg10[%get3A_692, %get3A_693, %get3A_694] {strides = array<i32>} : memref<3x128x128xf32, #tpu.memory_space<vmem>>, vector<16xf32>,
      %get3A_696 = arith.constant 0 : i32
      %get3A_697 = arith.index_cast %get3A_696 : i32 to index
      %get3A_698 = arith.index_cast %scan3A_667 : i32 to index
      %get3A_699 = arith.constant 32 : index
      %get3A_700 = tpu.vector_load %arg11[%get3A_697, %get3A_698, %get3A_699] {strides = array<i32>} : memref<3x128x128xf32, #tpu.memory_space<vmem>>, vector<16xf32>,
      %mul3A_701 = arith.mulf %get3A_695, %get3A_700 : vector<16xf32>
      %add3A_702 = arith.addf %add3A_690, %mul3A_701 : vector<16xf32>
      %get3A_703 = arith.constant 0 : i32
      %get3A_704 = arith.index_cast %get3A_703 : i32 to index
      %get3A_705 = arith.index_cast %scan3A_667 : i32 to index
      %get3A_706 = arith.constant 48 : index
      %get3A_707 = tpu.vector_load %arg10[%get3A_704, %get3A_705, %get3A_706] {strides = array<i32>} : memref<3x128x128xf32, #tpu.memory_space<vmem>>, vector<16xf32>,
      %get3A_708 = arith.constant 0 : i32
      %get3A_709 = arith.index_cast %get3A_708 : i32 to index
      %get3A_710 = arith.index_cast %scan3A_667 : i32 to index
      %get3A_711 = arith.constant 48 : index
      %get3A_712 = tpu.vector_load %arg11[%get3A_709, %get3A_710, %get3A_711] {strides = array<i32>} : memref<3x128x128xf32, #tpu.memory_space<vmem>>, vector<16xf32>,
      %mul3A_713 = arith.mulf %get3A_707, %get3A_712 : vector<16xf32>
      %add3A_714 = arith.addf %add3A_702, %mul3A_713 : vector<16xf32>
      %add3A_715 = arith.constant 48 : i32
      %add3A_716 = vector.broadcast %add3A_715 : i32 to vector<16xi32>
      %add3A_717 = arith.addi %iota3A, %add3A_716 : vector<16xi32>
      %add3A_718 = vector.broadcast %scan3A_667 : i32 to vector<16xi32>
      %add3A_719 = arith.addi %mul3A_48, %add3A_718 : vector<16xi32>
      tpu.vector_store_idx %arg12[%add3A_717, %add3A_719], %add3A_714 : memref<64x128xf32, #tpu.memory_space<vmem>>[vector<16xi32>, vector<16xi32>], vector<16xf32>,
      %scan3A_720 = arith.constant 3 : i32
      %scan3A_721 = arith.addi %scan3A_560, %scan3A_720 : i32
      %get3A_722 = arith.constant 0 : i32
      %get3A_723 = arith.index_cast %get3A_722 : i32 to index
      %get3A_724 = arith.index_cast %scan3A_721 : i32 to index
      %get3A_725 = arith.constant 0 : index
      %get3A_726 = tpu.vector_load %arg10[%get3A_723, %get3A_724, %get3A_725] {strides = array<i32>} : memref<3x128x128xf32, #tpu.memory_space<vmem>>, vector<16xf32>,
      %get3A_727 = arith.constant 0 : i32
      %get3A_728 = arith.index_cast %get3A_727 : i32 to index
      %get3A_729 = arith.index_cast %scan3A_721 : i32 to index
      %get3A_730 = arith.constant 0 : index
      %get3A_731 = tpu.vector_load %arg11[%get3A_728, %get3A_729, %get3A_730] {strides = array<i32>} : memref<3x128x128xf32, #tpu.memory_space<vmem>>, vector<16xf32>,
      %mul3A_732 = arith.mulf %get3A_726, %get3A_731 : vector<16xf32>
      %get3A_733 = arith.constant 0 : i32
      %get3A_734 = arith.index_cast %get3A_733 : i32 to index
      %get3A_735 = arith.index_cast %scan3A_721 : i32 to index
      %get3A_736 = arith.constant 16 : index
      %get3A_737 = tpu.vector_load %arg10[%get3A_734, %get3A_735, %get3A_736] {strides = array<i32>} : memref<3x128x128xf32, #tpu.memory_space<vmem>>, vector<16xf32>,
      %get3A_738 = arith.constant 0 : i32
      %get3A_739 = arith.index_cast %get3A_738 : i32 to index
      %get3A_740 = arith.index_cast %scan3A_721 : i32 to index
      %get3A_741 = arith.constant 16 : index
      %get3A_742 = tpu.vector_load %arg11[%get3A_739, %get3A_740, %get3A_741] {strides = array<i32>} : memref<3x128x128xf32, #tpu.memory_space<vmem>>, vector<16xf32>,
      %mul3A_743 = arith.mulf %get3A_737, %get3A_742 : vector<16xf32>
      %add3A_744 = arith.addf %mul3A_732, %mul3A_743 : vector<16xf32>
      %get3A_745 = arith.constant 0 : i32
      %get3A_746 = arith.index_cast %get3A_745 : i32 to index
      %get3A_747 = arith.index_cast %scan3A_721 : i32 to index
      %get3A_748 = arith.constant 32 : index
      %get3A_749 = tpu.vector_load %arg10[%get3A_746, %get3A_747, %get3A_748] {strides = array<i32>} : memref<3x128x128xf32, #tpu.memory_space<vmem>>, vector<16xf32>,
      %get3A_750 = arith.constant 0 : i32
      %get3A_751 = arith.index_cast %get3A_750 : i32 to index
      %get3A_752 = arith.index_cast %scan3A_721 : i32 to index
      %get3A_753 = arith.constant 32 : index
      %get3A_754 = tpu.vector_load %arg11[%get3A_751, %get3A_752, %get3A_753] {strides = array<i32>} : memref<3x128x128xf32, #tpu.memory_space<vmem>>, vector<16xf32>,
      %mul3A_755 = arith.mulf %get3A_749, %get3A_754 : vector<16xf32>
      %add3A_756 = arith.addf %add3A_744, %mul3A_755 : vector<16xf32>
      %get3A_757 = arith.constant 0 : i32
      %get3A_758 = arith.index_cast %get3A_757 : i32 to index
      %get3A_759 = arith.index_cast %scan3A_721 : i32 to index
      %get3A_760 = arith.constant 48 : index
      %get3A_761 = tpu.vector_load %arg10[%get3A_758, %get3A_759, %get3A_760] {strides = array<i32>} : memref<3x128x128xf32, #tpu.memory_space<vmem>>, vector<16xf32>,
      %get3A_762 = arith.constant 0 : i32
      %get3A_763 = arith.index_cast %get3A_762 : i32 to index
      %get3A_764 = arith.index_cast %scan3A_721 : i32 to index
      %get3A_765 = arith.constant 48 : index
      %get3A_766 = tpu.vector_load %arg11[%get3A_763, %get3A_764, %get3A_765] {strides = array<i32>} : memref<3x128x128xf32, #tpu.memory_space<vmem>>, vector<16xf32>,
      %mul3A_767 = arith.mulf %get3A_761, %get3A_766 : vector<16xf32>
      %add3A_768 = arith.addf %add3A_756, %mul3A_767 : vector<16xf32>
      %add3A_769 = arith.constant 48 : i32
      %add3A_770 = vector.broadcast %add3A_769 : i32 to vector<16xi32>
      %add3A_771 = arith.addi %iota3A, %add3A_770 : vector<16xi32>
      %add3A_772 = vector.broadcast %scan3A_721 : i32 to vector<16xi32>
      %add3A_773 = arith.addi %mul3A_48, %add3A_772 : vector<16xi32>
      tpu.vector_store_idx %arg12[%add3A_771, %add3A_773], %add3A_768 : memref<64x128xf32, #tpu.memory_space<vmem>>[vector<16xi32>, vector<16xi32>], vector<16xf32>,
    }
    %scan3A_409 = arith.constant 128 : i32
    %add3A_410 = arith.constant 3 : i32
    %add3A_411 = arith.addi %mul3A_2, %add3A_410 : i32
    %dma_start3A_412 = arith.constant 0 : i32
    %dma_start3A_413 = arith.constant 0 : i32
    %dma_start3A_414 = arith.constant 64 : i32
    %dma_start3A_415 = tpu.memref_slice %arg10[%dma_start3A_412, %dma_start3A_413, %dma_start3A_414] : memref<3x128x128xf32, #tpu.memory_space<vmem>> -> memref<1x128x64xf32, #tpu.memory_space<vmem>>
    %dma_start3A_416 = tpu.memref_squeeze %dma_start3A_415 : memref<1x128x64xf32, #tpu.memory_space<vmem>> -> memref<128x64xf32, #tpu.memory_space<vmem>>
    %dma_start3A_417 = arith.constant 0 : i32
    %dma_start3A_418 = arith.constant 0 : i32
    %dma_start3A_419 = tpu.memref_slice %arg6[%add3A_411, %dma_start3A_417, %dma_start3A_418] : memref<128x128x128xf32, #tpu.memory_space<hbm>> -> memref<1x128x64xf32, #tpu.memory_space<hbm>>
    %dma_start3A_420 = tpu.memref_squeeze %dma_start3A_419 : memref<1x128x64xf32, #tpu.memory_space<hbm>> -> memref<128x64xf32, #tpu.memory_space<hbm>>
    %dma_start3A_421 = arith.constant 0 : i32
    %dma_start3A_422 = arith.constant 0 : i32
    %dma_start3A_423 = tpu.memref_slice %arg6[%add3A_411, %dma_start3A_421, %dma_start3A_422] : memref<128x128x128xf32, #tpu.memory_space<hbm>> -> memref<1x128x64xf32, #tpu.memory_space<hbm>>
    %dma_start3A_424 = tpu.memref_squeeze %dma_start3A_423 : memref<1x128x64xf32, #tpu.memory_space<hbm>> -> memref<128x64xf32, #tpu.memory_space<hbm>>
    %dma_start3A_425 = arith.constant 0 : i32
    %dma_start3A_426 = arith.constant 64 : i32
    %dma_start3A_427 = tpu.memref_slice %arg10[%dma_start3A_412, %dma_start3A_425, %dma_start3A_426] : memref<3x128x128xf32, #tpu.memory_space<vmem>> -> memref<1x128x64xf32, #tpu.memory_space<vmem>>
    %dma_start3A_428 = tpu.memref_squeeze %dma_start3A_427 : memref<1x128x64xf32, #tpu.memory_space<vmem>> -> memref<128x64xf32, #tpu.memory_space<vmem>>
    tpu.enqueue_dma source(%dma_start3A_428 : memref<128x64xf32, #tpu.memory_space<vmem>>) target(%dma_start3A_424 : memref<128x64xf32, #tpu.memory_space<hbm>>) target_semaphore(%arg14 : memref<!tpu.dma_semaphore, #tpu.memory_space<semaphore_mem>>)
    %add3A_429 = arith.constant 3 : i32
    %add3A_430 = arith.addi %mul3A_2, %add3A_429 : i32
    %dma_start3A_431 = arith.constant 0 : i32
    %dma_start3A_432 = arith.constant 0 : i32
    %dma_start3A_433 = arith.constant 64 : i32
    %dma_start3A_434 = tpu.memref_slice %arg11[%dma_start3A_431, %dma_start3A_432, %dma_start3A_433] : memref<3x128x128xf32, #tpu.memory_space<vmem>> -> memref<1x128x64xf32, #tpu.memory_space<vmem>>
    %dma_start3A_435 = tpu.memref_squeeze %dma_start3A_434 : memref<1x128x64xf32, #tpu.memory_space<vmem>> -> memref<128x64xf32, #tpu.memory_space<vmem>>
    %dma_start3A_436 = arith.constant 0 : i32
    %dma_start3A_437 = arith.constant 64 : i32
    %dma_start3A_438 = tpu.memref_slice %arg6[%add3A_430, %dma_start3A_436, %dma_start3A_437] : memref<128x128x128xf32, #tpu.memory_space<hbm>> -> memref<1x128x64xf32, #tpu.memory_space<hbm>>
    %dma_start3A_439 = tpu.memref_squeeze %dma_start3A_438 : memref<1x128x64xf32, #tpu.memory_space<hbm>> -> memref<128x64xf32, #tpu.memory_space<hbm>>
    %dma_start3A_440 = arith.constant 0 : i32
    %dma_start3A_441 = arith.constant 64 : i32
    %dma_start3A_442 = tpu.memref_slice %arg6[%add3A_430, %dma_start3A_440, %dma_start3A_441] : memref<128x128x128xf32, #tpu.memory_space<hbm>> -> memref<1x128x64xf32, #tpu.memory_space<hbm>>
    %dma_start3A_443 = tpu.memref_squeeze %dma_start3A_442 : memref<1x128x64xf32, #tpu.memory_space<hbm>> -> memref<128x64xf32, #tpu.memory_space<hbm>>
    %dma_start3A_444 = arith.constant 0 : i32
    %dma_start3A_445 = arith.constant 64 : i32
    %dma_start3A_446 = tpu.memref_slice %arg11[%dma_start3A_431, %dma_start3A_444, %dma_start3A_445] : memref<3x128x128xf32, #tpu.memory_space<vmem>> -> memref<1x128x64xf32, #tpu.memory_space<vmem>>
    %dma_start3A_447 = tpu.memref_squeeze %dma_start3A_446 : memref<1x128x64xf32, #tpu.memory_space<vmem>> -> memref<128x64xf32, #tpu.memory_space<vmem>>
    tpu.enqueue_dma source(%dma_start3A_447 : memref<128x64xf32, #tpu.memory_space<vmem>>) target(%dma_start3A_443 : memref<128x64xf32, #tpu.memory_space<hbm>>) target_semaphore(%arg14 : memref<!tpu.dma_semaphore, #tpu.memory_space<semaphore_mem>>)
    %mul3A_448 = arith.constant 16 : i32
    %mul3A_449 = arith.muli %mul3A_2, %mul3A_448 : i32
    %dma_start3A_450 = arith.constant 0 : i32
    %dma_start3A_451 = tpu.memref_slice %arg7[%mul3A_449, %dma_start3A_450] : memref<2048x128xf32, #tpu.memory_space<hbm>> -> memref<64x128xf32, #tpu.memory_space<hbm>>
    %dma_start3A_452 = arith.constant 0 : i32
    %dma_start3A_453 = tpu.memref_slice %arg7[%mul3A_449, %dma_start3A_452] : memref<2048x128xf32, #tpu.memory_space<hbm>> -> memref<64x128xf32, #tpu.memory_space<hbm>>
    tpu.enqueue_dma source(%arg12 : memref<64x128xf32, #tpu.memory_space<vmem>>) target(%dma_start3A_453 : memref<64x128xf32, #tpu.memory_space<hbm>>) target_semaphore(%arg14 : memref<!tpu.dma_semaphore, #tpu.memory_space<semaphore_mem>>)
    %dma_wait3A_454 = arith.constant 1 : i32
    %dma_wait3A_455 = arith.constant 0 : i32
    %dma_wait3A_456 = arith.constant 64 : i32
    %dma_wait3A_457 = tpu.memref_slice %arg10[%dma_wait3A_454, %dma_wait3A_455, %dma_wait3A_456] : memref<3x128x128xf32, #tpu.memory_space<vmem>> -> memref<1x128x64xf32, #tpu.memory_space<vmem>>
    %dma_wait3A_458 = tpu.memref_squeeze %dma_wait3A_457 : memref<1x128x64xf32, #tpu.memory_space<vmem>> -> memref<128x64xf32, #tpu.memory_space<vmem>>
    %dma_wait3A_459 = arith.constant 0 : i32
    %dma_wait3A_460 = arith.constant 0 : i32
    %dma_wait3A_461 = tpu.memref_slice %arg6[%add3A_275, %dma_wait3A_459, %dma_wait3A_460] : memref<128x128x128xf32, #tpu.memory_space<hbm>> -> memref<1x128x64xf32, #tpu.memory_space<hbm>>
    %dma_wait3A_462 = tpu.memref_squeeze %dma_wait3A_461 : memref<1x128x64xf32, #tpu.memory_space<hbm>> -> memref<128x64xf32, #tpu.memory_space<hbm>>
    %dma_wait3A_463 = arith.constant 0 : i32
    %dma_wait3A_464 = arith.constant 0 : i32
    %dma_wait3A_465 = tpu.memref_slice %arg6[%add3A_275, %dma_wait3A_463, %dma_wait3A_464] : memref<128x128x128xf32, #tpu.memory_space<hbm>> -> memref<1x128x64xf32, #tpu.memory_space<hbm>>
    %dma_wait3A_466 = tpu.memref_squeeze %dma_wait3A_465 : memref<1x128x64xf32, #tpu.memory_space<hbm>> -> memref<128x64xf32, #tpu.memory_space<hbm>>
    %dma_wait3A_467 = arith.constant 0 : i32
    %dma_wait3A_468 = arith.constant 64 : i32
    %dma_wait3A_469 = tpu.memref_slice %arg10[%dma_wait3A_454, %dma_wait3A_467, %dma_wait3A_468] : memref<3x128x128xf32, #tpu.memory_space<vmem>> -> memref<1x128x64xf32, #tpu.memory_space<vmem>>
    %dma_wait3A_470 = tpu.memref_squeeze %dma_wait3A_469 : memref<1x128x64xf32, #tpu.memory_space<vmem>> -> memref<128x64xf32, #tpu.memory_space<vmem>>
    tpu.wait_dma2 semaphore(%arg14 : memref<!tpu.dma_semaphore, #tpu.memory_space<semaphore_mem>>) src(%dma_wait3A_470 : memref<128x64xf32, #tpu.memory_space<vmem>>) dst(%dma_wait3A_466 : memref<128x64xf32, #tpu.memory_space<hbm>>)
    %dma_wait3A_471 = arith.constant 1 : i32
    %dma_wait3A_472 = arith.constant 0 : i32
    %dma_wait3A_473 = arith.constant 64 : i32
    %dma_wait3A_474 = tpu.memref_slice %arg11[%dma_wait3A_471, %dma_wait3A_472, %dma_wait3A_473] : memref<3x128x128xf32, #tpu.memory_space<vmem>> -> memref<1x128x64xf32, #tpu.memory_space<vmem>>
    %dma_wait3A_475 = tpu.memref_squeeze %dma_wait3A_474 : memref<1x128x64xf32, #tpu.memory_space<vmem>> -> memref<128x64xf32, #tpu.memory_space<vmem>>
    %dma_wait3A_476 = arith.constant 0 : i32
    %dma_wait3A_477 = arith.constant 64 : i32
    %dma_wait3A_478 = tpu.memref_slice %arg6[%add3A_294, %dma_wait3A_476, %dma_wait3A_477] : memref<128x128x128xf32, #tpu.memory_space<hbm>> -> memref<1x128x64xf32, #tpu.memory_space<hbm>>
    %dma_wait3A_479 = tpu.memref_squeeze %dma_wait3A_478 : memref<1x128x64xf32, #tpu.memory_space<hbm>> -> memref<128x64xf32, #tpu.memory_space<hbm>>
    %dma_wait3A_480 = arith.constant 0 : i32
    %dma_wait3A_481 = arith.constant 64 : i32
    %dma_wait3A_482 = tpu.memref_slice %arg6[%add3A_294, %dma_wait3A_480, %dma_wait3A_481] : memref<128x128x128xf32, #tpu.memory_space<hbm>> -> memref<1x128x64xf32, #tpu.memory_space<hbm>>
    %dma_wait3A_483 = tpu.memref_squeeze %dma_wait3A_482 : memref<1x128x64xf32, #tpu.memory_space<hbm>> -> memref<128x64xf32, #tpu.memory_space<hbm>>
    %dma_wait3A_484 = arith.constant 0 : i32
    %dma_wait3A_485 = arith.constant 64 : i32
    %dma_wait3A_486 = tpu.memref_slice %arg11[%dma_wait3A_471, %dma_wait3A_484, %dma_wait3A_485] : memref<3x128x128xf32, #tpu.memory_space<vmem>> -> memref<1x128x64xf32, #tpu.memory_space<vmem>>
    %dma_wait3A_487 = tpu.memref_squeeze %dma_wait3A_486 : memref<1x128x64xf32, #tpu.memory_space<vmem>> -> memref<128x64xf32, #tpu.memory_space<vmem>>
    tpu.wait_dma2 semaphore(%arg14 : memref<!tpu.dma_semaphore, #tpu.memory_space<semaphore_mem>>) src(%dma_wait3A_487 : memref<128x64xf32, #tpu.memory_space<vmem>>) dst(%dma_wait3A_483 : memref<128x64xf32, #tpu.memory_space<hbm>>)
    %dma_wait3A_488 = arith.constant 2 : i32
    %dma_wait3A_489 = arith.constant 0 : i32
    %dma_wait3A_490 = arith.constant 64 : i32
    %dma_wait3A_491 = tpu.memref_slice %arg10[%dma_wait3A_488, %dma_wait3A_489, %dma_wait3A_490] : memref<3x128x128xf32, #tpu.memory_space<vmem>> -> memref<1x128x64xf32, #tpu.memory_space<vmem>>
    %dma_wait3A_492 = tpu.memref_squeeze %dma_wait3A_491 : memref<1x128x64xf32, #tpu.memory_space<vmem>> -> memref<128x64xf32, #tpu.memory_space<vmem>>
    %dma_wait3A_493 = arith.constant 0 : i32
    %dma_wait3A_494 = arith.constant 0 : i32
    %dma_wait3A_495 = tpu.memref_slice %arg6[%add3A_343, %dma_wait3A_493, %dma_wait3A_494] : memref<128x128x128xf32, #tpu.memory_space<hbm>> -> memref<1x128x64xf32, #tpu.memory_space<hbm>>
    %dma_wait3A_496 = tpu.memref_squeeze %dma_wait3A_495 : memref<1x128x64xf32, #tpu.memory_space<hbm>> -> memref<128x64xf32, #tpu.memory_space<hbm>>
    %dma_wait3A_497 = arith.constant 0 : i32
    %dma_wait3A_498 = arith.constant 0 : i32
    %dma_wait3A_499 = tpu.memref_slice %arg6[%add3A_343, %dma_wait3A_497, %dma_wait3A_498] : memref<128x128x128xf32, #tpu.memory_space<hbm>> -> memref<1x128x64xf32, #tpu.memory_space<hbm>>
    %dma_wait3A_500 = tpu.memref_squeeze %dma_wait3A_499 : memref<1x128x64xf32, #tpu.memory_space<hbm>> -> memref<128x64xf32, #tpu.memory_space<hbm>>
    %dma_wait3A_501 = arith.constant 0 : i32
    %dma_wait3A_502 = arith.constant 64 : i32
    %dma_wait3A_503 = tpu.memref_slice %arg10[%dma_wait3A_488, %dma_wait3A_501, %dma_wait3A_502] : memref<3x128x128xf32, #tpu.memory_space<vmem>> -> memref<1x128x64xf32, #tpu.memory_space<vmem>>
    %dma_wait3A_504 = tpu.memref_squeeze %dma_wait3A_503 : memref<1x128x64xf32, #tpu.memory_space<vmem>> -> memref<128x64xf32, #tpu.memory_space<vmem>>
    tpu.wait_dma2 semaphore(%arg14 : memref<!tpu.dma_semaphore, #tpu.memory_space<semaphore_mem>>) src(%dma_wait3A_504 : memref<128x64xf32, #tpu.memory_space<vmem>>) dst(%dma_wait3A_500 : memref<128x64xf32, #tpu.memory_space<hbm>>)
    %dma_wait3A_505 = arith.constant 2 : i32
    %dma_wait3A_506 = arith.constant 0 : i32
    %dma_wait3A_507 = arith.constant 64 : i32
    %dma_wait3A_508 = tpu.memref_slice %arg11[%dma_wait3A_505, %dma_wait3A_506, %dma_wait3A_507] : memref<3x128x128xf32, #tpu.memory_space<vmem>> -> memref<1x128x64xf32, #tpu.memory_space<vmem>>
    %dma_wait3A_509 = tpu.memref_squeeze %dma_wait3A_508 : memref<1x128x64xf32, #tpu.memory_space<vmem>> -> memref<128x64xf32, #tpu.memory_space<vmem>>
    %dma_wait3A_510 = arith.constant 0 : i32
    %dma_wait3A_511 = arith.constant 64 : i32
    %dma_wait3A_512 = tpu.memref_slice %arg6[%add3A_362, %dma_wait3A_510, %dma_wait3A_511] : memref<128x128x128xf32, #tpu.memory_space<hbm>> -> memref<1x128x64xf32, #tpu.memory_space<hbm>>
    %dma_wait3A_513 = tpu.memref_squeeze %dma_wait3A_512 : memref<1x128x64xf32, #tpu.memory_space<hbm>> -> memref<128x64xf32, #tpu.memory_space<hbm>>
    %dma_wait3A_514 = arith.constant 0 : i32
    %dma_wait3A_515 = arith.constant 64 : i32
    %dma_wait3A_516 = tpu.memref_slice %arg6[%add3A_362, %dma_wait3A_514, %dma_wait3A_515] : memref<128x128x128xf32, #tpu.memory_space<hbm>> -> memref<1x128x64xf32, #tpu.memory_space<hbm>>
    %dma_wait3A_517 = tpu.memref_squeeze %dma_wait3A_516 : memref<1x128x64xf32, #tpu.memory_space<hbm>> -> memref<128x64xf32, #tpu.memory_space<hbm>>
    %dma_wait3A_518 = arith.constant 0 : i32
    %dma_wait3A_519 = arith.constant 64 : i32
    %dma_wait3A_520 = tpu.memref_slice %arg11[%dma_wait3A_505, %dma_wait3A_518, %dma_wait3A_519] : memref<3x128x128xf32, #tpu.memory_space<vmem>> -> memref<1x128x64xf32, #tpu.memory_space<vmem>>
    %dma_wait3A_521 = tpu.memref_squeeze %dma_wait3A_520 : memref<1x128x64xf32, #tpu.memory_space<vmem>> -> memref<128x64xf32, #tpu.memory_space<vmem>>
    tpu.wait_dma2 semaphore(%arg14 : memref<!tpu.dma_semaphore, #tpu.memory_space<semaphore_mem>>) src(%dma_wait3A_521 : memref<128x64xf32, #tpu.memory_space<vmem>>) dst(%dma_wait3A_517 : memref<128x64xf32, #tpu.memory_space<hbm>>)
    %dma_wait3A_522 = arith.constant 0 : i32
    %dma_wait3A_523 = arith.constant 0 : i32
    %dma_wait3A_524 = arith.constant 64 : i32
    %dma_wait3A_525 = tpu.memref_slice %arg10[%dma_wait3A_522, %dma_wait3A_523, %dma_wait3A_524] : memref<3x128x128xf32, #tpu.memory_space<vmem>> -> memref<1x128x64xf32, #tpu.memory_space<vmem>>
    %dma_wait3A_526 = tpu.memref_squeeze %dma_wait3A_525 : memref<1x128x64xf32, #tpu.memory_space<vmem>> -> memref<128x64xf32, #tpu.memory_space<vmem>>
    %dma_wait3A_527 = arith.constant 0 : i32
    %dma_wait3A_528 = arith.constant 0 : i32
    %dma_wait3A_529 = tpu.memref_slice %arg6[%add3A_411, %dma_wait3A_527, %dma_wait3A_528] : memref<128x128x128xf32, #tpu.memory_space<hbm>> -> memref<1x128x64xf32, #tpu.memory_space<hbm>>
    %dma_wait3A_530 = tpu.memref_squeeze %dma_wait3A_529 : memref<1x128x64xf32, #tpu.memory_space<hbm>> -> memref<128x64xf32, #tpu.memory_space<hbm>>
    %dma_wait3A_531 = arith.constant 0 : i32
    %dma_wait3A_532 = arith.constant 0 : i32
    %dma_wait3A_533 = tpu.memref_slice %arg6[%add3A_411, %dma_wait3A_531, %dma_wait3A_532] : memref<128x128x128xf32, #tpu.memory_space<hbm>> -> memref<1x128x64xf32, #tpu.memory_space<hbm>>
    %dma_wait3A_534 = tpu.memref_squeeze %dma_wait3A_533 : memref<1x128x64xf32, #tpu.memory_space<hbm>> -> memref<128x64xf32, #tpu.memory_space<hbm>>
    %dma_wait3A_535 = arith.constant 0 : i32
    %dma_wait3A_536 = arith.constant 64 : i32
    %dma_wait3A_537 = tpu.memref_slice %arg10[%dma_wait3A_522, %dma_wait3A_535, %dma_wait3A_536] : memref<3x128x128xf32, #tpu.memory_space<vmem>> -> memref<1x128x64xf32, #tpu.memory_space<vmem>>
    %dma_wait3A_538 = tpu.memref_squeeze %dma_wait3A_537 : memref<1x128x64xf32, #tpu.memory_space<vmem>> -> memref<128x64xf32, #tpu.memory_space<vmem>>
    tpu.wait_dma2 semaphore(%arg14 : memref<!tpu.dma_semaphore, #tpu.memory_space<semaphore_mem>>) src(%dma_wait3A_538 : memref<128x64xf32, #tpu.memory_space<vmem>>) dst(%dma_wait3A_534 : memref<128x64xf32, #tpu.memory_space<hbm>>)
    %dma_wait3A_539 = arith.constant 0 : i32
    %dma_wait3A_540 = arith.constant 0 : i32
    %dma_wait3A_541 = arith.constant 64 : i32
    %dma_wait3A_542 = tpu.memref_slice %arg11[%dma_wait3A_539, %dma_wait3A_540, %dma_wait3A_541] : memref<3x128x128xf32, #tpu.memory_space<vmem>> -> memref<1x128x64xf32, #tpu.memory_space<vmem>>
    %dma_wait3A_543 = tpu.memref_squeeze %dma_wait3A_542 : memref<1x128x64xf32, #tpu.memory_space<vmem>> -> memref<128x64xf32, #tpu.memory_space<vmem>>
    %dma_wait3A_544 = arith.constant 0 : i32
    %dma_wait3A_545 = arith.constant 64 : i32
    %dma_wait3A_546 = tpu.memref_slice %arg6[%add3A_430, %dma_wait3A_544, %dma_wait3A_545] : memref<128x128x128xf32, #tpu.memory_space<hbm>> -> memref<1x128x64xf32, #tpu.memory_space<hbm>>
    %dma_wait3A_547 = tpu.memref_squeeze %dma_wait3A_546 : memref<1x128x64xf32, #tpu.memory_space<hbm>> -> memref<128x64xf32, #tpu.memory_space<hbm>>
    %dma_wait3A_548 = arith.constant 0 : i32
    %dma_wait3A_549 = arith.constant 64 : i32
    %dma_wait3A_550 = tpu.memref_slice %arg6[%add3A_430, %dma_wait3A_548, %dma_wait3A_549] : memref<128x128x128xf32, #tpu.memory_space<hbm>> -> memref<1x128x64xf32, #tpu.memory_space<hbm>>
    %dma_wait3A_551 = tpu.memref_squeeze %dma_wait3A_550 : memref<1x128x64xf32, #tpu.memory_space<hbm>> -> memref<128x64xf32, #tpu.memory_space<hbm>>
    %dma_wait3A_552 = arith.constant 0 : i32
    %dma_wait3A_553 = arith.constant 64 : i32
    %dma_wait3A_554 = tpu.memref_slice %arg11[%dma_wait3A_539, %dma_wait3A_552, %dma_wait3A_553] : memref<3x128x128xf32, #tpu.memory_space<vmem>> -> memref<1x128x64xf32, #tpu.memory_space<vmem>>
    %dma_wait3A_555 = tpu.memref_squeeze %dma_wait3A_554 : memref<1x128x64xf32, #tpu.memory_space<vmem>> -> memref<128x64xf32, #tpu.memory_space<vmem>>
    tpu.wait_dma2 semaphore(%arg14 : memref<!tpu.dma_semaphore, #tpu.memory_space<semaphore_mem>>) src(%dma_wait3A_555 : memref<128x64xf32, #tpu.memory_space<vmem>>) dst(%dma_wait3A_551 : memref<128x64xf32, #tpu.memory_space<hbm>>)
    %dma_wait3A_556 = arith.constant 0 : i32
    %dma_wait3A_557 = tpu.memref_slice %arg7[%mul3A_449, %dma_wait3A_556] : memref<2048x128xf32, #tpu.memory_space<hbm>> -> memref<64x128xf32, #tpu.memory_space<hbm>>
    %dma_wait3A_558 = arith.constant 0 : i32
    %dma_wait3A_559 = tpu.memref_slice %arg7[%mul3A_449, %dma_wait3A_558] : memref<2048x128xf32, #tpu.memory_space<hbm>> -> memref<64x128xf32, #tpu.memory_space<hbm>>
    tpu.wait_dma2 semaphore(%arg14 : memref<!tpu.dma_semaphore, #tpu.memory_space<semaphore_mem>>) src(%arg12 : memref<64x128xf32, #tpu.memory_space<vmem>>) dst(%dma_wait3A_559 : memref<64x128xf32, #tpu.memory_space<hbm>>)
    return
  }
}

module attributes {stable_mosaic.version = 14 : i64} {
  func.func @_pack_body(%arg0: i32, %arg1: memref<64x512xf32, #tpu.memory_space<vmem>>, %arg2: memref<64x512xf32, #tpu.memory_space<vmem>>, %arg3: memref<64x512xf32, #tpu.memory_space<vmem>>, %arg4: memref<64x512xf32, #tpu.memory_space<vmem>>, %arg5: memref<1x64xf32, #tpu.memory_space<vmem>>, %arg6: memref<512x128xf32, #tpu.memory_space<vmem>>, %arg7: memref<512x128xf32, #tpu.memory_space<vmem>>) attributes {dimension_semantics = [#tpu.dimension_semantics<arbitrary>], iteration_bounds = array<i64: 20>, scalar_prefetch = 0 : i64, scratch_operands = 0 : i64, tpu.core_type = #tpu.core_type<tc>, window_params = [{transform_indices = @transform_0, window_bounds = array<i64: 64, 512>}, {transform_indices = @transform_1, window_bounds = array<i64: 64, 512>}, {transform_indices = @transform_2, window_bounds = array<i64: 64, 512>}, {transform_indices = @transform_3, window_bounds = array<i64: 64, 512>}, {pipeline_mode = #tpu.pipeline_mode<synchronous>, transform_indices = @transform_4, window_bounds = array<i64: 1, 64>}, {transform_indices = @transform_5, window_bounds = array<i64: 512, 128>}, {transform_indices = @transform_6, window_bounds = array<i64: 512, 128>}]} {
    %get3A = arith.constant 0 : index
    %get3A_0 = arith.constant 0 : index
    %get3A_1 = vector.load %arg1[%get3A, %get3A_0] : memref<64x512xf32, #tpu.memory_space<vmem>>, vector<64x512xf32>
    %transpose3A = tpu.transpose %get3A_1, [1, 0] : vector<64x512xf32> -> vector<512x64xf32>
    %get3A_2 = arith.constant 0 : index
    %get3A_3 = arith.constant 0 : index
    %get3A_4 = vector.load %arg5[%get3A_2, %get3A_3] : memref<1x64xf32, #tpu.memory_space<vmem>>, vector<1x64xf32>
    %mul3A = vector.broadcast %get3A_4 : vector<1x64xf32> to vector<512x64xf32>
    %mul3A_5 = arith.mulf %transpose3A, %mul3A : vector<512x64xf32>
    %swap3A = arith.constant 0 : index
    %swap3A_6 = arith.constant 0 : index
    %swap3A_7 = vector.load %arg6[%swap3A, %swap3A_6] : memref<512x128xf32, #tpu.memory_space<vmem>>, vector<512x64xf32>
    tpu.vector_store %arg6[%swap3A, %swap3A_6], %mul3A_5 {strides = array<i32>} : memref<512x128xf32, #tpu.memory_space<vmem>>, vector<512x64xf32>,
    %get3A_8 = arith.constant 0 : index
    %get3A_9 = arith.constant 0 : index
    %get3A_10 = vector.load %arg2[%get3A_8, %get3A_9] : memref<64x512xf32, #tpu.memory_space<vmem>>, vector<64x512xf32>
    %transpose3A_11 = tpu.transpose %get3A_10, [1, 0] : vector<64x512xf32> -> vector<512x64xf32>
    %swap3A_12 = arith.constant 0 : index
    %swap3A_13 = arith.constant 64 : index
    %swap3A_14 = vector.load %arg6[%swap3A_12, %swap3A_13] : memref<512x128xf32, #tpu.memory_space<vmem>>, vector<512x64xf32>
    tpu.vector_store %arg6[%swap3A_12, %swap3A_13], %transpose3A_11 {strides = array<i32>} : memref<512x128xf32, #tpu.memory_space<vmem>>, vector<512x64xf32>,
    %get3A_15 = arith.constant 0 : index
    %get3A_16 = arith.constant 0 : index
    %get3A_17 = vector.load %arg3[%get3A_15, %get3A_16] : memref<64x512xf32, #tpu.memory_space<vmem>>, vector<64x512xf32>
    %transpose3A_18 = tpu.transpose %get3A_17, [1, 0] : vector<64x512xf32> -> vector<512x64xf32>
    %swap3A_19 = arith.constant 0 : index
    %swap3A_20 = arith.constant 0 : index
    %swap3A_21 = vector.load %arg7[%swap3A_19, %swap3A_20] : memref<512x128xf32, #tpu.memory_space<vmem>>, vector<512x64xf32>
    tpu.vector_store %arg7[%swap3A_19, %swap3A_20], %transpose3A_18 {strides = array<i32>} : memref<512x128xf32, #tpu.memory_space<vmem>>, vector<512x64xf32>,
    %get3A_22 = arith.constant 0 : index
    %get3A_23 = arith.constant 0 : index
    %get3A_24 = vector.load %arg4[%get3A_22, %get3A_23] : memref<64x512xf32, #tpu.memory_space<vmem>>, vector<64x512xf32>
    %transpose3A_25 = tpu.transpose %get3A_24, [1, 0] : vector<64x512xf32> -> vector<512x64xf32>
    %swap3A_26 = arith.constant 0 : index
    %swap3A_27 = arith.constant 64 : index
    %swap3A_28 = vector.load %arg7[%swap3A_26, %swap3A_27] : memref<512x128xf32, #tpu.memory_space<vmem>>, vector<512x64xf32>
    tpu.vector_store %arg7[%swap3A_26, %swap3A_27], %transpose3A_25 {strides = array<i32>} : memref<512x128xf32, #tpu.memory_space<vmem>>, vector<512x64xf32>,
    return
  }
  func.func @transform_0(%arg0: i32) -> (i32, i32) {
    %c0_i32 = arith.constant 0 : i32
    %c0_i32_0 = arith.constant 0 : i32
    return %c0_i32, %arg0 : i32, i32
  }
  func.func @transform_1(%arg0: i32) -> (i32, i32) {
    %c0_i32 = arith.constant 0 : i32
    %c0_i32_0 = arith.constant 0 : i32
    return %c0_i32, %arg0 : i32, i32
  }
  func.func @transform_2(%arg0: i32) -> (i32, i32) {
    %c0_i32 = arith.constant 0 : i32
    %c0_i32_0 = arith.constant 0 : i32
    return %c0_i32, %arg0 : i32, i32
  }
  func.func @transform_3(%arg0: i32) -> (i32, i32) {
    %c0_i32 = arith.constant 0 : i32
    %c0_i32_0 = arith.constant 0 : i32
    return %c0_i32, %arg0 : i32, i32
  }
  func.func @transform_4(%arg0: i32) -> (i32, i32) {
    %c0_i32 = arith.constant 0 : i32
    %c0_i32_0 = arith.constant 0 : i32
    %c0_i32_1 = arith.constant 0 : i32
    return %c0_i32, %c0_i32_0 : i32, i32
  }
  func.func @transform_5(%arg0: i32) -> (i32, i32) {
    %c0_i32 = arith.constant 0 : i32
    %c0_i32_0 = arith.constant 0 : i32
    return %arg0, %c0_i32 : i32, i32
  }
  func.func @transform_6(%arg0: i32) -> (i32, i32) {
    %c0_i32 = arith.constant 0 : i32
    %c0_i32_0 = arith.constant 0 : i32
    return %arg0, %c0_i32 : i32, i32
  }
}

module attributes {stable_mosaic.version = 14 : i64} {
  func.func @_tc_body(%arg0: i32, %arg1: memref<2048x128xf32, #tpu.memory_space<vmem>>, %arg2: memref<16x2x8x128xf32, #tpu.memory_space<vmem>>, %arg3: memref<128x128xf32, #tpu.memory_space<vmem>>, %arg4: memref<1x128xf32, #tpu.memory_space<vmem>>, %arg5: memref<64x128xf32, #tpu.memory_space<vmem>>, %arg6: memref<1x64xf32, #tpu.memory_space<vmem>>, %arg7: memref<1x64xf32, #tpu.memory_space<vmem>>, %arg8: memref<1x1xf32, #tpu.memory_space<vmem>>, %arg9: memref<1x16x128xf32, #tpu.memory_space<vmem>>) attributes {dimension_semantics = [#tpu.dimension_semantics<arbitrary>], iteration_bounds = array<i64: 8>, scalar_prefetch = 0 : i64, scratch_operands = 0 : i64, tpu.core_type = #tpu.core_type<tc>, window_params = [{transform_indices = @transform_0, window_bounds = array<i64: 2048, 128>}, {transform_indices = @transform_1, window_bounds = array<i64: 16, 2, 8, 128>}, {pipeline_mode = #tpu.pipeline_mode<synchronous>, transform_indices = @transform_2, window_bounds = array<i64: 128, 128>}, {pipeline_mode = #tpu.pipeline_mode<synchronous>, transform_indices = @transform_3, window_bounds = array<i64: 1, 128>}, {pipeline_mode = #tpu.pipeline_mode<synchronous>, transform_indices = @transform_4, window_bounds = array<i64: 64, 128>}, {pipeline_mode = #tpu.pipeline_mode<synchronous>, transform_indices = @transform_5, window_bounds = array<i64: 1, 64>}, {pipeline_mode = #tpu.pipeline_mode<synchronous>, transform_indices = @transform_6, window_bounds = array<i64: 1, 64>}, {pipeline_mode = #tpu.pipeline_mode<synchronous>, transform_indices = @transform_7, window_bounds = array<i64: 1, 1>}, {transform_indices = @transform_8, window_bounds = array<i64: 1, 16, 128>}]} {
    %get3A = arith.constant 0 : index
    %get3A_0 = arith.constant 0 : index
    %get3A_1 = vector.load %arg1[%get3A, %get3A_0] : memref<2048x128xf32, #tpu.memory_space<vmem>>, vector<2048x128xf32>
    %get3A_2 = arith.constant 0 : index
    %get3A_3 = arith.constant 0 : index
    %get3A_4 = vector.load %arg3[%get3A_2, %get3A_3] : memref<128x128xf32, #tpu.memory_space<vmem>>, vector<128x128xf32>
    %dot_general3A = arith.constant dense<0.000000e+00> : vector<2048x128xf32>
    %dot_general3A_5 = tpu.matmul %get3A_1, %get3A_4, %dot_general3A {dimension_numbers = #tpu.dot_dimension_numbers<[1], [1], [0], [0], [0, 0, 1, 0], [], []>, transpose_lhs_hint = false} : vector<2048x128xf32>, vector<128x128xf32>, vector<2048x128xf32> -> vector<2048x128xf32>
    %get3A_6 = arith.constant 0 : index
    %get3A_7 = arith.constant 0 : index
    %get3A_8 = vector.load %arg4[%get3A_6, %get3A_7] : memref<1x128xf32, #tpu.memory_space<vmem>>, vector<1x128xf32>
    %add3A = vector.broadcast %get3A_8 : vector<1x128xf32> to vector<2048x128xf32>
    %add3A_9 = arith.addf %dot_general3A_5, %add3A : vector<2048x128xf32>
    %max3A = arith.constant 0.000000e+00 : f32
    %max3A_10 = vector.broadcast %max3A : f32 to vector<2048x128xf32>
    %max3A_11 = arith.maximumf %add3A_9, %max3A_10 : vector<2048x128xf32>
    %get3A_12 = arith.constant 0 : index
    %get3A_13 = arith.constant 0 : index
    %get3A_14 = vector.load %arg5[%get3A_12, %get3A_13] : memref<64x128xf32, #tpu.memory_space<vmem>>, vector<64x128xf32>
    %dot_general3A_15 = arith.constant dense<0.000000e+00> : vector<2048x64xf32>
    %dot_general3A_16 = tpu.matmul %max3A_11, %get3A_14, %dot_general3A_15 {dimension_numbers = #tpu.dot_dimension_numbers<[1], [1], [0], [0], [0, 0, 1, 0], [], []>, transpose_lhs_hint = false} : vector<2048x128xf32>, vector<64x128xf32>, vector<2048x64xf32> -> vector<2048x64xf32>
    %get3A_17 = arith.constant 0 : index
    %get3A_18 = arith.constant 0 : index
    %get3A_19 = vector.load %arg6[%get3A_17, %get3A_18] : memref<1x64xf32, #tpu.memory_space<vmem>>, vector<1x64xf32>
    %add3A_20 = vector.broadcast %get3A_19 : vector<1x64xf32> to vector<2048x64xf32>
    %add3A_21 = arith.addf %dot_general3A_16, %add3A_20 : vector<2048x64xf32>
    %max3A_22 = arith.constant 0.000000e+00 : f32
    %max3A_23 = vector.broadcast %max3A_22 : f32 to vector<2048x64xf32>
    %max3A_24 = arith.maximumf %add3A_21, %max3A_23 : vector<2048x64xf32>
    %get3A_25 = arith.constant 0 : index
    %get3A_26 = arith.constant 0 : index
    %get3A_27 = vector.load %arg7[%get3A_25, %get3A_26] : memref<1x64xf32, #tpu.memory_space<vmem>>, vector<1x64xf32>
    %mul3A = vector.broadcast %get3A_27 : vector<1x64xf32> to vector<2048x64xf32>
    %mul3A_28 = arith.mulf %max3A_24, %mul3A : vector<2048x64xf32>
    %reduce_sum3A = arith.constant dense<0.000000e+00> : vector<2048xf32>
    %reduce_sum3A_29 = vector.multi_reduction <add>, %mul3A_28, %reduce_sum3A [1] : vector<2048x64xf32> to vector<2048xf32>
    %broadcast_in_dim3A = vector.shape_cast %reduce_sum3A_29 : vector<2048xf32> to vector<2048x1xf32>
    %get3A_30 = arith.constant 0 : index
    %get3A_31 = arith.constant 0 : index
    %get3A_32 = arith.constant 0 : index
    %get3A_33 = arith.constant 0 : index
    %get3A_34 = vector.load %arg2[%get3A_30, %get3A_31, %get3A_32, %get3A_33] : memref<16x2x8x128xf32, #tpu.memory_space<vmem>>, vector<16x2x8x128xf32>
    %reduce_sum3A_35 = arith.constant dense<0.000000e+00> : vector<16x8x128xf32>
    %reduce_sum3A_36 = vector.multi_reduction <add>, %get3A_34, %reduce_sum3A_35 [1] : vector<16x2x8x128xf32> to vector<16x8x128xf32>
    %reduce_sum3A_37 = arith.constant dense<0.000000e+00> : vector<16x128xf32>
    %reduce_sum3A_38 = vector.multi_reduction <add>, %reduce_sum3A_36, %reduce_sum3A_37 [1] : vector<16x8x128xf32> to vector<16x128xf32>
    %reshape3A = vector.shape_cast %broadcast_in_dim3A : vector<2048x1xf32> to vector<16x128xf32>
    %add3A_39 = arith.addf %reshape3A, %reduce_sum3A_38 : vector<16x128xf32>
    %get3A_40 = arith.constant 0 : index
    %get3A_41 = arith.constant 0 : index
    %get3A_42 = vector.load %arg8[%get3A_40, %get3A_41] : memref<1x1xf32, #tpu.memory_space<vmem>>, vector<1x1xf32>
    %add3A_43 = vector.broadcast %get3A_42 : vector<1x1xf32> to vector<16x128xf32>
    %add3A_44 = arith.addf %add3A_39, %add3A_43 : vector<16x128xf32>
    %logistic3A = arith.negf %add3A_44 : vector<16x128xf32>
    %logistic3A_45 = math.exp %logistic3A : vector<16x128xf32>
    %logistic3A_46 = arith.constant 1.000000e+00 : f32
    %logistic3A_47 = vector.broadcast %logistic3A_46 : f32 to vector<16x128xf32>
    %logistic3A_48 = arith.addf %logistic3A_47, %logistic3A_45 : vector<16x128xf32>
    %logistic3A_49 = arith.divf %logistic3A_47, %logistic3A_48 : vector<16x128xf32>
    %reshape3A_50 = vector.shape_cast %logistic3A_49 : vector<16x128xf32> to vector<1x16x128xf32>
    %swap3A = arith.constant 0 : index
    %swap3A_51 = arith.constant 0 : index
    %swap3A_52 = arith.constant 0 : index
    %swap3A_53 = vector.load %arg9[%swap3A, %swap3A_51, %swap3A_52] : memref<1x16x128xf32, #tpu.memory_space<vmem>>, vector<1x16x128xf32>
    tpu.vector_store %arg9[%swap3A, %swap3A_51, %swap3A_52], %reshape3A_50 {strides = array<i32>} : memref<1x16x128xf32, #tpu.memory_space<vmem>>, vector<1x16x128xf32>,
    return
  }
  func.func @transform_0(%arg0: i32) -> (i32, i32) {
    %c0_i32 = arith.constant 0 : i32
    %c0_i32_0 = arith.constant 0 : i32
    return %arg0, %c0_i32 : i32, i32
  }
  func.func @transform_1(%arg0: i32) -> (i32, i32, i32, i32) {
    %c0_i32 = arith.constant 0 : i32
    %c0_i32_0 = arith.constant 0 : i32
    %c0_i32_1 = arith.constant 0 : i32
    %c0_i32_2 = arith.constant 0 : i32
    return %arg0, %c0_i32, %c0_i32_0, %c0_i32_1 : i32, i32, i32, i32
  }
  func.func @transform_2(%arg0: i32) -> (i32, i32) {
    %c0_i32 = arith.constant 0 : i32
    %c0_i32_0 = arith.constant 0 : i32
    %c0_i32_1 = arith.constant 0 : i32
    return %c0_i32, %c0_i32_0 : i32, i32
  }
  func.func @transform_3(%arg0: i32) -> (i32, i32) {
    %c0_i32 = arith.constant 0 : i32
    %c0_i32_0 = arith.constant 0 : i32
    %c0_i32_1 = arith.constant 0 : i32
    return %c0_i32, %c0_i32_0 : i32, i32
  }
  func.func @transform_4(%arg0: i32) -> (i32, i32) {
    %c0_i32 = arith.constant 0 : i32
    %c0_i32_0 = arith.constant 0 : i32
    %c0_i32_1 = arith.constant 0 : i32
    return %c0_i32, %c0_i32_0 : i32, i32
  }
  func.func @transform_5(%arg0: i32) -> (i32, i32) {
    %c0_i32 = arith.constant 0 : i32
    %c0_i32_0 = arith.constant 0 : i32
    %c0_i32_1 = arith.constant 0 : i32
    return %c0_i32, %c0_i32_0 : i32, i32
  }
  func.func @transform_6(%arg0: i32) -> (i32, i32) {
    %c0_i32 = arith.constant 0 : i32
    %c0_i32_0 = arith.constant 0 : i32
    %c0_i32_1 = arith.constant 0 : i32
    return %c0_i32, %c0_i32_0 : i32, i32
  }
  func.func @transform_7(%arg0: i32) -> (i32, i32) {
    %c0_i32 = arith.constant 0 : i32
    %c0_i32_0 = arith.constant 0 : i32
    %c0_i32_1 = arith.constant 0 : i32
    return %c0_i32, %c0_i32_0 : i32, i32
  }
  func.func @transform_8(%arg0: i32) -> (i32, i32, i32) {
    %c0_i32 = arith.constant 0 : i32
    %c0_i32_0 = arith.constant 0 : i32
    %c0_i32_1 = arith.constant 0 : i32
    return %arg0, %c0_i32, %c0_i32_0 : i32, i32, i32
  }
}

</mosaic_0001>

<sc_bundles>
// kernel: kernel.5.cloned.1.call-start
scs
__scs_entry_jumppad:
0x0: {  	(pc) =	sbr.rel $0x88, $3  }
0x1: {  	(tag) =	ssettag $0x0;
	lr =	simm.s32 $0x1  }
0x2: {  	[smem:$0x3F95] =	sst lr;
	_ =	strace $0xD0000000  }
0x3: {  	_ = 	snop  }
0x4: {  	_ = 	snop  }
0x5: {  	_ = 	snop  }
0x6: {  	_ = 	snop  }
0x7: {  	_ = 	snop  }
__scs_overlays_trampoline_lowered:
0x8: {  	[smem:$0x3FA4] =	sst s0  }
0x9: {  	[smem:$0x3FA5] =	sst s1  }
0xa: {  	[smem:$0x3FA6] =	sst s2  }
0xb: {  	[smem:$0x3FA7] =	sst s3  }
0xc: {  	[smem:$0x3FA8] =	sst s4  }
0xd: {  	[smem:$0x3FA9] =	sst s5  }
0xe: {  	[smem:$0x3FAA] =	sst s6  }
0xf: {  	[smem:$0x3FAB] =	sst s7  }
0x10: {  	[smem:$0x3FAC] =	sst s8  }
0x11: {  	[smem:$0x3FAD] =	sst s9;
	s0 =	simm.s32 @!p0 $0x0  }
0x12: {  	s1 =	sld [smem:$0x3F93];
	s0 =	simm.s32 @p0 $0x1  }
0x13: {  	[smem:$0x3FAE] =	sst s0;
	s0 =	simm.s32 @!p1 $0x0  }
0x14: {  	s2 =	sld [smem:$0x3F92];
	s0 =	simm.s32 @p1 $0x1  }
0x15: {  	[smem:$0x3FAF] =	sst s0;
	s0 =	simm.s32 @!p2 $0x0  }
0x16: {  	s3 =	sld [smem:$0x3FDB];
	s0 =	simm.s32 @p2 $0x1  }
0x17: {  	s4 =	simm.s32 $0x1BF5;
	[smem:$0x3FB1] =	sst s0  }
0x18: {  	s0 =	sld [smem:$0x3F94];
	_ =	swait.ge [sflag:s4], $0x0  }
0x19: {  	s7 =	sld [smem:$0x3F95]  }
0x1a: {  	s8 =	sadd.s32 $0xFFFFE003, lr  }
0x1b: {  	s9 =	sadd.s32 $0xFFFFFEF7, lr;
	s5 =	simm.s32 $0xFFFFFFFF;
	p2 =	slt.u32 s8, $0xFFFFF086  }
0x1c: {  	p1 =	slt.u32 s9, $0xF7A;
	s5 =	simm.s32 @!p2 $0x0  }
0x1d: {  	s5 =	simm.s32 @p1 $0x1;
	p0 =	seq.s32 s7, s2  }
0x1e: {  	s7 =	smul.u32 @!p0 $0xF7A, s2;
	p2 =	seq.s32 @!p0 s5, $0x0  }
0x1f: {  	s9 =	smul.u32 $0xF7A, s1;
	s8 =	simm.s32 @!p0 $0x1BF5;
	p2 =	por !p2, p0  }
0x20: {  	[sflag:s8] =	ssyncset.s32 @!p0 $0xFFFFF086;
	s6 =	sadd.s32 @!p0 s3, s7;
	s7 =	simm.s32 @!p0 $0x108  }
0x21: {  	s3 =	sadd.s32 s3, s9;
	s6 =	sadd.s32 @!p0 $0x88, s6;
	s7 =	simm.s32 @p2 $0x1082  }
0x22: {  	[simem:s7], [sflag:s8] =	dma.local @!p0 [hbm:s6], $0xF7A  }
0x23: {  	s9 =	sor.u32 $0xD0000000, s2;
	s6 =	simm.s32 $0x108;
	_ =	swait.ge @!p0 [sflag:s8], $0x0  }
0x24: {  	s3 =	sadd.s32 $0x88, s3;
	s6 =	simm.s32 @!p1 $0x1082;
	[sflag:s4] =	ssyncset.s32 $0xFFFFF086  }
0x25: {  	[simem:s6], [sflag:s4] =	dma.local [hbm:s3], $0xF7A  }
0x26: {  	[smem:$0x3F95] =	sst s1;
	(tag) =	ssettag s2;
	_ =	strace s9  }
0x27: {  	s1 =	sld [smem:$0x3FA5]  }
0x28: {  	s2 =	sld [smem:$0x3FA6]  }
0x29: {  	s4 =	sld [smem:$0x3FA8]  }
0x2a: {  	p0 =	seq.s32 s5, $0x0;
	s5 =	sld [smem:$0x3FA9]  }
0x2b: {  	s6 =	sld [smem:$0x3FAA]  }
0x2c: {  	s7 =	sld [smem:$0x3FAB]  }
0x2d: {  	s3 =	simm.s32 $0x108;
	s8 =	sld [smem:$0x3FAC]  }
0x2e: {  	s3 =	simm.s32 @!p0 $0x1082;
	s9 =	sld [smem:$0x3FAD]  }
0x2f: {  	lr =	sadd.s32 s0, s3;
	s0 =	sld [smem:$0x3FA4]  }
0x30: {  	s3 =	sld [smem:$0x3FA7]  }
0x31: {  	[smem:$0x3FB0] =	sst s10  }
0x32: {  	s10 =	sld [smem:$0x3FAE];
	_ =	sdelay $0x3  }
0x33: {  	p0 =	seq.s32 s10, $0x1;
	s10 =	sld [smem:$0x3FB0];
	_ =	sdelay $0x3  }
0x34: {  	[smem:$0x3FB0] =	sst s10  }
0x35: {  	s10 =	sld [smem:$0x3FAF];
	_ =	sdelay $0x3  }
0x36: {  	p1 =	seq.s32 s10, $0x1;
	s10 =	sld [smem:$0x3FB0];
	_ =	sdelay $0x3  }
0x37: {  	[smem:$0x3FB0] =	sst s10  }
0x38: {  	s10 =	sld [smem:$0x3FB1]  }
0x39: {  	_ = 	snop;
	(pc) =	sbr.ind lr, $3  }
0x3a: {  	_ = 	snop  }
0x3b: {  	_ = 	snop  }
0x3c: {  	p2 =	seq.s32 s10, $0x1;
	s10 =	sld [smem:$0x3FB0]  }
0x3d: {  	_ =	shalt  }
0x3e: {  	_ =	shalt  }
0x3f: {  	_ =	shalt  }
0x40: {  	_ =	shalt  }
0x41: {  	_ =	shalt  }
0x42: {  	_ =	shalt  }
0x43: {  	_ =	shalt  }
0x44: {  	_ =	shalt  }
0x45: {  	_ =	shalt  }
0x46: {  	_ =	shalt  }
0x47: {  	_ =	shalt  }
0x48: {  	_ =	shalt  }
0x49: {  	_ =	shalt  }
0x4a: {  	_ =	shalt  }
0x4b: {  	_ =	shalt  }
0x4c: {  	_ =	shalt  }
0x4d: {  	_ =	shalt  }
0x4e: {  	_ =	shalt  }
0x4f: {  	_ =	shalt  }
0x50: {  	_ =	shalt  }
0x51: {  	_ =	shalt  }
0x52: {  	_ =	shalt  }
0x53: {  	_ =	shalt  }
0x54: {  	_ =	shalt  }
0x55: {  	_ =	shalt  }
0x56: {  	_ =	shalt  }
0x57: {  	_ =	shalt  }
0x58: {  	_ =	shalt  }
0x59: {  	_ =	shalt  }
0x5a: {  	_ =	shalt  }
0x5b: {  	_ =	shalt  }
0x5c: {  	_ =	shalt  }
0x5d: {  	_ =	shalt  }
0x5e: {  	_ =	shalt  }
0x5f: {  	_ =	shalt  }
0x60: {  	_ =	shalt  }
0x61: {  	_ =	shalt  }
0x62: {  	_ =	shalt  }
0x63: {  	_ =	shalt  }
0x64: {  	_ =	shalt  }
0x65: {  	_ =	shalt  }
0x66: {  	_ =	shalt  }
0x67: {  	_ =	shalt  }
0x68: {  	_ =	shalt  }
0x69: {  	_ =	shalt  }
0x6a: {  	_ =	shalt  }
0x6b: {  	_ =	shalt  }
0x6c: {  	_ =	shalt  }
0x6d: {  	_ =	shalt  }
0x6e: {  	_ =	shalt  }
0x6f: {  	_ =	shalt  }
0x70: {  	_ =	shalt  }
0x71: {  	_ =	shalt  }
0x72: {  	_ =	shalt  }
0x73: {  	_ =	shalt  }
0x74: {  	_ =	shalt  }
0x75: {  	_ =	shalt  }
0x76: {  	_ =	shalt  }
0x77: {  	_ =	shalt  }
0x78: {  	_ =	shalt  }
0x79: {  	_ =	shalt  }
0x7a: {  	_ =	shalt  }
0x7b: {  	_ =	shalt  }
0x7c: {  	_ =	shalt  }
0x7d: {  	_ =	shalt  }
0x7e: {  	_ =	shalt  }
0x7f: {  	_ =	shalt  }
0x80: {  	_ =	shalt  }
0x81: {  	_ =	shalt  }
0x82: {  	_ =	shalt  }
0x83: {  	_ =	shalt  }
0x84: {  	_ =	shalt  }
0x85: {  	_ =	shalt  }
0x86: {  	_ =	shalt  }
0x87: {  	_ =	shalt  }
.Lfunc_end0:
.L_simem_size_0:
called_computation_lowered:
.L_overlay_start_0:
0x88: {  	s2 =	sld [smem:$0x3FD9]  }
0x89: {  	s3 =	sld [smem:$0x3FFE];
	_ =	sdelay $0x1  }
0x8a: {  	s1 =	srdreg.scid  }
0x8b: {  	s0 =	sand.u32 $0x1, s1  }
0x8c: {  	s17 =	sshll.u32 s0, $0xA;
	s2 =	sadd.s32 s3, s2  }
0x8d: {  	s2 =	sadd.s32 s2, s17  }
0x8e: {  	[smem:$0x3FBC] =	sst s2  }
0x8f: {  	_ = 	snop  }
0x90: {  	s2 =	sld [smem:$0x3FC9]  }
0x91: {  	s18 =	sld [smem:$0x3FC8];
	(tm) =	ssettm $0x1  }
0x92: {  	s4 =	sld [smem:$0x3FFB];
	_ =	sdelay $0x3  }
0x93: {  	_ =	strace s4  }
0x94: {  	s4 =	sld [smem:$0x3FFC];
	_ =	sdelay $0x3  }
0x95: {  	_ =	strace s4  }
0x96: {  	s4 =	sld [smem:$0x3FFD];
	_ =	sdelay $0x3  }
0x97: {  	_ =	strace s4  }
0x98: {  	_ =	strace $0x8FFFFFFF  }
0x99: {  	s19 =	sld [smem:$0x3FDB];
	_ =	sdelay $0x1  }
0x9a: {  	s5 =	simm.s32 $_scs_section_size  }
0x9b: {  	s6 =	simm.s32 $_size__tile_overlayer_lowered;
	s7 =	simm.s32 $_tile_overlayer_lowered  }
0x9c: {  	s22 =	simm.s32 $0x1BFF;
	s21 =	sshll.u32 s7, $0x1;
	s4 =	sadd.s32 s5, s19  }
0x9d: {  	s8 =	simm.s32 $0x0;
	s20 =	sshll.u32 s6, $0x1;
	s6 =	sadd.s32 s21, s4  }
0x9e: {  	[timem:s8], [sflag:s22] =	dma.local [hbm:s6], s20  }
0x9f: {  	_ =	swait.ge [sflag:s22], s20  }
0xa0: {  	s5 =	ssub.s32 $0x0, s20;
	[sflag:s22] =	ssyncset.done $0x0  }
0xa1: {  	[sflag:s22] =	ssyncadd.s32 s5;
	_ =	sdelay $0x1  }
0xa2: {  	s23 =	simm.s32 $0x1B8B  }
0xa3: {  	_ =	swait.ge [sflag:s23], $0x1  }
0xa4: {  	[sflag:s23] =	ssyncset.done $0x0  }
0xa5: {  	s25 =	simm.s32 $0x1B8E;
	s24 =	sld [smem:$0x3FFE];
	[sflag:s23] =	ssyncadd.s32 $0xFFFFFFFF  }
0xa6: {  	s26 =	simm.s32 $execute0_lowered;
	[smem:$0x3FD2] =	sst s25  }
0xa7: {  	s6 =	sshll.u32 s26, $0x1;
	_ =	strace $0x80000046;
	[dreg:$0x1] =	wrdreg $0xFFFFFFFF  }
0xa8: {  	s28 =	simm.s32 $_size_execute0_lowered;
	s4 =	sadd.s32 s4, s6;
	[dreg:$0x0] =	wrdreg $0x0  }
0xa9: {  	s6 =	sshll.u32 s28, $0x1;
	[dreg:$0x2] =	wrdreg s4  }
0xaa: {  	[dreg:$0x3] =	wrdreg s6  }
0xab: {  	[dreg:$0x4] =	wrdreg $0xC0  }
0xac: {  	_ =	task [dreg:s8], $0x5FFFF  }
0xad: {  	[dreg:$0x1] =	wrdreg $0xFFFFFFFF  }
0xae: {  	[dreg:$0x0] =	wrdreg $0x60  }
0xaf: {  	[dreg:$0x2] =	wrdreg s2  }
0xb0: {  	[dreg:$0x3] =	wrdreg s18  }
0xb1: {  	[dreg:$0x4] =	wrdreg s24  }
0xb2: {  	[dreg:$0x5] =	wrdreg $0x9  }
0xb3: {  	_ =	task.clear_ibuf [dreg:s8], $0x6FFFF;
	_ =	strace $0x90000046  }
0xb4: {  	s29 =	simm.s32 $0x9;
	_ =	strace $0x80000048  }
0xb5: {  	_ =	swait.ge [sflag:s29], $0x1  }
0xb6: {  	[sflag:s29] =	ssyncadd.s32 $0xFFFFFFFF  }
0xb7: {  	_ =	strace $0x90000048  }
0xb8: {  	_ =	sfence  }
0xb9: {  	s30 =	sld [smem:$0x0];
	_ =	sdelay $0x2  }
0xba: {  	s31 =	sshll.u32 s1, $0xD;
	s1 =	sshrl.u32 s1, $0x2  }
0xbb: {  	s3 =	sand.u32 $0x4000, s31;
	s1 =	sadd.s32 s1, s30  }
0xbc: {  	s0 =	sor.u32 s3, s0;
	s1 =	sshll.u32 s1, $0x11  }
0xbd: {  	s0 =	sor.u32 s1, s0  }
0xbe: {  	s0 =	sadd.s32 $0x8F2B, s0  }
0xbf: {  	[sflag:s0] =	ssyncadd.remote.s32 $0x1  }
0xc0: {  	_ =	sfence.sel $0xFFFF  }
0xc1: {  	[dreg:$0x0] =	wrdreg $0xFFFFFFFF;
	(pc) =	sbr.abs _section_cstart, $3  }
0xc2: {  	[dreg:$0x1] =	wrdreg $0xFFFFFFFF  }
0xc3: {  	_ =	task.clear_ibuf [dreg:s8], $0x2FFFF;
	_ =	strace $0x9FFFFFFF  }
0xc4: {  	(tm) =	ssettm $0x7FFFFFFF  }
0xc5: {  	_ =	shalt  }
tec
execute0_lowered:
.L_overlay_start_1:
0x0: {  	(tag) =	ssettag $0x1  }
0x1: {  	s0 =	rddreg [dreg:$0x0]  }
0x2: {  	s1 =	rddreg [dreg:$0x1]  }
0x3: {  	s5 =	rddreg [dreg:$0x2];
	s2 =	simm.s32 $0x0;
	s3 =	srdreg.scid  }
0x4: {  	s4 =	stileid.u32;
	s17 =	simm.s32 $0x3;
	s19 =	simm.s32 $0x80  }
0x5: {  	s20 =	simm.s32 $0x400;
	s21 =	simm.s32 $0xC400;
	s30 =	simm.s32 $0x1  }
0x6: {  	s31 =	simm.s32 $0x18400;
	s23 =	simm.s32 $0x0;
	[smem:$0x7FF] =	sst s2  }
0x7: {  	s6 =	sand.u32 $0x1, s3;
	s4 =	sshll.u32 s4, $0x1;
	s3 =	sadd.s32 $0x2400, s5  }
0x8: {  	_ =	strace $0x80000047;
	s7 =	sor.u32 s6, s4;
	s4 =	sadd.s32 $0x29600, s5  }
0x9: {  	s6 =	ssub.s32 $0x2, s6;
	s8 =	sshll.u32 s7, $0xD;
	s28 =	sshll.u32 s7, $0xA  }
0xa: {  	s9 =	sshrl.u32 s6, $0x1;
	s29 =	sshll.u32 s7, $0x6;
	s14 =	sadd.s32 s8, s5  }
0xb: {  	s15 =	sadd.s32 s28, s5;
	s16 =	ssub.s32 s6, s9;
	s5 =	sadd.s32 s0, s29  }
0xc: {  	v0 =	vlaneseq.u32;
	s6 =	sadd.s32 s1, s29;
	s0 =	simm.s32 $0x2;
	s7 =	sadd.s32 $0x50800, s14  }
0xd: {  	v0 =	vmul.u32 $0x80, v0;
	s8 =	sadd.s32 $0x50808, s14;
	s9 =	sadd.s32 $0x51000, s14;
	s10 =	sadd.s32 $0x51008, s14  }
0xe: {  	s11 =	sadd.s32 $0x51800, s14;
	s12 =	sadd.s32 $0x51808, s14;
	s13 =	sadd.s32 $0x52000, s14  }
0xf: {  	v1 =	vor.u32 $0x800, v0;
	v2 =	vor.u32 $0x1000, v0;
	v3 =	vor.u32 $0x1800, v0;
	s14 =	sadd.s32 $0x52008, s14;
	s15 =	sadd.s32 $0x90800, s15;
	s16 =	smax.u32 s16, $0x1  }
.LBB2_1:
0x10: {  	[tilespmem:s2], [sflag:$0x3] =	stream.linear.gather [hbm4b:s5+s2], $0x200, $0x38;
	[tilespmem:$0x1A400] =	vst v63  }
0x11: {  	_ =	swait.ge [sflag:s17], $0x200  }
0x12: {  	[sflag:s17] =	ssyncset.done $0x0  }
0x13: {  	s1 =	simm.s32 $0x200;
	[sflag:s17] =	ssyncadd.s32 $0xFFFFFE00  }
0x14: {  	[tilespmem:s1], [sflag:$0x3] =	stream.linear.gather [hbm4b:s6+s2], $0x200, $0x38;
	[tilespmem:$0x1A400] =	vst v63  }
0x15: {  	_ =	swait.ge [sflag:s17], $0x200  }
0x16: {  	[sflag:s17] =	ssyncset.done $0x0  }
0x17: {  	[sflag:s17] =	ssyncadd.s32 $0xFFFFFE00  }
0x18: {  	[tilespmem:s20], [sflag:$0x1] =	stream.indirect.gather [hbm4b:s3+s19], $0x80, s2, s19, $0xb8;
	[tilespmem:$0x1A400] =	vst v63  }
0x19: {  	_ = 	snop  }
0x1a: {  	[tilespmem:s21], [sflag:$0x1] =	stream.indirect.gather [hbm4b:s4+s19], $0x80, s1, s19, $0xb8;
	[tilespmem:$0x1A400] =	vst v63  }
0x1b: {  	s25 =	simm.s32 $0x4400  }
0x1c: {  	[tilespmem:s25], [sflag:$0x1] =	stream.indirect.gather [hbm4b:s3+s19], $0x80, s19, s19, $0xb8;
	[tilespmem:$0x1A400] =	vst v63  }
0x1d: {  	s26 =	simm.s32 $0x280;
	s18 =	simm.s32 $0x10400  }
0x1e: {  	[tilespmem:s18], [sflag:$0x1] =	stream.indirect.gather [hbm4b:s4+s19], $0x80, s26, s19, $0xb8;
	[tilespmem:$0x1A400] =	vst v63  }
0x1f: {  	s22 =	simm.s32 $0x100;
	s24 =	simm.s32 $0x8400  }
0x20: {  	[tilespmem:s24], [sflag:$0x1] =	stream.indirect.gather [hbm4b:s3+s19], $0x80, s22, s19, $0xb8;
	[tilespmem:$0x1A400] =	vst v63  }
0x21: {  	s25 =	simm.s32 $0x300;
	s26 =	simm.s32 $0x14400  }
0x22: {  	[tilespmem:s26], [sflag:$0x1] =	stream.indirect.gather [hbm4b:s4+s19], $0x80, s25, s19, $0xb8;
	[tilespmem:$0x1A400] =	vst v63  }
0x23: {  	_ =	swait.ge [sflag:s30], $0x4000  }
0x24: {  	[sflag:s30] =	ssyncset.done $0x0  }
0x25: {  	[sflag:s30] =	ssyncadd.s32 $0xFFFFC000  }
0x26: {  	_ =	swait.ge [sflag:s30], $0x4000  }
0x27: {  	[sflag:s30] =	ssyncset.done $0x0  }
0x28: {  	s18 =	simm.s32 $0x500;
	[sflag:s30] =	ssyncadd.s32 $0xFFFFC000  }
0x29: {  	s22 =	simm.s32 $0xC500;
	v4 =	vld [tilespmem:s18+$0xFFFFFF00]  }
0x2a: {  	v5 =	vld [tilespmem:s22+$0xFFFFFF10]  }
0x2b: {  	v6 =	vld [tilespmem:s18+$0xFFFFFF10]  }
0x2c: {  	v7 =	vld [tilespmem:s22+$0xFFFFFF00]  }
0x2d: {  	v8 =	vld [tilespmem:s22+$0xFFFFFF20]  }
0x2e: {  	v9 =	vld [tilespmem:s18+$0xFFFFFF20]  }
0x2f: {  	v10 =	vld [tilespmem:s22+$0xFFFFFF30]  }
0x30: {  	v12 =	vmov s2;
	v11 =	vld [tilespmem:s18+$0xFFFFFF30]  }
0x31: {  	v4 =	vmul.f32 v7, v4;
	v5 =	vmul.f32 v5, v6;
	v6 =	vand.u32 $0x7C, v12  }
0x32: {  	v6 =	vbroadcast v6, $0x0  }
0x33: {  	v4 =	vadd.f32 v5, v4;
	v5 =	vmul.f32 v8, v9  }
0x34: {  	v6 =	vor.u32 v0, v6  }
0x35: {  	v4 =	vadd.f32 v5, v4;
	v5 =	vmul.f32 v10, v11;
	_ =	sdelay $0x1  }
0x36: {  	v4 =	vadd.f32 v5, v4;
	_ =	sdelay $0x1  }
0x37: {  	[tilespmem:v6+s31+$0x0] =	vst.idx.msk $0xffff, v4  }
0x38: {  	v4 =	vld [tilespmem:s18+$0xFFFFFF80]  }
0x39: {  	v5 =	vld [tilespmem:s22+$0xFFFFFF90]  }
0x3a: {  	v6 =	vld [tilespmem:s18+$0xFFFFFF90]  }
0x3b: {  	v7 =	vld [tilespmem:s22+$0xFFFFFF80]  }
0x3c: {  	v8 =	vld [tilespmem:s22+$0xFFFFFFA0]  }
0x3d: {  	v52 =	vld [tilespmem:s18+$0xFFFFFFA0]  }
0x3e: {  	s24 =	simm.s32 $0x1;
	v53 =	vld [tilespmem:s22+$0xFFFFFFB0]  }
0x3f: {  	v55 =	vmov s24;
	v54 =	vld [tilespmem:s18+$0xFFFFFFB0]  }
0x40: {  	v5 =	vmul.f32 v5, v6;
	v4 =	vmul.f32 v7, v4;
	v6 =	vand.u32 $0x7D, v55  }
0x41: {  	v6 =	vbroadcast v6, $0x0  }
0x42: {  	v4 =	vadd.f32 v5, v4;
	v5 =	vmul.f32 v8, v52  }
0x43: {  	v6 =	vor.u32 v0, v6  }
0x44: {  	v4 =	vadd.f32 v5, v4;
	v5 =	vmul.f32 v53, v54;
	_ =	sdelay $0x1  }
0x45: {  	v4 =	vadd.f32 v5, v4;
	_ =	sdelay $0x1  }
0x46: {  	[tilespmem:v6+s31+$0x0] =	vst.idx.msk $0xffff, v4  }
0x47: {  	v4 =	vld [tilespmem:s18+$0x0]  }
0x48: {  	v5 =	vld [tilespmem:s22+$0x10]  }
0x49: {  	v6 =	vld [tilespmem:s22+$0x0]  }
0x4a: {  	v7 =	vld [tilespmem:s18+$0x10]  }
0x4b: {  	v8 =	vld [tilespmem:s22+$0x20]  }
0x4c: {  	v56 =	vld [tilespmem:s18+$0x20]  }
0x4d: {  	s25 =	simm.s32 $0x2;
	v57 =	vld [tilespmem:s22+$0x30]  }
0x4e: {  	v59 =	vmov s25;
	v58 =	vld [tilespmem:s18+$0x30]  }
0x4f: {  	v4 =	vmul.f32 v6, v4;
	v5 =	vmul.f32 v5, v7;
	v6 =	vand.u32 $0x7E, v59  }
0x50: {  	v6 =	vbroadcast v6, $0x0  }
0x51: {  	v4 =	vadd.f32 v5, v4;
	v5 =	vmul.f32 v8, v56  }
0x52: {  	v6 =	vor.u32 v0, v6  }
0x53: {  	v4 =	vadd.f32 v5, v4;
	v5 =	vmul.f32 v57, v58;
	_ =	sdelay $0x1  }
0x54: {  	v4 =	vadd.f32 v5, v4;
	_ =	sdelay $0x1  }
0x55: {  	[tilespmem:v6+s31+$0x0] =	vst.idx.msk $0xffff, v4  }
0x56: {  	v4 =	vld [tilespmem:s18+$0x80]  }
0x57: {  	v5 =	vld [tilespmem:s22+$0x90]  }
0x58: {  	v6 =	vld [tilespmem:s22+$0x80]  }
0x59: {  	v7 =	vld [tilespmem:s18+$0x90]  }
0x5a: {  	v8 =	vld [tilespmem:s18+$0xA0]  }
0x5b: {  	v60 =	vld [tilespmem:s22+$0xA0]  }
0x5c: {  	s26 =	simm.s32 $0x3;
	v61 =	vld [tilespmem:s18+$0xB0]  }
0x5d: {  	v63 =	vmov s26;
	v62 =	vld [tilespmem:s22+$0xB0]  }
0x5e: {  	v4 =	vmul.f32 v6, v4;
	v5 =	vmul.f32 v5, v7;
	v6 =	vand.u32 $0x7F, v63  }
0x5f: {  	v6 =	vbroadcast v6, $0x0  }
0x60: {  	v7 =	vmul.f32 v60, v8;
	v8 =	vadd.f32 v5, v4  }
0x61: {  	s28 =	simm.s32 $0xC700;
	s29 =	simm.s32 $0x700;
	s1 =	simm.s32 $0x8;
	v4 =	vor.u32 v0, v6  }
0x62: {  	s24 =	simm.s32 $0x4;
	s25 =	simm.s32 $0x700;
	s26 =	simm.s32 $0xC700;
	v5 =	vmul.f32 v62, v61;
	v6 =	vadd.f32 v7, v8  }
.LBB2_2:
0x63: {  	p0 =	slt.u32 s1, $0x7C;
	s28 =	sadd.s32 $0x200, s28;
	s29 =	sadd.s32 $0x200, s29  }
0x64: {  	s22 =	smov.u32 s1;
	s1 =	sadd.s32 $0x4, s1;
	v5 =	vadd.f32 v5, v6;
	_ =	sdelay $0x1  }
0x65: {  	[tilespmem:v4+s31+$0x0] =	vst.idx.msk $0xffff, v5;
	_ =	sdelay $0x1  }
0x66: {  	v4 =	vld [tilespmem:s25+$0xFFFFFF00]  }
0x67: {  	v5 =	vld [tilespmem:s26+$0xFFFFFF10]  }
0x68: {  	v6 =	vld [tilespmem:s25+$0xFFFFFF10]  }
0x69: {  	v7 =	vld [tilespmem:s26+$0xFFFFFF00]  }
0x6a: {  	v8 =	vld [tilespmem:s26+$0xFFFFFF20]  }
0x6b: {  	v9 =	vld [tilespmem:s25+$0xFFFFFF20]  }
0x6c: {  	v10 =	vld [tilespmem:s26+$0xFFFFFF30]  }
0x6d: {  	v12 =	vmov s24;
	v11 =	vld [tilespmem:s25+$0xFFFFFF30]  }
0x6e: {  	v5 =	vmul.f32 v5, v6;
	v6 =	vand.u32 $0x7C, v12;
	v4 =	vmul.f32 v7, v4  }
0x6f: {  	v6 =	vbroadcast v6, $0x0  }
0x70: {  	v4 =	vadd.f32 v5, v4;
	v5 =	vmul.f32 v8, v9  }
0x71: {  	v6 =	vor.u32 v0, v6  }
0x72: {  	v4 =	vadd.f32 v5, v4;
	v5 =	vmul.f32 v10, v11;
	_ =	sdelay $0x1  }
0x73: {  	v4 =	vadd.f32 v5, v4;
	_ =	sdelay $0x1  }
0x74: {  	[tilespmem:v6+s31+$0x0] =	vst.idx.msk $0xffff, v4  }
0x75: {  	v4 =	vld [tilespmem:s25+$0xFFFFFF80]  }
0x76: {  	v5 =	vld [tilespmem:s26+$0xFFFFFF90]  }
0x77: {  	v6 =	vld [tilespmem:s25+$0xFFFFFF90]  }
0x78: {  	v7 =	vld [tilespmem:s26+$0xFFFFFF80]  }
0x79: {  	v8 =	vld [tilespmem:s26+$0xFFFFFFA0]  }
0x7a: {  	v9 =	vld [tilespmem:s25+$0xFFFFFFA0]  }
0x7b: {  	s18 =	sadd.s32 $0x1, s24;
	v10 =	vld [tilespmem:s26+$0xFFFFFFB0]  }
0x7c: {  	v11 =	vmov s18;
	v5 =	vmul.f32 v5, v6;
	v6 =	vld [tilespmem:s25+$0xFFFFFFB0]  }
0x7d: {  	v4 =	vmul.f32 v7, v4;
	v7 =	vand.u32 $0x7D, v11  }
0x7e: {  	v7 =	vbroadcast v7, $0x0  }
0x7f: {  	v4 =	vadd.f32 v5, v4;
	v5 =	vmul.f32 v8, v9  }
0x80: {  	v7 =	vor.u32 v0, v7  }
0x81: {  	v4 =	vadd.f32 v5, v4;
	v5 =	vmul.f32 v10, v6;
	_ =	sdelay $0x1  }
0x82: {  	v4 =	vadd.f32 v5, v4;
	_ =	sdelay $0x1  }
0x83: {  	[tilespmem:v7+s31+$0x0] =	vst.idx.msk $0xffff, v4  }
0x84: {  	v4 =	vld [tilespmem:s25+$0x0]  }
0x85: {  	v5 =	vld [tilespmem:s26+$0x10]  }
0x86: {  	v6 =	vld [tilespmem:s26+$0x0]  }
0x87: {  	v7 =	vld [tilespmem:s25+$0x10]  }
0x88: {  	v8 =	vld [tilespmem:s26+$0x20]  }
0x89: {  	v9 =	vld [tilespmem:s25+$0x20]  }
0x8a: {  	s18 =	sadd.s32 $0x2, s24;
	v10 =	vld [tilespmem:s26+$0x30]  }
0x8b: {  	v11 =	vmov s18;
	v4 =	vmul.f32 v6, v4;
	v6 =	vld [tilespmem:s25+$0x30]  }
0x8c: {  	v5 =	vmul.f32 v5, v7;
	v7 =	vand.u32 $0x7E, v11  }
0x8d: {  	v7 =	vbroadcast v7, $0x0  }
0x8e: {  	v4 =	vadd.f32 v5, v4;
	v5 =	vmul.f32 v8, v9  }
0x8f: {  	v7 =	vor.u32 v0, v7  }
0x90: {  	v4 =	vadd.f32 v5, v4;
	v5 =	vmul.f32 v10, v6;
	_ =	sdelay $0x1  }
0x91: {  	v4 =	vadd.f32 v5, v4;
	_ =	sdelay $0x1  }
0x92: {  	[tilespmem:v7+s31+$0x0] =	vst.idx.msk $0xffff, v4  }
0x93: {  	v4 =	vld [tilespmem:s25+$0xA0]  }
0x94: {  	v5 =	vld [tilespmem:s25+$0x80]  }
0x95: {  	v6 =	vld [tilespmem:s26+$0xA0]  }
0x96: {  	v7 =	vld [tilespmem:s26+$0x90]  }
0x97: {  	v8 =	vld [tilespmem:s26+$0x80]  }
0x98: {  	v9 =	vld [tilespmem:s25+$0x90]  }
0x99: {  	v10 =	vld [tilespmem:s25+$0xB0];
	s25 =	smov.u32 s29  }
0x9a: {  	s18 =	sadd.s32 $0x3, s24;
	s24 =	smov.u32 s22;
	v11 =	vld [tilespmem:s26+$0xB0];
	s26 =	smov.u32 s28  }
0x9b: {  	v12 =	vmov s18  }
0x9c: {  	v6 =	vmul.f32 v6, v4;
	v4 =	vand.u32 $0x7F, v12;
	v5 =	vmul.f32 v8, v5  }
.Ltmp0:
0x9d: {  	v4 =	vbroadcast v4, $0x0;
	v7 =	vmul.f32 v7, v9;
	(pc) =	sbr.rel @p0 .LBB2_2-.Ltmp0, $3  }
0x9e: {  	_ = 	snop  }
0x9f: {  	v4 =	vor.u32 v0, v4;
	v7 =	vadd.f32 v7, v5;
	v5 =	vmul.f32 v11, v10;
	_ =	sdelay $0x1  }
0xa0: {  	v6 =	vadd.f32 v6, v7  }
0xa1: {  	_ =	sdelay $0x1  }
0xa2: {  	v5 =	vadd.f32 v5, v6;
	_ =	sdelay $0x1  }
0xa3: {  	[tilespmem:v4+s31+$0x0] =	vst.idx.msk $0xffff, v5  }
0xa4: {  	v4 =	vld [tilespmem:s25+$0xFFFFFF00]  }
0xa5: {  	v5 =	vld [tilespmem:s26+$0xFFFFFF10]  }
0xa6: {  	v39 =	vld [tilespmem:s25+$0xFFFFFF10]  }
0xa7: {  	v7 =	vld [tilespmem:s26+$0xFFFFFF00]  }
0xa8: {  	v8 =	vld [tilespmem:s26+$0xFFFFFF20]  }
0xa9: {  	v9 =	vld [tilespmem:s25+$0xFFFFFF20]  }
0xaa: {  	v10 =	vld [tilespmem:s26+$0xFFFFFF30]  }
0xab: {  	v12 =	vmov s24;
	v11 =	vld [tilespmem:s25+$0xFFFFFF30]  }
0xac: {  	v40 =	vand.u32 $0x7C, v12;
	v4 =	vmul.f32 v7, v4;
	v5 =	vmul.f32 v5, v39  }
0xad: {  	v6 =	vbroadcast v40, $0x0  }
0xae: {  	v4 =	vadd.f32 v5, v4;
	v5 =	vmul.f32 v8, v9  }
0xaf: {  	v6 =	vor.u32 v0, v6  }
0xb0: {  	v4 =	vadd.f32 v5, v4;
	v5 =	vmul.f32 v10, v11;
	_ =	sdelay $0x1  }
0xb1: {  	v4 =	vadd.f32 v5, v4;
	_ =	sdelay $0x1  }
0xb2: {  	[tilespmem:v6+s31+$0x0] =	vst.idx.msk $0xffff, v4  }
0xb3: {  	v4 =	vld [tilespmem:s25+$0xFFFFFF80]  }
0xb4: {  	v5 =	vld [tilespmem:s26+$0xFFFFFF90]  }
0xb5: {  	v6 =	vld [tilespmem:s25+$0xFFFFFF90]  }
0xb6: {  	v41 =	vld [tilespmem:s26+$0xFFFFFF80]  }
0xb7: {  	v42 =	vld [tilespmem:s26+$0xFFFFFFA0]  }
0xb8: {  	v43 =	vld [tilespmem:s25+$0xFFFFFFA0]  }
0xb9: {  	s1 =	sadd.s32 $0x1, s24;
	v44 =	vld [tilespmem:s26+$0xFFFFFFB0]  }
0xba: {  	v46 =	vmov s1;
	v45 =	vld [tilespmem:s25+$0xFFFFFFB0]  }
0xbb: {  	v47 =	vand.u32 $0x7D, v46;
	v5 =	vmul.f32 v5, v6;
	v4 =	vmul.f32 v41, v4  }
0xbc: {  	v6 =	vbroadcast v47, $0x0  }
0xbd: {  	v4 =	vadd.f32 v5, v4;
	v5 =	vmul.f32 v42, v43  }
0xbe: {  	v6 =	vor.u32 v0, v6  }
0xbf: {  	v4 =	vadd.f32 v5, v4;
	v5 =	vmul.f32 v44, v45;
	_ =	sdelay $0x1  }
0xc0: {  	v4 =	vadd.f32 v5, v4;
	_ =	sdelay $0x1  }
0xc1: {  	[tilespmem:v6+s31+$0x0] =	vst.idx.msk $0xffff, v4  }
0xc2: {  	v4 =	vld [tilespmem:s25+$0x0]  }
0xc3: {  	v5 =	vld [tilespmem:s26+$0x10]  }
0xc4: {  	v6 =	vld [tilespmem:s26+$0x0]  }
0xc5: {  	v48 =	vld [tilespmem:s25+$0x10]  }
0xc6: {  	v49 =	vld [tilespmem:s26+$0x20]  }
0xc7: {  	v50 =	vld [tilespmem:s25+$0x20]  }
0xc8: {  	s28 =	sadd.s32 $0x2, s24;
	v51 =	vld [tilespmem:s26+$0x30]  }
0xc9: {  	v53 =	vmov s28;
	v52 =	vld [tilespmem:s25+$0x30]  }
0xca: {  	v54 =	vand.u32 $0x7E, v53;
	v4 =	vmul.f32 v6, v4;
	v5 =	vmul.f32 v5, v48  }
0xcb: {  	v6 =	vbroadcast v54, $0x0  }
0xcc: {  	v4 =	vadd.f32 v5, v4;
	v5 =	vmul.f32 v49, v50  }
0xcd: {  	v6 =	vor.u32 v0, v6  }
0xce: {  	v4 =	vadd.f32 v5, v4;
	v5 =	vmul.f32 v51, v52;
	_ =	sdelay $0x1  }
0xcf: {  	v4 =	vadd.f32 v5, v4;
	_ =	sdelay $0x1  }
0xd0: {  	[tilespmem:v6+s31+$0x0] =	vst.idx.msk $0xffff, v4  }
0xd1: {  	v4 =	vld [tilespmem:s25+$0x80]  }
0xd2: {  	v5 =	vld [tilespmem:s26+$0x90]  }
0xd3: {  	v6 =	vld [tilespmem:s26+$0x80]  }
0xd4: {  	v55 =	vld [tilespmem:s25+$0x90]  }
0xd5: {  	v56 =	vld [tilespmem:s25+$0xA0]  }
0xd6: {  	v57 =	vld [tilespmem:s26+$0xA0]  }
0xd7: {  	s29 =	sadd.s32 $0x3, s24;
	v58 =	vld [tilespmem:s25+$0xB0]  }
0xd8: {  	v60 =	vmov s29;
	v59 =	vld [tilespmem:s26+$0xB0]  }
0xd9: {  	v61 =	vand.u32 $0x7F, v60;
	v4 =	vmul.f32 v6, v4;
	v5 =	vmul.f32 v5, v55  }
0xda: {  	v6 =	vbroadcast v61, $0x0  }
0xdb: {  	v62 =	vmul.f32 v57, v56;
	v4 =	vadd.f32 v5, v4  }
0xdc: {  	v5 =	vor.u32 v0, v6  }
0xdd: {  	v63 =	vmul.f32 v59, v58;
	v4 =	vadd.f32 v62, v4;
	_ =	sdelay $0x1  }
0xde: {  	v4 =	vadd.f32 v63, v4  }
0xdf: {  	s22 =	simm.s32 $0x10  }
0xe0: {  	s24 =	simm.s32 $0x4C0;
	s1 =	simm.s32 $0x440;
	s25 =	sadd.s32 $0x0, s7;
	[tilespmem:v5+s31+$0x0] =	vst.idx.msk $0xffff, v4  }
.LBB2_4:
0xe1: {  	[hbm4b:s25+s2] =	stream.linear.scatter [tilespmem:s1], [sflag:$0x2], $0x40, $0x38;
	[tilespmem:$0x1A400] =	vst v63  }
0xe2: {  	s18 =	smov.u32 s22;
	s1 =	smov.u32 s24;
	p0 =	sne.s32 s22, $0x7F0  }
.Ltmp1:
0xe3: {  	s22 =	sadd.s32 $0x10, s22;
	(pc) =	sbr.rel @p0 .LBB2_4-.Ltmp1, $2  }
0xe4: {  	_ =	sdelay $0x2  }
0xe5: {  	s24 =	sadd.s32 $0x80, s24;
	s25 =	sadd.s32 s18, s7  }
0xe6: {  	[hbm4b:s25+s2] =	stream.linear.scatter [tilespmem:s1], [sflag:$0x2], $0x40, $0x38;
	[tilespmem:$0x1A400] =	vst v63  }
0xe7: {  	s1 =	simm.s32 $0xC440  }
0xe8: {  	s22 =	simm.s32 $0x10;
	s25 =	sadd.s32 $0x0, s8;
	s24 =	simm.s32 $0xC4C0  }
.LBB2_6:
0xe9: {  	[hbm4b:s25+s2] =	stream.linear.scatter [tilespmem:s1], [sflag:$0x2], $0x40, $0x38;
	[tilespmem:$0x1A400] =	vst v63  }
0xea: {  	s18 =	smov.u32 s22;
	s1 =	smov.u32 s24;
	p0 =	sne.s32 s22, $0x7F0  }
.Ltmp2:
0xeb: {  	s22 =	sadd.s32 $0x10, s22;
	(pc) =	sbr.rel @p0 .LBB2_6-.Ltmp2, $2  }
0xec: {  	_ =	sdelay $0x2  }
0xed: {  	s24 =	sadd.s32 $0x80, s24;
	s25 =	sadd.s32 s18, s8  }
0xee: {  	[hbm4b:s25+s2] =	stream.linear.scatter [tilespmem:s1], [sflag:$0x2], $0x40, $0x38;
	[tilespmem:$0x1A400] =	vst v63  }
0xef: {  	_ =	swait.ge [sflag:s30], $0x4000  }
0xf0: {  	[sflag:s30] =	ssyncset.done $0x0  }
0xf1: {  	[sflag:s30] =	ssyncadd.s32 $0xFFFFC000  }
0xf2: {  	_ =	swait.ge [sflag:s30], $0x4000  }
0xf3: {  	[sflag:s30] =	ssyncset.done $0x0  }
0xf4: {  	[sflag:s30] =	ssyncadd.s32 $0xFFFFC000  }
0xf5: {  	_ =	swait.ge [sflag:s0], $0x2000  }
0xf6: {  	[sflag:s0] =	ssyncset.done $0x0  }
0xf7: {  	[sflag:s0] =	ssyncadd.s32 $0xFFFFE000  }
0xf8: {  	_ =	swait.ge [sflag:s0], $0x2000  }
0xf9: {  	[sflag:s0] =	ssyncset.done $0x0  }
0xfa: {  	s25 =	simm.s32 $0x180;
	[sflag:s0] =	ssyncadd.s32 $0xFFFFE000  }
0xfb: {  	[tilespmem:s20], [sflag:$0x1] =	stream.indirect.gather [hbm4b:s3+s19], $0x80, s25, s19, $0xb8;
	[tilespmem:$0x1A400] =	vst v63  }
0xfc: {  	s26 =	simm.s32 $0x380;
	s25 =	simm.s32 $0x0  }
0xfd: {  	[tilespmem:s21], [sflag:$0x1] =	stream.indirect.gather [hbm4b:s4+s19], $0x80, s26, s19, $0xb8;
	[tilespmem:$0x1A400] =	vst v63  }
0xfe: {  	v4 =	vld [tilespmem:s25+$0x10410]  }
0xff: {  	v5 =	vld [tilespmem:s25+$0x4400]  }
0x100: {  	v6 =	vld [tilespmem:s25+$0x4410]  }
0x101: {  	v7 =	vld [tilespmem:s25+$0x10400]  }
0x102: {  	v8 =	vld [tilespmem:s25+$0x10420]  }
0x103: {  	v9 =	vld [tilespmem:s25+$0x4420]  }
0x104: {  	s24 =	simm.s32 $0x0;
	v10 =	vld [tilespmem:s25+$0x10430]  }
0x105: {  	v12 =	vmov s24;
	v11 =	vld [tilespmem:s25+$0x4430]  }
0x106: {  	v4 =	vmul.f32 v4, v6;
	v5 =	vmul.f32 v7, v5;
	v6 =	vand.u32 $0x7C, v12  }
0x107: {  	v6 =	vbroadcast v6, $0x0  }
0x108: {  	v4 =	vadd.f32 v4, v5;
	v5 =	vmul.f32 v8, v9  }
0x109: {  	v6 =	vor.u32 v1, v6  }
0x10a: {  	v4 =	vadd.f32 v5, v4;
	v5 =	vmul.f32 v10, v11;
	_ =	sdelay $0x1  }
0x10b: {  	v4 =	vadd.f32 v5, v4;
	_ =	sdelay $0x1  }
0x10c: {  	[tilespmem:v6+s31+$0x0] =	vst.idx.msk $0xffff, v4  }
0x10d: {  	v4 =	vld [tilespmem:s25+$0x4480]  }
0x10e: {  	v5 =	vld [tilespmem:s25+$0x10480]  }
0x10f: {  	v6 =	vld [tilespmem:s25+$0x10490]  }
0x110: {  	v7 =	vld [tilespmem:s25+$0x4490]  }
0x111: {  	v8 =	vld [tilespmem:s25+$0x104A0]  }
0x112: {  	v56 =	vld [tilespmem:s25+$0x44A0]  }
0x113: {  	s28 =	simm.s32 $0x1;
	v57 =	vld [tilespmem:s25+$0x104B0]  }
0x114: {  	v59 =	vmov s28;
	v58 =	vld [tilespmem:s25+$0x44B0]  }
0x115: {  	v4 =	vmul.f32 v5, v4;
	v5 =	vmul.f32 v6, v7;
	v6 =	vand.u32 $0x7D, v59  }
0x116: {  	v6 =	vbroadcast v6, $0x0  }
0x117: {  	v4 =	vadd.f32 v5, v4;
	v5 =	vmul.f32 v8, v56  }
0x118: {  	v6 =	vor.u32 v1, v6  }
0x119: {  	v4 =	vadd.f32 v5, v4;
	v5 =	vmul.f32 v57, v58;
	_ =	sdelay $0x1  }
0x11a: {  	v4 =	vadd.f32 v5, v4;
	_ =	sdelay $0x1  }
0x11b: {  	[tilespmem:v6+s31+$0x0] =	vst.idx.msk $0xffff, v4  }
0x11c: {  	v4 =	vld [tilespmem:s25+$0x4500]  }
0x11d: {  	v5 =	vld [tilespmem:s25+$0x10500]  }
0x11e: {  	v6 =	vld [tilespmem:s25+$0x4510]  }
0x11f: {  	v7 =	vld [tilespmem:s25+$0x10510]  }
0x120: {  	v8 =	vld [tilespmem:s25+$0x4520]  }
0x121: {  	v60 =	vld [tilespmem:s25+$0x10520]  }
0x122: {  	s29 =	simm.s32 $0x2;
	v61 =	vld [tilespmem:s25+$0x4530]  }
0x123: {  	v63 =	vmov s29;
	v62 =	vld [tilespmem:s25+$0x10530]  }
0x124: {  	v4 =	vmul.f32 v5, v4;
	v5 =	vmul.f32 v7, v6;
	v6 =	vand.u32 $0x7E, v63  }
0x125: {  	v6 =	vbroadcast v6, $0x0  }
0x126: {  	v4 =	vadd.f32 v5, v4;
	v5 =	vmul.f32 v60, v8  }
0x127: {  	v6 =	vor.u32 v1, v6  }
0x128: {  	v4 =	vadd.f32 v5, v4;
	v5 =	vmul.f32 v62, v61;
	_ =	sdelay $0x1  }
0x129: {  	v4 =	vadd.f32 v5, v4;
	_ =	sdelay $0x1  }
0x12a: {  	[tilespmem:v6+s31+$0x0] =	vst.idx.msk $0xffff, v4  }
0x12b: {  	v4 =	vld [tilespmem:s25+$0x45A0]  }
0x12c: {  	v6 =	vld [tilespmem:s25+$0x4580]  }
0x12d: {  	v5 =	vld [tilespmem:s25+$0x105A0]  }
0x12e: {  	s1 =	simm.s32 $0x0;
	s26 =	simm.s32 $0x4;
	v7 =	vld [tilespmem:s25+$0x10590]  }
.LBB2_8:
0x12f: {  	p0 =	slt.u32 s26, $0x7C  }
0x130: {  	v8 =	vld [tilespmem:s25+$0x10580];
	s24 =	sadd.s32 $0x800, s24;
	s18 =	smov.u32 s26;
	s26 =	sadd.s32 $0x4, s26  }
0x131: {  	v9 =	vld [tilespmem:s25+$0x4590]  }
0x132: {  	v10 =	vld [tilespmem:s25+$0x45B0]  }
0x133: {  	s22 =	sadd.s32 $0x3, s1;
	s1 =	smov.u32 s18;
	v11 =	vld [tilespmem:s25+$0x105B0]  }
0x134: {  	v12 =	vmov s22  }
0x135: {  	v4 =	vmul.f32 v5, v4;
	v5 =	vand.u32 $0x7F, v12;
	v6 =	vmul.f32 v8, v6  }
0x136: {  	v5 =	vbroadcast v5, $0x0;
	v7 =	vmul.f32 v7, v9;
	_ =	sdelay $0x1  }
0x137: {  	v5 =	vor.u32 v1, v5;
	v6 =	vadd.f32 v7, v6;
	v7 =	vmul.f32 v11, v10;
	_ =	sdelay $0x1  }
0x138: {  	v4 =	vadd.f32 v4, v6;
	_ =	sdelay $0x1  }
0x139: {  	v4 =	vadd.f32 v7, v4;
	_ =	sdelay $0x1  }
0x13a: {  	s25 =	sshra.s32 s24, $0x2;
	[tilespmem:v5+s31+$0x0] =	vst.idx.msk $0xffff, v4  }
0x13b: {  	v4 =	vld [tilespmem:s25+$0x10410]  }
0x13c: {  	v5 =	vld [tilespmem:s25+$0x4400]  }
0x13d: {  	v6 =	vld [tilespmem:s25+$0x4410]  }
0x13e: {  	v7 =	vld [tilespmem:s25+$0x10400]  }
0x13f: {  	v8 =	vld [tilespmem:s25+$0x10420]  }
0x140: {  	v9 =	vld [tilespmem:s25+$0x4420]  }
0x141: {  	v10 =	vld [tilespmem:s25+$0x10430]  }
0x142: {  	v11 =	vmov s1;
	v4 =	vmul.f32 v4, v6;
	v6 =	vld [tilespmem:s25+$0x4430]  }
0x143: {  	v5 =	vmul.f32 v7, v5;
	v7 =	vand.u32 $0x7C, v11  }
0x144: {  	v7 =	vbroadcast v7, $0x0  }
0x145: {  	v4 =	vadd.f32 v4, v5;
	v5 =	vmul.f32 v8, v9  }
0x146: {  	v7 =	vor.u32 v1, v7  }
0x147: {  	v4 =	vadd.f32 v5, v4;
	v5 =	vmul.f32 v10, v6;
	_ =	sdelay $0x1  }
0x148: {  	v4 =	vadd.f32 v5, v4;
	_ =	sdelay $0x1  }
0x149: {  	[tilespmem:v7+s31+$0x0] =	vst.idx.msk $0xffff, v4  }
0x14a: {  	v4 =	vld [tilespmem:s25+$0x4480]  }
0x14b: {  	v5 =	vld [tilespmem:s25+$0x10480]  }
0x14c: {  	v6 =	vld [tilespmem:s25+$0x10490]  }
0x14d: {  	v7 =	vld [tilespmem:s25+$0x4490]  }
0x14e: {  	v8 =	vld [tilespmem:s25+$0x104A0]  }
0x14f: {  	v9 =	vld [tilespmem:s25+$0x44A0]  }
0x150: {  	s18 =	sadd.s32 $0x1, s1;
	v4 =	vmul.f32 v5, v4;
	v5 =	vld [tilespmem:s25+$0x104B0]  }
0x151: {  	v11 =	vmov s18;
	v10 =	vld [tilespmem:s25+$0x44B0]  }
0x152: {  	v6 =	vmul.f32 v6, v7;
	v7 =	vand.u32 $0x7D, v11  }
0x153: {  	v7 =	vbroadcast v7, $0x0  }
0x154: {  	v4 =	vadd.f32 v6, v4;
	v6 =	vmul.f32 v8, v9  }
0x155: {  	v7 =	vor.u32 v1, v7  }
0x156: {  	v4 =	vadd.f32 v6, v4;
	v5 =	vmul.f32 v5, v10;
	_ =	sdelay $0x1  }
0x157: {  	v4 =	vadd.f32 v5, v4;
	_ =	sdelay $0x1  }
0x158: {  	[tilespmem:v7+s31+$0x0] =	vst.idx.msk $0xffff, v4  }
0x159: {  	v4 =	vld [tilespmem:s25+$0x4500]  }
0x15a: {  	v5 =	vld [tilespmem:s25+$0x10500]  }
0x15b: {  	v6 =	vld [tilespmem:s25+$0x4510]  }
0x15c: {  	v7 =	vld [tilespmem:s25+$0x10510]  }
0x15d: {  	v8 =	vld [tilespmem:s25+$0x4520]  }
0x15e: {  	v9 =	vld [tilespmem:s25+$0x10520]  }
0x15f: {  	s18 =	sadd.s32 $0x2, s1;
	v4 =	vmul.f32 v5, v4;
	v5 =	vld [tilespmem:s25+$0x4530]  }
0x160: {  	v11 =	vmov s18;
	v10 =	vld [tilespmem:s25+$0x10530]  }
0x161: {  	v6 =	vmul.f32 v7, v6;
	v7 =	vand.u32 $0x7E, v11  }
0x162: {  	v7 =	vbroadcast v7, $0x0  }
0x163: {  	v4 =	vadd.f32 v6, v4;
	v6 =	vmul.f32 v9, v8  }
0x164: {  	v7 =	vor.u32 v1, v7  }
0x165: {  	v4 =	vadd.f32 v6, v4;
	v5 =	vmul.f32 v10, v5;
	_ =	sdelay $0x1  }
0x166: {  	v4 =	vadd.f32 v5, v4;
	_ =	sdelay $0x1  }
.Ltmp3:
0x167: {  	[tilespmem:v7+s31+$0x0] =	vst.idx.msk $0xffff, v4;
	(pc) =	sbr.rel @p0 .LBB2_8-.Ltmp3, $4  }
0x168: {  	v4 =	vld [tilespmem:s25+$0x45A0]  }
0x169: {  	v6 =	vld [tilespmem:s25+$0x4580]  }
0x16a: {  	v5 =	vld [tilespmem:s25+$0x105A0]  }
0x16b: {  	v7 =	vld [tilespmem:s25+$0x10590]  }
0x16c: {  	v8 =	vld [tilespmem:s25+$0x10580]  }
0x16d: {  	v9 =	vld [tilespmem:s25+$0x4590];
	_ =	sdelay $0x2  }
0x16e: {  	v10 =	vld [tilespmem:s25+$0x45B0];
	s1 =	sadd.s32 $0x3, s1  }
0x16f: {  	v11 =	vld [tilespmem:s25+$0x105B0];
	v12 =	vmov s1  }
0x170: {  	v61 =	vand.u32 $0x7F, v12;
	v6 =	vmul.f32 v8, v6;
	v7 =	vmul.f32 v7, v9  }
0x171: {  	v8 =	vbroadcast v61, $0x0  }
0x172: {  	v4 =	vmul.f32 v5, v4;
	v5 =	vadd.f32 v7, v6  }
0x173: {  	v62 =	vor.u32 v1, v8  }
0x174: {  	v63 =	vmul.f32 v11, v10;
	v4 =	vadd.f32 v4, v5;
	_ =	sdelay $0x1  }
0x175: {  	v4 =	vadd.f32 v63, v4  }
0x176: {  	s22 =	simm.s32 $0x10  }
0x177: {  	s25 =	sadd.s32 $0x0, s9;
	s24 =	simm.s32 $0x44C0;
	s1 =	simm.s32 $0x4440;
	[tilespmem:v62+s31+$0x0] =	vst.idx.msk $0xffff, v4  }
.LBB2_10:
0x178: {  	[hbm4b:s25+s2] =	stream.linear.scatter [tilespmem:s1], [sflag:$0x2], $0x40, $0x38;
	[tilespmem:$0x1A400] =	vst v63  }
0x179: {  	s18 =	smov.u32 s22;
	s1 =	smov.u32 s24;
	p0 =	sne.s32 s22, $0x7F0  }
.Ltmp4:
0x17a: {  	s22 =	sadd.s32 $0x10, s22;
	(pc) =	sbr.rel @p0 .LBB2_10-.Ltmp4, $2  }
0x17b: {  	_ =	sdelay $0x2  }
0x17c: {  	s24 =	sadd.s32 $0x80, s24;
	s25 =	sadd.s32 s18, s9  }
0x17d: {  	[hbm4b:s25+s2] =	stream.linear.scatter [tilespmem:s1], [sflag:$0x2], $0x40, $0x38;
	[tilespmem:$0x1A400] =	vst v63  }
0x17e: {  	s1 =	simm.s32 $0x10440  }
0x17f: {  	s22 =	simm.s32 $0x10;
	s25 =	sadd.s32 $0x0, s10;
	s24 =	simm.s32 $0x104C0  }
.LBB2_12:
0x180: {  	[hbm4b:s25+s2] =	stream.linear.scatter [tilespmem:s1], [sflag:$0x2], $0x40, $0x38;
	[tilespmem:$0x1A400] =	vst v63  }
0x181: {  	s18 =	smov.u32 s22;
	s1 =	smov.u32 s24;
	p0 =	sne.s32 s22, $0x7F0  }
.Ltmp5:
0x182: {  	s22 =	sadd.s32 $0x10, s22;
	(pc) =	sbr.rel @p0 .LBB2_12-.Ltmp5, $2  }
0x183: {  	_ =	sdelay $0x2  }
0x184: {  	s24 =	sadd.s32 $0x80, s24;
	s25 =	sadd.s32 s18, s10  }
0x185: {  	[hbm4b:s25+s2] =	stream.linear.scatter [tilespmem:s1], [sflag:$0x2], $0x40, $0x38;
	[tilespmem:$0x1A400] =	vst v63  }
0x186: {  	_ =	swait.ge [sflag:s30], $0x4000  }
0x187: {  	[sflag:s30] =	ssyncset.done $0x0  }
0x188: {  	[sflag:s30] =	ssyncadd.s32 $0xFFFFC000  }
0x189: {  	_ =	swait.ge [sflag:s30], $0x4000  }
0x18a: {  	[sflag:s30] =	ssyncset.done $0x0  }
0x18b: {  	s25 =	simm.s32 $0x0;
	[sflag:s30] =	ssyncadd.s32 $0xFFFFC000  }
0x18c: {  	v4 =	vld [tilespmem:s25+$0x14410]  }
0x18d: {  	v5 =	vld [tilespmem:s25+$0x8400]  }
0x18e: {  	v6 =	vld [tilespmem:s25+$0x8410]  }
0x18f: {  	v7 =	vld [tilespmem:s25+$0x14400]  }
0x190: {  	v8 =	vld [tilespmem:s25+$0x14420]  }
0x191: {  	v9 =	vld [tilespmem:s25+$0x8420]  }
0x192: {  	s24 =	simm.s32 $0x0;
	v10 =	vld [tilespmem:s25+$0x14430]  }
0x193: {  	v12 =	vmov s24;
	v11 =	vld [tilespmem:s25+$0x8430]  }
0x194: {  	v4 =	vmul.f32 v4, v6;
	v5 =	vmul.f32 v7, v5;
	v6 =	vand.u32 $0x7C, v12  }
0x195: {  	v6 =	vbroadcast v6, $0x0  }
0x196: {  	v4 =	vadd.f32 v4, v5;
	v5 =	vmul.f32 v8, v9  }
0x197: {  	v6 =	vor.u32 v2, v6  }
0x198: {  	v4 =	vadd.f32 v5, v4;
	v5 =	vmul.f32 v10, v11;
	_ =	sdelay $0x1  }
0x199: {  	v4 =	vadd.f32 v5, v4;
	_ =	sdelay $0x1  }
0x19a: {  	[tilespmem:v6+s31+$0x0] =	vst.idx.msk $0xffff, v4  }
0x19b: {  	v4 =	vld [tilespmem:s25+$0x8480]  }
0x19c: {  	v5 =	vld [tilespmem:s25+$0x14480]  }
0x19d: {  	v6 =	vld [tilespmem:s25+$0x14490]  }
0x19e: {  	v7 =	vld [tilespmem:s25+$0x8490]  }
0x19f: {  	v8 =	vld [tilespmem:s25+$0x144A0]  }
0x1a0: {  	v56 =	vld [tilespmem:s25+$0x84A0]  }
0x1a1: {  	s28 =	simm.s32 $0x1;
	v57 =	vld [tilespmem:s25+$0x144B0]  }
0x1a2: {  	v59 =	vmov s28;
	v58 =	vld [tilespmem:s25+$0x84B0]  }
0x1a3: {  	v4 =	vmul.f32 v5, v4;
	v5 =	vmul.f32 v6, v7;
	v6 =	vand.u32 $0x7D, v59  }
0x1a4: {  	v6 =	vbroadcast v6, $0x0  }
0x1a5: {  	v4 =	vadd.f32 v5, v4;
	v5 =	vmul.f32 v8, v56  }
0x1a6: {  	v6 =	vor.u32 v2, v6  }
0x1a7: {  	v4 =	vadd.f32 v5, v4;
	v5 =	vmul.f32 v57, v58;
	_ =	sdelay $0x1  }
0x1a8: {  	v4 =	vadd.f32 v5, v4;
	_ =	sdelay $0x1  }
0x1a9: {  	[tilespmem:v6+s31+$0x0] =	vst.idx.msk $0xffff, v4  }
0x1aa: {  	v4 =	vld [tilespmem:s25+$0x8500]  }
0x1ab: {  	v5 =	vld [tilespmem:s25+$0x14500]  }
0x1ac: {  	v6 =	vld [tilespmem:s25+$0x8510]  }
0x1ad: {  	v7 =	vld [tilespmem:s25+$0x14510]  }
0x1ae: {  	v8 =	vld [tilespmem:s25+$0x8520]  }
0x1af: {  	v60 =	vld [tilespmem:s25+$0x14520]  }
0x1b0: {  	s29 =	simm.s32 $0x2;
	v61 =	vld [tilespmem:s25+$0x8530]  }
0x1b1: {  	v63 =	vmov s29;
	v62 =	vld [tilespmem:s25+$0x14530]  }
0x1b2: {  	v4 =	vmul.f32 v5, v4;
	v5 =	vmul.f32 v7, v6;
	v6 =	vand.u32 $0x7E, v63  }
0x1b3: {  	v6 =	vbroadcast v6, $0x0  }
0x1b4: {  	v4 =	vadd.f32 v5, v4;
	v5 =	vmul.f32 v60, v8  }
0x1b5: {  	v6 =	vor.u32 v2, v6  }
0x1b6: {  	v4 =	vadd.f32 v5, v4;
	v5 =	vmul.f32 v62, v61;
	_ =	sdelay $0x1  }
0x1b7: {  	v4 =	vadd.f32 v5, v4;
	_ =	sdelay $0x1  }
0x1b8: {  	[tilespmem:v6+s31+$0x0] =	vst.idx.msk $0xffff, v4  }
0x1b9: {  	v4 =	vld [tilespmem:s25+$0x85A0]  }
0x1ba: {  	v6 =	vld [tilespmem:s25+$0x8580]  }
0x1bb: {  	v5 =	vld [tilespmem:s25+$0x145A0]  }
0x1bc: {  	s26 =	simm.s32 $0x4;
	s1 =	simm.s32 $0x0;
	v7 =	vld [tilespmem:s25+$0x14590]  }
.LBB2_14:
0x1bd: {  	p0 =	slt.u32 s26, $0x7C  }
0x1be: {  	v8 =	vld [tilespmem:s25+$0x14580];
	s24 =	sadd.s32 $0x800, s24;
	s18 =	smov.u32 s26;
	s26 =	sadd.s32 $0x4, s26  }
0x1bf: {  	v9 =	vld [tilespmem:s25+$0x8590]  }
0x1c0: {  	v10 =	vld [tilespmem:s25+$0x85B0]  }
0x1c1: {  	s22 =	sadd.s32 $0x3, s1;
	s1 =	smov.u32 s18;
	v11 =	vld [tilespmem:s25+$0x145B0]  }
0x1c2: {  	v12 =	vmov s22  }
0x1c3: {  	v4 =	vmul.f32 v5, v4;
	v5 =	vand.u32 $0x7F, v12;
	v6 =	vmul.f32 v8, v6  }
0x1c4: {  	v5 =	vbroadcast v5, $0x0;
	v7 =	vmul.f32 v7, v9;
	_ =	sdelay $0x1  }
0x1c5: {  	v5 =	vor.u32 v2, v5;
	v6 =	vadd.f32 v7, v6;
	v7 =	vmul.f32 v11, v10;
	_ =	sdelay $0x1  }
0x1c6: {  	v4 =	vadd.f32 v4, v6;
	_ =	sdelay $0x1  }
0x1c7: {  	v4 =	vadd.f32 v7, v4;
	_ =	sdelay $0x1  }
0x1c8: {  	s25 =	sshra.s32 s24, $0x2;
	[tilespmem:v5+s31+$0x0] =	vst.idx.msk $0xffff, v4  }
0x1c9: {  	v4 =	vld [tilespmem:s25+$0x14410]  }
0x1ca: {  	v5 =	vld [tilespmem:s25+$0x8400]  }
0x1cb: {  	v6 =	vld [tilespmem:s25+$0x8410]  }
0x1cc: {  	v7 =	vld [tilespmem:s25+$0x14400]  }
0x1cd: {  	v8 =	vld [tilespmem:s25+$0x14420]  }
0x1ce: {  	v9 =	vld [tilespmem:s25+$0x8420]  }
0x1cf: {  	v10 =	vld [tilespmem:s25+$0x14430]  }
0x1d0: {  	v11 =	vmov s1;
	v4 =	vmul.f32 v4, v6;
	v6 =	vld [tilespmem:s25+$0x8430]  }
0x1d1: {  	v5 =	vmul.f32 v7, v5;
	v7 =	vand.u32 $0x7C, v11  }
0x1d2: {  	v7 =	vbroadcast v7, $0x0  }
0x1d3: {  	v4 =	vadd.f32 v4, v5;
	v5 =	vmul.f32 v8, v9  }
0x1d4: {  	v7 =	vor.u32 v2, v7  }
0x1d5: {  	v4 =	vadd.f32 v5, v4;
	v5 =	vmul.f32 v10, v6;
	_ =	sdelay $0x1  }
0x1d6: {  	v4 =	vadd.f32 v5, v4;
	_ =	sdelay $0x1  }
0x1d7: {  	[tilespmem:v7+s31+$0x0] =	vst.idx.msk $0xffff, v4  }
0x1d8: {  	v4 =	vld [tilespmem:s25+$0x8480]  }
0x1d9: {  	v5 =	vld [tilespmem:s25+$0x14480]  }
0x1da: {  	v6 =	vld [tilespmem:s25+$0x14490]  }
0x1db: {  	v7 =	vld [tilespmem:s25+$0x8490]  }
0x1dc: {  	v8 =	vld [tilespmem:s25+$0x144A0]  }
0x1dd: {  	v9 =	vld [tilespmem:s25+$0x84A0]  }
0x1de: {  	s18 =	sadd.s32 $0x1, s1;
	v4 =	vmul.f32 v5, v4;
	v5 =	vld [tilespmem:s25+$0x144B0]  }
0x1df: {  	v11 =	vmov s18;
	v10 =	vld [tilespmem:s25+$0x84B0]  }
0x1e0: {  	v6 =	vmul.f32 v6, v7;
	v7 =	vand.u32 $0x7D, v11  }
0x1e1: {  	v7 =	vbroadcast v7, $0x0  }
0x1e2: {  	v4 =	vadd.f32 v6, v4;
	v6 =	vmul.f32 v8, v9  }
0x1e3: {  	v7 =	vor.u32 v2, v7  }
0x1e4: {  	v4 =	vadd.f32 v6, v4;
	v5 =	vmul.f32 v5, v10;
	_ =	sdelay $0x1  }
0x1e5: {  	v4 =	vadd.f32 v5, v4;
	_ =	sdelay $0x1  }
0x1e6: {  	[tilespmem:v7+s31+$0x0] =	vst.idx.msk $0xffff, v4  }
0x1e7: {  	v4 =	vld [tilespmem:s25+$0x8500]  }
0x1e8: {  	v5 =	vld [tilespmem:s25+$0x14500]  }
0x1e9: {  	v6 =	vld [tilespmem:s25+$0x8510]  }
0x1ea: {  	v7 =	vld [tilespmem:s25+$0x14510]  }
0x1eb: {  	v8 =	vld [tilespmem:s25+$0x8520]  }
0x1ec: {  	v9 =	vld [tilespmem:s25+$0x14520]  }
0x1ed: {  	s18 =	sadd.s32 $0x2, s1;
	v4 =	vmul.f32 v5, v4;
	v5 =	vld [tilespmem:s25+$0x8530]  }
0x1ee: {  	v11 =	vmov s18;
	v10 =	vld [tilespmem:s25+$0x14530]  }
0x1ef: {  	v6 =	vmul.f32 v7, v6;
	v7 =	vand.u32 $0x7E, v11  }
0x1f0: {  	v7 =	vbroadcast v7, $0x0  }
0x1f1: {  	v4 =	vadd.f32 v6, v4;
	v6 =	vmul.f32 v9, v8  }
0x1f2: {  	v7 =	vor.u32 v2, v7  }
0x1f3: {  	v4 =	vadd.f32 v6, v4;
	v5 =	vmul.f32 v10, v5;
	_ =	sdelay $0x1  }
0x1f4: {  	v4 =	vadd.f32 v5, v4;
	_ =	sdelay $0x1  }
.Ltmp6:
0x1f5: {  	[tilespmem:v7+s31+$0x0] =	vst.idx.msk $0xffff, v4;
	(pc) =	sbr.rel @p0 .LBB2_14-.Ltmp6, $4  }
0x1f6: {  	v4 =	vld [tilespmem:s25+$0x85A0]  }
0x1f7: {  	v6 =	vld [tilespmem:s25+$0x8580]  }
0x1f8: {  	v5 =	vld [tilespmem:s25+$0x145A0]  }
0x1f9: {  	v7 =	vld [tilespmem:s25+$0x14590]  }
0x1fa: {  	v8 =	vld [tilespmem:s25+$0x14580]  }
0x1fb: {  	v9 =	vld [tilespmem:s25+$0x8590];
	_ =	sdelay $0x2  }
0x1fc: {  	v10 =	vld [tilespmem:s25+$0x85B0];
	s1 =	sadd.s32 $0x3, s1  }
0x1fd: {  	v11 =	vld [tilespmem:s25+$0x145B0];
	v12 =	vmov s1  }
0x1fe: {  	v61 =	vand.u32 $0x7F, v12;
	v6 =	vmul.f32 v8, v6;
	v7 =	vmul.f32 v7, v9  }
0x1ff: {  	v8 =	vbroadcast v61, $0x0  }
0x200: {  	v4 =	vmul.f32 v5, v4;
	v5 =	vadd.f32 v7, v6  }
0x201: {  	v62 =	vor.u32 v2, v8  }
0x202: {  	v63 =	vmul.f32 v11, v10;
	v4 =	vadd.f32 v4, v5;
	_ =	sdelay $0x1  }
0x203: {  	v4 =	vadd.f32 v63, v4  }
0x204: {  	s22 =	simm.s32 $0x10  }
0x205: {  	s25 =	sadd.s32 $0x0, s11;
	s24 =	simm.s32 $0x84C0;
	s1 =	simm.s32 $0x8440;
	[tilespmem:v62+s31+$0x0] =	vst.idx.msk $0xffff, v4  }
.LBB2_16:
0x206: {  	[hbm4b:s25+s2] =	stream.linear.scatter [tilespmem:s1], [sflag:$0x2], $0x40, $0x38;
	[tilespmem:$0x1A400] =	vst v63  }
0x207: {  	s18 =	smov.u32 s22;
	s1 =	smov.u32 s24;
	p0 =	sne.s32 s22, $0x7F0  }
.Ltmp7:
0x208: {  	s22 =	sadd.s32 $0x10, s22;
	(pc) =	sbr.rel @p0 .LBB2_16-.Ltmp7, $2  }
0x209: {  	_ =	sdelay $0x2  }
0x20a: {  	s24 =	sadd.s32 $0x80, s24;
	s25 =	sadd.s32 s18, s11  }
0x20b: {  	[hbm4b:s25+s2] =	stream.linear.scatter [tilespmem:s1], [sflag:$0x2], $0x40, $0x38;
	[tilespmem:$0x1A400] =	vst v63  }
0x20c: {  	s1 =	simm.s32 $0x14440  }
0x20d: {  	s22 =	simm.s32 $0x10;
	s25 =	sadd.s32 $0x0, s12;
	s24 =	simm.s32 $0x144C0  }
.LBB2_18:
0x20e: {  	[hbm4b:s25+s2] =	stream.linear.scatter [tilespmem:s1], [sflag:$0x2], $0x40, $0x38;
	[tilespmem:$0x1A400] =	vst v63  }
0x20f: {  	s18 =	smov.u32 s22;
	s1 =	smov.u32 s24;
	p0 =	sne.s32 s22, $0x7F0  }
.Ltmp8:
0x210: {  	s22 =	sadd.s32 $0x10, s22;
	(pc) =	sbr.rel @p0 .LBB2_18-.Ltmp8, $2  }
0x211: {  	_ =	sdelay $0x2  }
0x212: {  	s24 =	sadd.s32 $0x80, s24;
	s25 =	sadd.s32 s18, s12  }
0x213: {  	[hbm4b:s25+s2] =	stream.linear.scatter [tilespmem:s1], [sflag:$0x2], $0x40, $0x38;
	[tilespmem:$0x1A400] =	vst v63  }
0x214: {  	_ =	swait.ge [sflag:s30], $0x4000  }
0x215: {  	[sflag:s30] =	ssyncset.done $0x0  }
0x216: {  	[sflag:s30] =	ssyncadd.s32 $0xFFFFC000  }
0x217: {  	_ =	swait.ge [sflag:s30], $0x4000  }
0x218: {  	[sflag:s30] =	ssyncset.done $0x0  }
0x219: {  	s26 =	simm.s32 $0x500;
	[sflag:s30] =	ssyncadd.s32 $0xFFFFC000  }
0x21a: {  	s22 =	simm.s32 $0xC500;
	v4 =	vld [tilespmem:s26+$0xFFFFFF00]  }
0x21b: {  	v5 =	vld [tilespmem:s22+$0xFFFFFF10]  }
0x21c: {  	v6 =	vld [tilespmem:s26+$0xFFFFFF10]  }
0x21d: {  	v7 =	vld [tilespmem:s22+$0xFFFFFF00]  }
0x21e: {  	v8 =	vld [tilespmem:s22+$0xFFFFFF20]  }
0x21f: {  	v9 =	vld [tilespmem:s26+$0xFFFFFF20]  }
0x220: {  	s18 =	simm.s32 $0x0;
	v10 =	vld [tilespmem:s22+$0xFFFFFF30]  }
0x221: {  	v12 =	vmov s18;
	v11 =	vld [tilespmem:s26+$0xFFFFFF30]  }
0x222: {  	v4 =	vmul.f32 v7, v4;
	v5 =	vmul.f32 v5, v6;
	v6 =	vand.u32 $0x7C, v12  }
0x223: {  	v6 =	vbroadcast v6, $0x0  }
0x224: {  	v4 =	vadd.f32 v5, v4;
	v5 =	vmul.f32 v8, v9  }
0x225: {  	v6 =	vor.u32 v3, v6  }
0x226: {  	v4 =	vadd.f32 v5, v4;
	v5 =	vmul.f32 v10, v11;
	_ =	sdelay $0x1  }
0x227: {  	v4 =	vadd.f32 v5, v4;
	_ =	sdelay $0x1  }
0x228: {  	[tilespmem:v6+s31+$0x0] =	vst.idx.msk $0xffff, v4  }
0x229: {  	v4 =	vld [tilespmem:s26+$0xFFFFFF80]  }
0x22a: {  	v5 =	vld [tilespmem:s22+$0xFFFFFF90]  }
0x22b: {  	v6 =	vld [tilespmem:s26+$0xFFFFFF90]  }
0x22c: {  	v7 =	vld [tilespmem:s22+$0xFFFFFF80]  }
0x22d: {  	v8 =	vld [tilespmem:s22+$0xFFFFFFA0]  }
0x22e: {  	v52 =	vld [tilespmem:s26+$0xFFFFFFA0]  }
0x22f: {  	s24 =	simm.s32 $0x1;
	v53 =	vld [tilespmem:s22+$0xFFFFFFB0]  }
0x230: {  	v55 =	vmov s24;
	v54 =	vld [tilespmem:s26+$0xFFFFFFB0]  }
0x231: {  	v5 =	vmul.f32 v5, v6;
	v4 =	vmul.f32 v7, v4;
	v6 =	vand.u32 $0x7D, v55  }
0x232: {  	v6 =	vbroadcast v6, $0x0  }
0x233: {  	v4 =	vadd.f32 v5, v4;
	v5 =	vmul.f32 v8, v52  }
0x234: {  	v6 =	vor.u32 v3, v6  }
0x235: {  	v4 =	vadd.f32 v5, v4;
	v5 =	vmul.f32 v53, v54;
	_ =	sdelay $0x1  }
0x236: {  	v4 =	vadd.f32 v5, v4;
	_ =	sdelay $0x1  }
0x237: {  	[tilespmem:v6+s31+$0x0] =	vst.idx.msk $0xffff, v4  }
0x238: {  	v4 =	vld [tilespmem:s26+$0x0]  }
0x239: {  	v5 =	vld [tilespmem:s22+$0x10]  }
0x23a: {  	v6 =	vld [tilespmem:s22+$0x0]  }
0x23b: {  	v7 =	vld [tilespmem:s26+$0x10]  }
0x23c: {  	v8 =	vld [tilespmem:s22+$0x20]  }
0x23d: {  	v56 =	vld [tilespmem:s26+$0x20]  }
0x23e: {  	s25 =	simm.s32 $0x2;
	v57 =	vld [tilespmem:s22+$0x30]  }
0x23f: {  	v59 =	vmov s25;
	v58 =	vld [tilespmem:s26+$0x30]  }
0x240: {  	v4 =	vmul.f32 v6, v4;
	v5 =	vmul.f32 v5, v7;
	v6 =	vand.u32 $0x7E, v59  }
0x241: {  	v6 =	vbroadcast v6, $0x0  }
0x242: {  	v4 =	vadd.f32 v5, v4;
	v5 =	vmul.f32 v8, v56  }
0x243: {  	v6 =	vor.u32 v3, v6  }
0x244: {  	v4 =	vadd.f32 v5, v4;
	v5 =	vmul.f32 v57, v58;
	_ =	sdelay $0x1  }
0x245: {  	v4 =	vadd.f32 v5, v4;
	_ =	sdelay $0x1  }
0x246: {  	[tilespmem:v6+s31+$0x0] =	vst.idx.msk $0xffff, v4  }
0x247: {  	v4 =	vld [tilespmem:s26+$0x80]  }
0x248: {  	v5 =	vld [tilespmem:s22+$0x90]  }
0x249: {  	v6 =	vld [tilespmem:s22+$0x80]  }
0x24a: {  	v7 =	vld [tilespmem:s26+$0x90]  }
0x24b: {  	v8 =	vld [tilespmem:s26+$0xA0]  }
0x24c: {  	v60 =	vld [tilespmem:s22+$0xA0]  }
0x24d: {  	v61 =	vld [tilespmem:s26+$0xB0];
	s26 =	simm.s32 $0x3  }
0x24e: {  	v62 =	vld [tilespmem:s22+$0xB0];
	v63 =	vmov s26  }
0x24f: {  	v4 =	vmul.f32 v6, v4;
	v5 =	vmul.f32 v5, v7;
	v6 =	vand.u32 $0x7F, v63  }
0x250: {  	v6 =	vbroadcast v6, $0x0  }
0x251: {  	v7 =	vmul.f32 v60, v8;
	v8 =	vadd.f32 v5, v4  }
0x252: {  	s28 =	simm.s32 $0xC700;
	s29 =	simm.s32 $0x700;
	s1 =	simm.s32 $0x8;
	v4 =	vor.u32 v3, v6  }
0x253: {  	s24 =	simm.s32 $0x4;
	s25 =	simm.s32 $0x700;
	s26 =	simm.s32 $0xC700;
	v5 =	vmul.f32 v62, v61;
	v6 =	vadd.f32 v7, v8  }
.LBB2_20:
0x254: {  	p0 =	slt.u32 s1, $0x7C;
	s28 =	sadd.s32 $0x200, s28;
	s29 =	sadd.s32 $0x200, s29  }
0x255: {  	s22 =	smov.u32 s1;
	s1 =	sadd.s32 $0x4, s1;
	v5 =	vadd.f32 v5, v6;
	_ =	sdelay $0x1  }
0x256: {  	[tilespmem:v4+s31+$0x0] =	vst.idx.msk $0xffff, v5;
	_ =	sdelay $0x1  }
0x257: {  	v4 =	vld [tilespmem:s25+$0xFFFFFF00]  }
0x258: {  	v5 =	vld [tilespmem:s26+$0xFFFFFF10]  }
0x259: {  	v6 =	vld [tilespmem:s25+$0xFFFFFF10]  }
0x25a: {  	v7 =	vld [tilespmem:s26+$0xFFFFFF00]  }
0x25b: {  	v8 =	vld [tilespmem:s26+$0xFFFFFF20]  }
0x25c: {  	v9 =	vld [tilespmem:s25+$0xFFFFFF20]  }
0x25d: {  	v10 =	vld [tilespmem:s26+$0xFFFFFF30]  }
0x25e: {  	v12 =	vmov s24;
	v11 =	vld [tilespmem:s25+$0xFFFFFF30]  }
0x25f: {  	v5 =	vmul.f32 v5, v6;
	v6 =	vand.u32 $0x7C, v12;
	v4 =	vmul.f32 v7, v4  }
0x260: {  	v6 =	vbroadcast v6, $0x0  }
0x261: {  	v4 =	vadd.f32 v5, v4;
	v5 =	vmul.f32 v8, v9  }
0x262: {  	v6 =	vor.u32 v3, v6  }
0x263: {  	v4 =	vadd.f32 v5, v4;
	v5 =	vmul.f32 v10, v11;
	_ =	sdelay $0x1  }
0x264: {  	v4 =	vadd.f32 v5, v4;
	_ =	sdelay $0x1  }
0x265: {  	[tilespmem:v6+s31+$0x0] =	vst.idx.msk $0xffff, v4  }
0x266: {  	v4 =	vld [tilespmem:s25+$0xFFFFFF80]  }
0x267: {  	v5 =	vld [tilespmem:s26+$0xFFFFFF90]  }
0x268: {  	v6 =	vld [tilespmem:s25+$0xFFFFFF90]  }
0x269: {  	v7 =	vld [tilespmem:s26+$0xFFFFFF80]  }
0x26a: {  	v8 =	vld [tilespmem:s26+$0xFFFFFFA0]  }
0x26b: {  	v9 =	vld [tilespmem:s25+$0xFFFFFFA0]  }
0x26c: {  	s18 =	sadd.s32 $0x1, s24;
	v10 =	vld [tilespmem:s26+$0xFFFFFFB0]  }
0x26d: {  	v11 =	vmov s18;
	v5 =	vmul.f32 v5, v6;
	v6 =	vld [tilespmem:s25+$0xFFFFFFB0]  }
0x26e: {  	v4 =	vmul.f32 v7, v4;
	v7 =	vand.u32 $0x7D, v11  }
0x26f: {  	v7 =	vbroadcast v7, $0x0  }
0x270: {  	v4 =	vadd.f32 v5, v4;
	v5 =	vmul.f32 v8, v9  }
0x271: {  	v7 =	vor.u32 v3, v7  }
0x272: {  	v4 =	vadd.f32 v5, v4;
	v5 =	vmul.f32 v10, v6;
	_ =	sdelay $0x1  }
0x273: {  	v4 =	vadd.f32 v5, v4;
	_ =	sdelay $0x1  }
0x274: {  	[tilespmem:v7+s31+$0x0] =	vst.idx.msk $0xffff, v4  }
0x275: {  	v4 =	vld [tilespmem:s25+$0x0]  }
0x276: {  	v5 =	vld [tilespmem:s26+$0x10]  }
0x277: {  	v6 =	vld [tilespmem:s26+$0x0]  }
0x278: {  	v7 =	vld [tilespmem:s25+$0x10]  }
0x279: {  	v8 =	vld [tilespmem:s26+$0x20]  }
0x27a: {  	v9 =	vld [tilespmem:s25+$0x20]  }
0x27b: {  	s18 =	sadd.s32 $0x2, s24;
	v10 =	vld [tilespmem:s26+$0x30]  }
0x27c: {  	v11 =	vmov s18;
	v4 =	vmul.f32 v6, v4;
	v6 =	vld [tilespmem:s25+$0x30]  }
0x27d: {  	v5 =	vmul.f32 v5, v7;
	v7 =	vand.u32 $0x7E, v11  }
0x27e: {  	v7 =	vbroadcast v7, $0x0  }
0x27f: {  	v4 =	vadd.f32 v5, v4;
	v5 =	vmul.f32 v8, v9  }
0x280: {  	v7 =	vor.u32 v3, v7  }
0x281: {  	v4 =	vadd.f32 v5, v4;
	v5 =	vmul.f32 v10, v6;
	_ =	sdelay $0x1  }
0x282: {  	v4 =	vadd.f32 v5, v4;
	_ =	sdelay $0x1  }
0x283: {  	[tilespmem:v7+s31+$0x0] =	vst.idx.msk $0xffff, v4  }
0x284: {  	v4 =	vld [tilespmem:s25+$0xA0]  }
0x285: {  	v5 =	vld [tilespmem:s25+$0x80]  }
0x286: {  	v6 =	vld [tilespmem:s26+$0xA0]  }
0x287: {  	v7 =	vld [tilespmem:s26+$0x90]  }
0x288: {  	v8 =	vld [tilespmem:s26+$0x80]  }
0x289: {  	v9 =	vld [tilespmem:s25+$0x90]  }
0x28a: {  	v10 =	vld [tilespmem:s25+$0xB0];
	s25 =	smov.u32 s29  }
0x28b: {  	s18 =	sadd.s32 $0x3, s24;
	s24 =	smov.u32 s22;
	v11 =	vld [tilespmem:s26+$0xB0];
	s26 =	smov.u32 s28  }
0x28c: {  	v12 =	vmov s18  }
0x28d: {  	v6 =	vmul.f32 v6, v4;
	v4 =	vand.u32 $0x7F, v12;
	v5 =	vmul.f32 v8, v5  }
.Ltmp9:
0x28e: {  	v4 =	vbroadcast v4, $0x0;
	v7 =	vmul.f32 v7, v9;
	(pc) =	sbr.rel @p0 .LBB2_20-.Ltmp9, $3  }
0x28f: {  	_ = 	snop  }
0x290: {  	v4 =	vor.u32 v3, v4;
	v7 =	vadd.f32 v7, v5;
	v5 =	vmul.f32 v11, v10;
	_ =	sdelay $0x1  }
0x291: {  	v6 =	vadd.f32 v6, v7  }
0x292: {  	_ =	sdelay $0x1  }
0x293: {  	v5 =	vadd.f32 v5, v6;
	_ =	sdelay $0x1  }
0x294: {  	[tilespmem:v4+s31+$0x0] =	vst.idx.msk $0xffff, v5  }
0x295: {  	v4 =	vld [tilespmem:s25+$0xFFFFFF00]  }
0x296: {  	v5 =	vld [tilespmem:s26+$0xFFFFFF10]  }
0x297: {  	v39 =	vld [tilespmem:s25+$0xFFFFFF10]  }
0x298: {  	v7 =	vld [tilespmem:s26+$0xFFFFFF00]  }
0x299: {  	v8 =	vld [tilespmem:s26+$0xFFFFFF20]  }
0x29a: {  	v9 =	vld [tilespmem:s25+$0xFFFFFF20]  }
0x29b: {  	v10 =	vld [tilespmem:s26+$0xFFFFFF30]  }
0x29c: {  	v12 =	vmov s24;
	v11 =	vld [tilespmem:s25+$0xFFFFFF30]  }
0x29d: {  	v40 =	vand.u32 $0x7C, v12;
	v4 =	vmul.f32 v7, v4;
	v5 =	vmul.f32 v5, v39  }
0x29e: {  	v6 =	vbroadcast v40, $0x0  }
0x29f: {  	v4 =	vadd.f32 v5, v4;
	v5 =	vmul.f32 v8, v9  }
0x2a0: {  	v6 =	vor.u32 v3, v6  }
0x2a1: {  	v4 =	vadd.f32 v5, v4;
	v5 =	vmul.f32 v10, v11;
	_ =	sdelay $0x1  }
0x2a2: {  	v4 =	vadd.f32 v5, v4;
	_ =	sdelay $0x1  }
0x2a3: {  	[tilespmem:v6+s31+$0x0] =	vst.idx.msk $0xffff, v4  }
0x2a4: {  	v4 =	vld [tilespmem:s25+$0xFFFFFF80]  }
0x2a5: {  	v5 =	vld [tilespmem:s26+$0xFFFFFF90]  }
0x2a6: {  	v6 =	vld [tilespmem:s25+$0xFFFFFF90]  }
0x2a7: {  	v41 =	vld [tilespmem:s26+$0xFFFFFF80]  }
0x2a8: {  	v42 =	vld [tilespmem:s26+$0xFFFFFFA0]  }
0x2a9: {  	v43 =	vld [tilespmem:s25+$0xFFFFFFA0]  }
0x2aa: {  	s1 =	sadd.s32 $0x1, s24;
	v44 =	vld [tilespmem:s26+$0xFFFFFFB0]  }
0x2ab: {  	v46 =	vmov s1;
	v45 =	vld [tilespmem:s25+$0xFFFFFFB0]  }
0x2ac: {  	v47 =	vand.u32 $0x7D, v46;
	v5 =	vmul.f32 v5, v6;
	v4 =	vmul.f32 v41, v4  }
0x2ad: {  	v6 =	vbroadcast v47, $0x0  }
0x2ae: {  	v4 =	vadd.f32 v5, v4;
	v5 =	vmul.f32 v42, v43  }
0x2af: {  	v6 =	vor.u32 v3, v6  }
0x2b0: {  	v4 =	vadd.f32 v5, v4;
	v5 =	vmul.f32 v44, v45;
	_ =	sdelay $0x1  }
0x2b1: {  	v4 =	vadd.f32 v5, v4;
	_ =	sdelay $0x1  }
0x2b2: {  	[tilespmem:v6+s31+$0x0] =	vst.idx.msk $0xffff, v4  }
0x2b3: {  	v4 =	vld [tilespmem:s25+$0x0]  }
0x2b4: {  	v5 =	vld [tilespmem:s26+$0x10]  }
0x2b5: {  	v6 =	vld [tilespmem:s26+$0x0]  }
0x2b6: {  	v48 =	vld [tilespmem:s25+$0x10]  }
0x2b7: {  	v49 =	vld [tilespmem:s26+$0x20]  }
0x2b8: {  	v50 =	vld [tilespmem:s25+$0x20]  }
0x2b9: {  	s28 =	sadd.s32 $0x2, s24;
	v51 =	vld [tilespmem:s26+$0x30]  }
0x2ba: {  	v53 =	vmov s28;
	v52 =	vld [tilespmem:s25+$0x30]  }
0x2bb: {  	v54 =	vand.u32 $0x7E, v53;
	v4 =	vmul.f32 v6, v4;
	v5 =	vmul.f32 v5, v48  }
0x2bc: {  	v6 =	vbroadcast v54, $0x0  }
0x2bd: {  	v4 =	vadd.f32 v5, v4;
	v5 =	vmul.f32 v49, v50  }
0x2be: {  	v6 =	vor.u32 v3, v6  }
0x2bf: {  	v4 =	vadd.f32 v5, v4;
	v5 =	vmul.f32 v51, v52;
	_ =	sdelay $0x1  }
0x2c0: {  	v4 =	vadd.f32 v5, v4;
	_ =	sdelay $0x1  }
0x2c1: {  	[tilespmem:v6+s31+$0x0] =	vst.idx.msk $0xffff, v4  }
0x2c2: {  	v4 =	vld [tilespmem:s25+$0x80]  }
0x2c3: {  	v5 =	vld [tilespmem:s26+$0x90]  }
0x2c4: {  	v6 =	vld [tilespmem:s26+$0x80]  }
0x2c5: {  	v55 =	vld [tilespmem:s25+$0x90]  }
0x2c6: {  	v56 =	vld [tilespmem:s25+$0xA0]  }
0x2c7: {  	v57 =	vld [tilespmem:s26+$0xA0]  }
0x2c8: {  	s29 =	sadd.s32 $0x3, s24;
	v58 =	vld [tilespmem:s25+$0xB0]  }
0x2c9: {  	v60 =	vmov s29;
	v59 =	vld [tilespmem:s26+$0xB0]  }
0x2ca: {  	v61 =	vand.u32 $0x7F, v60;
	v4 =	vmul.f32 v6, v4;
	v5 =	vmul.f32 v5, v55  }
0x2cb: {  	v6 =	vbroadcast v61, $0x0  }
0x2cc: {  	v62 =	vmul.f32 v57, v56;
	v4 =	vadd.f32 v5, v4  }
0x2cd: {  	v5 =	vor.u32 v3, v6  }
0x2ce: {  	v63 =	vmul.f32 v59, v58;
	v4 =	vadd.f32 v62, v4;
	_ =	sdelay $0x1  }
0x2cf: {  	v4 =	vadd.f32 v63, v4  }
0x2d0: {  	s22 =	simm.s32 $0x10  }
0x2d1: {  	s24 =	simm.s32 $0x4C0;
	s1 =	simm.s32 $0x440;
	s25 =	sadd.s32 $0x0, s13;
	[tilespmem:v5+s31+$0x0] =	vst.idx.msk $0xffff, v4  }
.LBB2_22:
0x2d2: {  	[hbm4b:s25+s2] =	stream.linear.scatter [tilespmem:s1], [sflag:$0x2], $0x40, $0x38;
	[tilespmem:$0x1A400] =	vst v63  }
0x2d3: {  	s18 =	smov.u32 s22;
	s1 =	smov.u32 s24;
	p0 =	sne.s32 s22, $0x7F0  }
.Ltmp10:
0x2d4: {  	s22 =	sadd.s32 $0x10, s22;
	(pc) =	sbr.rel @p0 .LBB2_22-.Ltmp10, $2  }
0x2d5: {  	_ =	sdelay $0x2  }
0x2d6: {  	s24 =	sadd.s32 $0x80, s24;
	s25 =	sadd.s32 s18, s13  }
0x2d7: {  	[hbm4b:s25+s2] =	stream.linear.scatter [tilespmem:s1], [sflag:$0x2], $0x40, $0x38;
	[tilespmem:$0x1A400] =	vst v63  }
0x2d8: {  	s1 =	simm.s32 $0xC440  }
0x2d9: {  	s22 =	simm.s32 $0x10;
	s25 =	sadd.s32 $0x0, s14;
	s24 =	simm.s32 $0xC4C0  }
.LBB2_24:
0x2da: {  	[hbm4b:s25+s2] =	stream.linear.scatter [tilespmem:s1], [sflag:$0x2], $0x40, $0x38;
	[tilespmem:$0x1A400] =	vst v63  }
0x2db: {  	s18 =	smov.u32 s22;
	s1 =	smov.u32 s24;
	p0 =	sne.s32 s22, $0x7F0  }
.Ltmp11:
0x2dc: {  	s22 =	sadd.s32 $0x10, s22;
	(pc) =	sbr.rel @p0 .LBB2_24-.Ltmp11, $2  }
0x2dd: {  	_ =	sdelay $0x2  }
0x2de: {  	s24 =	sadd.s32 $0x80, s24;
	s25 =	sadd.s32 s18, s14  }
0x2df: {  	[hbm4b:s25+s2] =	stream.linear.scatter [tilespmem:s1], [sflag:$0x2], $0x40, $0x38;
	[tilespmem:$0x1A400] =	vst v63  }
0x2e0: {  	_ = 	snop  }
0x2e1: {  	[hbm4b:s15+s2] =	stream.linear.scatter [tilespmem:s31], [sflag:$0x2], $0x2000, $0x38;
	[tilespmem:$0x1A400] =	vst v63  }
0x2e2: {  	_ =	swait.ge [sflag:s0], $0x2000  }
0x2e3: {  	[sflag:s0] =	ssyncset.done $0x0  }
0x2e4: {  	[sflag:s0] =	ssyncadd.s32 $0xFFFFE000  }
0x2e5: {  	_ =	swait.ge [sflag:s0], $0x2000  }
0x2e6: {  	[sflag:s0] =	ssyncset.done $0x0  }
0x2e7: {  	[sflag:s0] =	ssyncadd.s32 $0xFFFFE000  }
0x2e8: {  	_ =	swait.ge [sflag:s0], $0x2000  }
0x2e9: {  	[sflag:s0] =	ssyncset.done $0x0  }
0x2ea: {  	[sflag:s0] =	ssyncadd.s32 $0xFFFFE000  }
0x2eb: {  	_ =	swait.ge [sflag:s0], $0x2000  }
0x2ec: {  	[sflag:s0] =	ssyncset.done $0x0  }
0x2ed: {  	[sflag:s0] =	ssyncadd.s32 $0xFFFFE000  }
0x2ee: {  	_ =	swait.ge [sflag:s0], $0x2000  }
0x2ef: {  	[sflag:s0] =	ssyncset.done $0x0  }
0x2f0: {  	s23 =	sadd.s32 $0x1, s23;
	[sflag:s0] =	ssyncadd.s32 $0xFFFFE000  }
0x2f1: {  	p0 =	sne.s32 s23, s16;
	_ =	swait.ge [sflag:s0], $0x2000  }
.Ltmp12:
0x2f2: {  	[sflag:s0] =	ssyncset.done $0x0;
	(pc) =	sbr.rel @p0 .LBB2_1-.Ltmp12, $4  }
0x2f3: {  	[sflag:s0] =	ssyncadd.s32 $0xFFFFE000  }
0x2f4: {  	_ =	swait.ge [sflag:s0], $0x2000  }
0x2f5: {  	[sflag:s0] =	ssyncset.done $0x0  }
0x2f6: {  	[sflag:s0] =	ssyncadd.s32 $0xFFFFE000  }
0x2f7: {  	_ =	sfence.sel $0x180000  }
0x2f8: {  	[bflag:$0x0] =	sbarrier.arrive $0xFFFF  }
0x2f9: {  	_ =	strace $0x90000047  }
0x2fa: {  	s0 =	stileid.u32;
	[bflag:$0x2] =	sbarrier.arrive $0xFFFF  }
0x2fb: {  	p0 =	sne.s32 s0, $0x0;
	s0 =	rddreg [dreg:$0x3]  }
0x2fc: {  	s0 =	sadd.s32 @!p0 $0x100000, s0  }
0x2fd: {  	[sflag:s0] =	ssyncadd.tile.s32 @!p0 $0x1;
	_ =	shalt  }
.Lfunc_end2:
_tile_overlayer_lowered:
.L_overlay_start_2:
0x2fe: {  	(tag) =	ssettag $0x2  }
0x2ff: {  	s0 =	rddreg [dreg:$0x0];
	s2 =	stileid.u32  }
0x300: {  	s1 =	rddreg [dreg:$0x1];
	p0 =	sne.s32 s2, $0x0  }
0x301: {  	s3 =	rddreg [dreg:$0x2];
	[bflag:$0x3] =	sbarrier.arrive $0xFFFF;
	s2 =	simm.s32 @!p0 $0x1C03  }
0x302: {  	[timem:s3], [sflag:s2] =	dma.local @!p0 [hbm:s0], s1  }
0x303: {  	s0 =	simm.s32 @!p0 $0x3  }
0x304: {  	_ =	swait.ge @!p0 [sflag:s0], s1  }
0x305: {  	s1 =	ssub.s32 @!p0 $0x0, s1;
	[sflag:s0] =	ssyncset.done @!p0 $0x0  }
0x306: {  	[sflag:s0] =	ssyncadd.s32 @!p0 s1  }
0x307: {  	[bflag:$0x3] =	sbarrier.arrive $0xFFFF  }
0x308: {  	_ =	shalt  }

</sc_bundles>
